<compile_context>
chip_gen: v7x
topology: tpu7x:2x2x1
jax: 0.10.2.dev20260603
libtpu: 0.0.44.dev20260713+nightly
codegen_flags: <defaults>
</compile_context>

<pallas_src>
import functools

import jax
import jax.numpy as jnp
from jax import lax
from jax.experimental import pallas as pl
from jax.experimental.pallas import tpu as pltpu
from jax.experimental.pallas import tpu_sc as plsc

N_NODES = 10000
IN_CH = 128
HID1 = 128
HID2 = 64
OUT_CH = 128
N_EDGES = 320000
EPS = 1e-12

NC = 2
NS = 16
NW = NC * NS
NPAD = 10240
RPT = NPAD // NW
RPC = NPAD // NS
EPT = N_EDGES // NW
K = 125
NCHUNK = EPT // K
DEGW = 16
BLK = 1024
GRID = -(-N_NODES // BLK)


def _mesh():
    return plsc.VectorSubcoreMesh(core_axis_name="c", subcore_axis_name="s")


@functools.partial(
    pl.kernel,
    out_type=jax.ShapeDtypeStruct((NC, NPAD, DEGW), jnp.float32),
    mesh=_mesh(),
    scratch_types=[
        pltpu.VMEM((NCHUNK, K), jnp.int32),
        pltpu.VMEM((K, DEGW), jnp.float32),
        pltpu.VMEM_SHARED((NPAD, DEGW), jnp.float32),
    ],
    compiler_params=pltpu.CompilerParams(use_tc_tiling_on_sc=False),
)
def _deg_kernel(dst_hbm, ones_hbm, zero_hbm, out_hbm, dst_v, ones_v, acc_sh):
    cid = lax.axis_index("c")
    sid = lax.axis_index("s")
    wid = sid * NC + cid
    pltpu.sync_copy(dst_hbm.at[wid], dst_v)
    pltpu.sync_copy(ones_hbm, ones_v)
    pltpu.sync_copy(zero_hbm, acc_sh.at[pl.ds(sid * RPC, RPC)])
    plsc.subcore_barrier()

    def body(j, carry):
        pltpu.sync_copy(ones_v, acc_sh.at[dst_v.at[j]], add=True)
        return carry

    lax.fori_loop(0, NCHUNK, body, 0)
    plsc.subcore_barrier()
    pltpu.sync_copy(acc_sh.at[pl.ds(sid * RPC, RPC)],
                    out_hbm.at[cid, pl.ds(sid * RPC, RPC)])


NB = 4


def _make_mp_kernel(C):
    @functools.partial(
        pl.kernel,
        out_type=jax.ShapeDtypeStruct((NC, NPAD, C), jnp.bfloat16),
        mesh=_mesh(),
        scratch_types=[
            pltpu.VMEM((NCHUNK, K), jnp.int32),
            pltpu.VMEM((NCHUNK, K), jnp.int32),
            [pltpu.VMEM((K, C), jnp.bfloat16)] * NB,
            pltpu.VMEM_SHARED((NPAD, C), jnp.bfloat16),
            [pltpu.SemaphoreType.DMA] * NB,
            [pltpu.SemaphoreType.DMA] * NB,
        ],
        compiler_params=pltpu.CompilerParams(use_tc_tiling_on_sc=False),
    )
    def mp(g_hbm, src_hbm, dst_hbm, zero_hbm, out_hbm,
           src_v, dst_v, rows_v, acc_sh, sem_g, sem_s):
        cid = lax.axis_index("c")
        sid = lax.axis_index("s")
        wid = sid * NC + cid
        pltpu.sync_copy(src_hbm.at[wid], src_v)
        pltpu.sync_copy(dst_hbm.at[wid], dst_v)
        pltpu.sync_copy(zero_hbm, acc_sh.at[pl.ds(sid * RPC, RPC)])
        plsc.subcore_barrier()

        for b in range(NB):
            pltpu.async_copy(g_hbm.at[src_v.at[b]], rows_v[b], sem_g[b])

        def body(jj, carry):
            base = NB * jj
            for b in range(NB):
                j = base + b

                @pl.when(j < NCHUNK)
                def _(b=b, j=j):
                    pltpu.make_async_copy(
                        g_hbm.at[src_v.at[j]], rows_v[b], sem_g[b]).wait()
                    pltpu.async_copy(
                        rows_v[b], acc_sh.at[dst_v.at[j]], sem_s[b], add=True)

            for b in range(NB):
                j = base + b

                @pl.when(j < NCHUNK)
                def _(b=b, j=j):
                    pltpu.make_async_copy(
                        rows_v[b], acc_sh.at[dst_v.at[j]], sem_s[b]).wait()

                @pl.when(j + NB < NCHUNK)
                def _(b=b, j=j):
                    pltpu.async_copy(
                        g_hbm.at[src_v.at[j + NB]], rows_v[b], sem_g[b])

            return carry

        lax.fori_loop(0, -(-NCHUNK // NB), body, 0)
        plsc.subcore_barrier()
        pltpu.sync_copy(acc_sh.at[pl.ds(sid * RPC, RPC)],
                        out_hbm.at[cid, pl.ds(sid * RPC, RPC)])

    return mp


_mp_kernel = _make_mp_kernel(HID2)


def _tc_a_body(x_ref, w_ref, d_ref, h_ref, ga_ref, gb_ref, dis_ref):
    h = jnp.dot(x_ref[...].astype(jnp.bfloat16),
                w_ref[...].astype(jnp.bfloat16),
                preferred_element_type=jnp.float32)
    deg = d_ref[0, :, 0:1] + d_ref[1, :, 0:1] + 1.0
    dis = lax.rsqrt(deg)
    g = (h * dis).astype(jnp.bfloat16)
    h_ref[...] = h
    ga_ref[...] = g[:, :HID2]
    gb_ref[...] = g[:, HID2:]
    dis_ref[...] = dis


def _tc_a(xp, W1, degp):
    return pl.pallas_call(
        _tc_a_body,
        grid=(GRID,),
        in_specs=[
            pl.BlockSpec((BLK, IN_CH), lambda i: (i, 0)),
            pl.BlockSpec((IN_CH, HID1), lambda i: (0, 0)),
            pl.BlockSpec((NC, BLK, DEGW), lambda i: (0, i, 0)),
        ],
        out_specs=[
            pl.BlockSpec((BLK, HID1), lambda i: (i, 0)),
            pl.BlockSpec((BLK, HID2), lambda i: (i, 0)),
            pl.BlockSpec((BLK, HID2), lambda i: (i, 0)),
            pl.BlockSpec((BLK, 1), lambda i: (i, 0)),
        ],
        out_shape=[
            jax.ShapeDtypeStruct((N_NODES, HID1), jnp.float32),
            jax.ShapeDtypeStruct((N_NODES, HID2), jnp.bfloat16),
            jax.ShapeDtypeStruct((N_NODES, HID2), jnp.bfloat16),
            jax.ShapeDtypeStruct((N_NODES, 1), jnp.float32),
        ],
    )(xp, W1, degp)


def _tc_c_body(pa_ref, pb_ref, h1_ref, dis_ref, b1_ref, w2_ref, h2_ref, g2_ref):
    dis = dis_ref[...]
    msg = jnp.concatenate(
        [pa_ref[0].astype(jnp.float32) + pa_ref[1].astype(jnp.float32),
         pb_ref[0].astype(jnp.float32) + pb_ref[1].astype(jnp.float32)],
        axis=1)
    conv = dis * msg + (dis * dis) * h1_ref[...] + b1_ref[...]
    a = jnp.maximum(conv, 0.0)
    h2 = jnp.dot(a.astype(jnp.bfloat16), w2_ref[...].astype(jnp.bfloat16),
                 preferred_element_type=jnp.float32)
    h2_ref[...] = h2
    g2_ref[...] = (h2 * dis).astype(jnp.bfloat16)


def _tc_c(p1a, p1b, h1, dis, b1, W2):
    return pl.pallas_call(
        _tc_c_body,
        grid=(GRID,),
        in_specs=[
            pl.BlockSpec((NC, BLK, HID2), lambda i: (0, i, 0)),
            pl.BlockSpec((NC, BLK, HID2), lambda i: (0, i, 0)),
            pl.BlockSpec((BLK, HID1), lambda i: (i, 0)),
            pl.BlockSpec((BLK, 1), lambda i: (i, 0)),
            pl.BlockSpec((1, HID1), lambda i: (0, 0)),
            pl.BlockSpec((HID1, HID2), lambda i: (0, 0)),
        ],
        out_specs=[
            pl.BlockSpec((BLK, HID2), lambda i: (i, 0)),
            pl.BlockSpec((BLK, HID2), lambda i: (i, 0)),
        ],
        out_shape=[
            jax.ShapeDtypeStruct((N_NODES, HID2), jnp.float32),
            jax.ShapeDtypeStruct((N_NODES, HID2), jnp.bfloat16),
        ],
    )(p1a, p1b, h1, dis, b1, W2)


def _tc_e_body(p_ref, h2_ref, dis_ref, b2_ref, wd_ref, bd_ref, lp_ref, fe_ref):
    dis = dis_ref[...]
    z = (dis * (p_ref[0].astype(jnp.float32) + p_ref[1].astype(jnp.float32))
         + (dis * dis) * h2_ref[...] + b2_ref[...])
    nrm = jnp.sqrt(jnp.sum(z * z, axis=1, keepdims=True))
    fe = z / (nrm + EPS)
    logits = jnp.dot(fe.astype(jnp.bfloat16),
                     wd_ref[...].astype(jnp.bfloat16),
                     preferred_element_type=jnp.float32)
    logits = logits + bd_ref[...]
    m = jnp.max(logits, axis=1, keepdims=True)
    lse = jnp.log(jnp.sum(jnp.exp(logits - m), axis=1, keepdims=True))
    lp_ref[...] = logits - m - lse
    fe_ref[...] = fe


def _tc_e(p2, h2, dis, b2, Wd, bd):
    return pl.pallas_call(
        _tc_e_body,
        grid=(GRID,),
        in_specs=[
            pl.BlockSpec((NC, BLK, HID2), lambda i: (0, i, 0)),
            pl.BlockSpec((BLK, HID2), lambda i: (i, 0)),
            pl.BlockSpec((BLK, 1), lambda i: (i, 0)),
            pl.BlockSpec((1, HID2), lambda i: (0, 0)),
            pl.BlockSpec((HID2, OUT_CH), lambda i: (0, 0)),
            pl.BlockSpec((1, OUT_CH), lambda i: (0, 0)),
        ],
        out_specs=[
            pl.BlockSpec((BLK, OUT_CH), lambda i: (i, 0)),
            pl.BlockSpec((BLK, HID2), lambda i: (i, 0)),
        ],
        out_shape=[
            jax.ShapeDtypeStruct((N_NODES, OUT_CH), jnp.float32),
            jax.ShapeDtypeStruct((N_NODES, HID2), jnp.float32),
        ],
    )(p2, h2, dis, b2, Wd, bd)


def kernel(x, edge_index, W1, b1, W2, b2, Wd, bd):
    ei = edge_index.astype(jnp.int32)
    src = ei[0].reshape(NW, NCHUNK, K)
    dst = ei[1].reshape(NW, NCHUNK, K)

    zero2 = jnp.zeros((RPC, HID2), jnp.bfloat16)

    ones_deg = jnp.ones((K, DEGW), jnp.float32)
    zero_deg = jnp.zeros((RPC, DEGW), jnp.float32)
    degp = _deg_kernel(dst, ones_deg, zero_deg)
    h1, g1a, g1b, dis = _tc_a(x, W1, degp)
    p1a = _mp_kernel(g1a, src, dst, zero2)
    p1b = _mp_kernel(g1b, src, dst, zero2)
    h2, g2 = _tc_c(p1a, p1b, h1, dis, b1.reshape(1, HID1), W2)
    p2 = _mp_kernel(g2, src, dst, zero2)
    lp, fe = _tc_e(p2, h2, dis, b2.reshape(1, HID2), Wd, bd.reshape(1, OUT_CH))
    return lp, fe

# --- scband reference (transcript-rebuilt; emitter-appended) ---
"""Pipeline reference for scband-prot-di-gcnencoder-decoder-minibatch-11570641895933 (READ-ONLY COPY).

The authoritative reference and input builder live on the scoring server;
editing this copy changes nothing except your own understanding.
"""

import jax, jax.numpy as jnp
import numpy as np

N_NODES = 10000
IN_CH = 128
HID1 = 128
HID2 = 64
OUT_CH = 128
N_EDGES = 320000
EPS = 1e-12


def gcn_conv(x, edge_index, W, b):
    # PyG GCNConv with add_self_loops=True, symmetric normalization, bias
    n = x.shape[0]
    loop = jnp.arange(n, dtype=edge_index.dtype)
    src = jnp.concatenate([edge_index[0], loop])
    dst = jnp.concatenate([edge_index[1], loop])
    deg = jax.ops.segment_sum(jnp.ones_like(dst, dtype=x.dtype), dst, num_segments=n)
    deg_inv_sqrt = jnp.where(deg > 0, deg ** -0.5, 0.0)
    norm = deg_inv_sqrt[src] * deg_inv_sqrt[dst]
    h = x @ W
    msg = h[src] * norm[:, None]
    out = jax.ops.segment_sum(msg, dst, num_segments=n)
    return out + b


def setup_inputs(seed: int = 0) -> dict:
    key = jax.random.key(seed)
    k = jax.random.split(key, 8)
    x = jax.random.normal(k[0], (N_NODES, IN_CH), dtype=jnp.float32)
    edge_index = jax.random.randint(k[1], (2, N_EDGES), 0, N_NODES, dtype=jnp.int64)
    W1 = jax.random.normal(k[2], (IN_CH, HID1), dtype=jnp.float32) * 0.05
    b1 = jnp.zeros((HID1,), dtype=jnp.float32)
    W2 = jax.random.normal(k[3], (HID1, HID2), dtype=jnp.float32) * 0.05
    b2 = jnp.zeros((HID2,), dtype=jnp.float32)
    Wd = jax.random.normal(k[4], (HID2, OUT_CH), dtype=jnp.float32) * 0.05
    bd = jnp.zeros((OUT_CH,), dtype=jnp.float32)
    return {"x": x, "edge_index": edge_index, "W1": W1, "b1": b1, "W2": W2, "b2": b2, "Wd": Wd, "bd": bd}


def reference(x, edge_index, W1, b1, W2, b2, Wd, bd):
    # conv1 + ReLU (dropout is a no-op in eval mode)
    h = gcn_conv(x, edge_index, W1, b1)
    h = jax.nn.relu(h)
    # conv2
    h2 = gcn_conv(h, edge_index, W2, b2)
    # L2 normalize per node
    norm = jnp.linalg.norm(h2, ord=2, axis=1, keepdims=True)
    final_embeddings = h2 / (norm + EPS)
    # decoder linear + log_softmax (dropout no-op in eval)
    task_logits = final_embeddings @ Wd + bd
    log_probs = jax.nn.log_softmax(task_logits, axis=-1)
    return (log_probs, final_embeddings)

if __name__ == "__main__":
    import jax
    _d = setup_inputs()
    print(jax.jit(kernel)(*tuple(_d.values())))

</pallas_src>

<mosaic_0001>
#map = affine_map<(d0, d1) -> (0, 0)>
#map1 = affine_map<(d0, d1) -> (0, 0, 0)>
module attributes {stable_mosaic.version = 14 : i64} {
  func.func @mp(%arg0: i32, %arg1: i32, %arg2: memref<10000x64xbf16, #tpu.memory_space<hbm>>, %arg3: memref<32x80x125xi32, #tpu.memory_space<hbm>>, %arg4: memref<32x80x125xi32, #tpu.memory_space<hbm>>, %arg5: memref<640x64xbf16, #tpu.memory_space<hbm>>, %arg6: memref<2x10240x64xbf16, #tpu.memory_space<hbm>>, %arg7: memref<80x125xi32, #tpu.memory_space<vmem>>, %arg8: memref<80x125xi32, #tpu.memory_space<vmem>>, %arg9: memref<125x64xbf16, #tpu.memory_space<vmem>>, %arg10: memref<125x64xbf16, #tpu.memory_space<vmem>>, %arg11: memref<125x64xbf16, #tpu.memory_space<vmem>>, %arg12: memref<125x64xbf16, #tpu.memory_space<vmem>>, %arg13: memref<10240x64xbf16, #tpu.memory_space<vmem_shared>>, %arg14: memref<!tpu.dma_semaphore, #tpu.memory_space<semaphore_mem>>, %arg15: memref<!tpu.dma_semaphore, #tpu.memory_space<semaphore_mem>>, %arg16: memref<!tpu.dma_semaphore, #tpu.memory_space<semaphore_mem>>, %arg17: memref<!tpu.dma_semaphore, #tpu.memory_space<semaphore_mem>>, %arg18: memref<!tpu.dma_semaphore, #tpu.memory_space<semaphore_mem>>, %arg19: memref<!tpu.dma_semaphore, #tpu.memory_space<semaphore_mem>>, %arg20: memref<!tpu.dma_semaphore, #tpu.memory_space<semaphore_mem>>, %arg21: memref<!tpu.dma_semaphore, #tpu.memory_space<semaphore_mem>>) attributes {dimension_semantics = [#tpu.dimension_semantics<core_parallel>, #tpu.dimension_semantics<subcore_parallel>], iteration_bounds = array<i64: 2, 16>, scalar_prefetch = 0 : i64, scratch_operands = 15 : i64, tpu.core_type = #tpu.core_type<sc_vector_subcore>, window_params = [{transform_indices = #map}, {transform_indices = #map1}, {transform_indices = #map1}, {transform_indices = #map}, {transform_indices = #map1}]} {
    %mul3A = arith.constant 2 : i32
    %mul3A_0 = arith.muli %arg1, %mul3A : i32
    %add3A = arith.addi %mul3A_0, %arg0 : i32
    "tpu.region"() ({
      %run_scoped3A = tpu.sem_alloc : memref<!tpu.dma_semaphore, #tpu.memory_space<semaphore_mem>>
      %dma_start3A_40 = arith.constant 0 : i32
      %dma_start3A_41 = arith.constant 0 : i32
      %dma_start3A_42 = tpu.memref_slice %arg3[%add3A, %dma_start3A_40, %dma_start3A_41] : memref<32x80x125xi32, #tpu.memory_space<hbm>> -> memref<1x80x125xi32, #tpu.memory_space<hbm>>
      %dma_start3A_43 = tpu.memref_squeeze %dma_start3A_42 : memref<1x80x125xi32, #tpu.memory_space<hbm>> -> memref<80x125xi32, #tpu.memory_space<hbm>>
      %dma_start3A_44 = arith.constant 0 : i32
      %dma_start3A_45 = arith.constant 0 : i32
      %dma_start3A_46 = tpu.memref_slice %arg3[%add3A, %dma_start3A_44, %dma_start3A_45] : memref<32x80x125xi32, #tpu.memory_space<hbm>> -> memref<1x80x125xi32, #tpu.memory_space<hbm>>
      %dma_start3A_47 = tpu.memref_squeeze %dma_start3A_46 : memref<1x80x125xi32, #tpu.memory_space<hbm>> -> memref<80x125xi32, #tpu.memory_space<hbm>>
      tpu.enqueue_dma source(%dma_start3A_47 : memref<80x125xi32, #tpu.memory_space<hbm>>) target(%arg7 : memref<80x125xi32, #tpu.memory_space<vmem>>) target_semaphore(%run_scoped3A : memref<!tpu.dma_semaphore, #tpu.memory_space<semaphore_mem>>)
      %dma_wait3A = arith.constant 0 : i32
      %dma_wait3A_48 = arith.constant 0 : i32
      %dma_wait3A_49 = tpu.memref_slice %arg3[%add3A, %dma_wait3A, %dma_wait3A_48] : memref<32x80x125xi32, #tpu.memory_space<hbm>> -> memref<1x80x125xi32, #tpu.memory_space<hbm>>
      %dma_wait3A_50 = tpu.memref_squeeze %dma_wait3A_49 : memref<1x80x125xi32, #tpu.memory_space<hbm>> -> memref<80x125xi32, #tpu.memory_space<hbm>>
      %dma_wait3A_51 = arith.constant 0 : i32
      %dma_wait3A_52 = arith.constant 0 : i32
      %dma_wait3A_53 = tpu.memref_slice %arg3[%add3A, %dma_wait3A_51, %dma_wait3A_52] : memref<32x80x125xi32, #tpu.memory_space<hbm>> -> memref<1x80x125xi32, #tpu.memory_space<hbm>>
      %dma_wait3A_54 = tpu.memref_squeeze %dma_wait3A_53 : memref<1x80x125xi32, #tpu.memory_space<hbm>> -> memref<80x125xi32, #tpu.memory_space<hbm>>
      tpu.wait_dma2 semaphore(%run_scoped3A : memref<!tpu.dma_semaphore, #tpu.memory_space<semaphore_mem>>) src(%dma_wait3A_54 : memref<80x125xi32, #tpu.memory_space<hbm>>) dst(%arg7 : memref<80x125xi32, #tpu.memory_space<vmem>>)
      tpu.yield
    }) : () -> ()
    "tpu.region"() ({
      %run_scoped3A = tpu.sem_alloc : memref<!tpu.dma_semaphore, #tpu.memory_space<semaphore_mem>>
      %dma_start3A_40 = arith.constant 0 : i32
      %dma_start3A_41 = arith.constant 0 : i32
      %dma_start3A_42 = tpu.memref_slice %arg4[%add3A, %dma_start3A_40, %dma_start3A_41] : memref<32x80x125xi32, #tpu.memory_space<hbm>> -> memref<1x80x125xi32, #tpu.memory_space<hbm>>
      %dma_start3A_43 = tpu.memref_squeeze %dma_start3A_42 : memref<1x80x125xi32, #tpu.memory_space<hbm>> -> memref<80x125xi32, #tpu.memory_space<hbm>>
      %dma_start3A_44 = arith.constant 0 : i32
      %dma_start3A_45 = arith.constant 0 : i32
      %dma_start3A_46 = tpu.memref_slice %arg4[%add3A, %dma_start3A_44, %dma_start3A_45] : memref<32x80x125xi32, #tpu.memory_space<hbm>> -> memref<1x80x125xi32, #tpu.memory_space<hbm>>
      %dma_start3A_47 = tpu.memref_squeeze %dma_start3A_46 : memref<1x80x125xi32, #tpu.memory_space<hbm>> -> memref<80x125xi32, #tpu.memory_space<hbm>>
      tpu.enqueue_dma source(%dma_start3A_47 : memref<80x125xi32, #tpu.memory_space<hbm>>) target(%arg8 : memref<80x125xi32, #tpu.memory_space<vmem>>) target_semaphore(%run_scoped3A : memref<!tpu.dma_semaphore, #tpu.memory_space<semaphore_mem>>)
      %dma_wait3A = arith.constant 0 : i32
      %dma_wait3A_48 = arith.constant 0 : i32
      %dma_wait3A_49 = tpu.memref_slice %arg4[%add3A, %dma_wait3A, %dma_wait3A_48] : memref<32x80x125xi32, #tpu.memory_space<hbm>> -> memref<1x80x125xi32, #tpu.memory_space<hbm>>
      %dma_wait3A_50 = tpu.memref_squeeze %dma_wait3A_49 : memref<1x80x125xi32, #tpu.memory_space<hbm>> -> memref<80x125xi32, #tpu.memory_space<hbm>>
      %dma_wait3A_51 = arith.constant 0 : i32
      %dma_wait3A_52 = arith.constant 0 : i32
      %dma_wait3A_53 = tpu.memref_slice %arg4[%add3A, %dma_wait3A_51, %dma_wait3A_52] : memref<32x80x125xi32, #tpu.memory_space<hbm>> -> memref<1x80x125xi32, #tpu.memory_space<hbm>>
      %dma_wait3A_54 = tpu.memref_squeeze %dma_wait3A_53 : memref<1x80x125xi32, #tpu.memory_space<hbm>> -> memref<80x125xi32, #tpu.memory_space<hbm>>
      tpu.wait_dma2 semaphore(%run_scoped3A : memref<!tpu.dma_semaphore, #tpu.memory_space<semaphore_mem>>) src(%dma_wait3A_54 : memref<80x125xi32, #tpu.memory_space<hbm>>) dst(%arg8 : memref<80x125xi32, #tpu.memory_space<vmem>>)
      tpu.yield
    }) : () -> ()
    %mul3A_1 = arith.constant 640 : i32
    %mul3A_2 = arith.muli %arg1, %mul3A_1 : i32
    "tpu.region"() ({
      %run_scoped3A = tpu.sem_alloc : memref<!tpu.dma_semaphore, #tpu.memory_space<semaphore_mem>>
      %dma_start3A_40 = arith.constant 0 : i32
      %dma_start3A_41 = tpu.memref_slice %arg13[%mul3A_2, %dma_start3A_40] : memref<10240x64xbf16, #tpu.memory_space<vmem_shared>> -> memref<640x64xbf16, #tpu.memory_space<vmem_shared>>
      tpu.enqueue_dma source(%arg5 : memref<640x64xbf16, #tpu.memory_space<hbm>>) target(%dma_start3A_41 : memref<640x64xbf16, #tpu.memory_space<vmem_shared>>) target_semaphore(%run_scoped3A : memref<!tpu.dma_semaphore, #tpu.memory_space<semaphore_mem>>)
      %dma_wait3A = arith.constant 0 : i32
      %dma_wait3A_42 = tpu.memref_slice %arg13[%mul3A_2, %dma_wait3A] : memref<10240x64xbf16, #tpu.memory_space<vmem_shared>> -> memref<640x64xbf16, #tpu.memory_space<vmem_shared>>
      tpu.wait_dma2 semaphore(%run_scoped3A : memref<!tpu.dma_semaphore, #tpu.memory_space<semaphore_mem>>) src(%arg5 : memref<640x64xbf16, #tpu.memory_space<hbm>>) dst(%dma_wait3A_42 : memref<640x64xbf16, #tpu.memory_space<vmem_shared>>)
      tpu.yield
    }) : () -> ()
    %barrier3A = arith.constant 0 : index
    tpu.barrier barrier_id(%barrier3A)
    %dma_start3A = arith.constant 0 : i32
    %dma_start3A_3 = arith.constant 0 : i32
    %dma_start3A_4 = tpu.memref_slice %arg7[%dma_start3A, %dma_start3A_3] : memref<80x125xi32, #tpu.memory_space<vmem>> -> memref<1x125xi32, #tpu.memory_space<vmem>>
    %dma_start3A_5 = tpu.memref_squeeze %dma_start3A_4 : memref<1x125xi32, #tpu.memory_space<vmem>> -> memref<125xi32, #tpu.memory_space<vmem>>
    %dma_start3A_6 = arith.constant 0 : i32
    %dma_start3A_7 = arith.constant 0 : i32
    %dma_start3A_8 = tpu.memref_slice %arg2[%dma_start3A_6, %dma_start3A_7] : memref<10000x64xbf16, #tpu.memory_space<hbm>> -> memref<10000x64xbf16, #tpu.memory_space<hbm>>
    tpu.enqueue_indirect_dma source(%dma_start3A_8 : memref<10000x64xbf16, #tpu.memory_space<hbm>>) target(%arg9 : memref<125x64xbf16, #tpu.memory_space<vmem>>) offsets(%dma_start3A_5 : memref<125xi32, #tpu.memory_space<vmem>>) semaphore(%arg14 : memref<!tpu.dma_semaphore, #tpu.memory_space<semaphore_mem>>)
    %dma_start3A_9 = arith.constant 1 : i32
    %dma_start3A_10 = arith.constant 0 : i32
    %dma_start3A_11 = tpu.memref_slice %arg7[%dma_start3A_9, %dma_start3A_10] : memref<80x125xi32, #tpu.memory_space<vmem>> -> memref<1x125xi32, #tpu.memory_space<vmem>>
    %dma_start3A_12 = tpu.memref_squeeze %dma_start3A_11 : memref<1x125xi32, #tpu.memory_space<vmem>> -> memref<125xi32, #tpu.memory_space<vmem>>
    %dma_start3A_13 = arith.constant 0 : i32
    %dma_start3A_14 = arith.constant 0 : i32
    %dma_start3A_15 = tpu.memref_slice %arg2[%dma_start3A_13, %dma_start3A_14] : memref<10000x64xbf16, #tpu.memory_space<hbm>> -> memref<10000x64xbf16, #tpu.memory_space<hbm>>
    tpu.enqueue_indirect_dma source(%dma_start3A_15 : memref<10000x64xbf16, #tpu.memory_space<hbm>>) target(%arg10 : memref<125x64xbf16, #tpu.memory_space<vmem>>) offsets(%dma_start3A_12 : memref<125xi32, #tpu.memory_space<vmem>>) semaphore(%arg15 : memref<!tpu.dma_semaphore, #tpu.memory_space<semaphore_mem>>)
    %dma_start3A_16 = arith.constant 2 : i32
    %dma_start3A_17 = arith.constant 0 : i32
    %dma_start3A_18 = tpu.memref_slice %arg7[%dma_start3A_16, %dma_start3A_17] : memref<80x125xi32, #tpu.memory_space<vmem>> -> memref<1x125xi32, #tpu.memory_space<vmem>>
    %dma_start3A_19 = tpu.memref_squeeze %dma_start3A_18 : memref<1x125xi32, #tpu.memory_space<vmem>> -> memref<125xi32, #tpu.memory_space<vmem>>
    %dma_start3A_20 = arith.constant 0 : i32
    %dma_start3A_21 = arith.constant 0 : i32
    %dma_start3A_22 = tpu.memref_slice %arg2[%dma_start3A_20, %dma_start3A_21] : memref<10000x64xbf16, #tpu.memory_space<hbm>> -> memref<10000x64xbf16, #tpu.memory_space<hbm>>
    tpu.enqueue_indirect_dma source(%dma_start3A_22 : memref<10000x64xbf16, #tpu.memory_space<hbm>>) target(%arg11 : memref<125x64xbf16, #tpu.memory_space<vmem>>) offsets(%dma_start3A_19 : memref<125xi32, #tpu.memory_space<vmem>>) semaphore(%arg16 : memref<!tpu.dma_semaphore, #tpu.memory_space<semaphore_mem>>)
    %dma_start3A_23 = arith.constant 3 : i32
    %dma_start3A_24 = arith.constant 0 : i32
    %dma_start3A_25 = tpu.memref_slice %arg7[%dma_start3A_23, %dma_start3A_24] : memref<80x125xi32, #tpu.memory_space<vmem>> -> memref<1x125xi32, #tpu.memory_space<vmem>>
    %dma_start3A_26 = tpu.memref_squeeze %dma_start3A_25 : memref<1x125xi32, #tpu.memory_space<vmem>> -> memref<125xi32, #tpu.memory_space<vmem>>
    %dma_start3A_27 = arith.constant 0 : i32
    %dma_start3A_28 = arith.constant 0 : i32
    %dma_start3A_29 = tpu.memref_slice %arg2[%dma_start3A_27, %dma_start3A_28] : memref<10000x64xbf16, #tpu.memory_space<hbm>> -> memref<10000x64xbf16, #tpu.memory_space<hbm>>
    tpu.enqueue_indirect_dma source(%dma_start3A_29 : memref<10000x64xbf16, #tpu.memory_space<hbm>>) target(%arg12 : memref<125x64xbf16, #tpu.memory_space<vmem>>) offsets(%dma_start3A_26 : memref<125xi32, #tpu.memory_space<vmem>>) semaphore(%arg17 : memref<!tpu.dma_semaphore, #tpu.memory_space<semaphore_mem>>)
    %scan3A = arith.constant 0 : i32
    %scan3A_30 = arith.constant 0 : i32
    %scan3A_31 = arith.constant 20 : i32
    %scan3A_32 = arith.addi %scan3A_30, %scan3A_31 : i32
    %scan3A_33 = arith.constant 1 : i32
    scf.for %scan3A_40 = %scan3A_30 to %scan3A_32 step %scan3A_33  : i32 {
      %mul3A_41 = arith.constant 4 : i32
      %mul3A_42 = arith.muli %mul3A_41, %scan3A_40 : i32
      %add3A_43 = arith.constant 0 : i32
      %add3A_44 = arith.addi %mul3A_42, %add3A_43 : i32
      %lt3A = arith.constant 80 : i32
      %lt3A_45 = arith.cmpi slt, %add3A_44, %lt3A : i32
      %convert_element_type3A = arith.extui %lt3A_45 : i1 to i32
      %cond3A = arith.constant 0 : i32
      %cond3A_46 = arith.cmpi ne, %convert_element_type3A, %cond3A : i32
      scf.if %cond3A_46 {
        %dma_wait3A = arith.constant 0 : i32
        %dma_wait3A_124 = tpu.memref_slice %arg7[%add3A_44, %dma_wait3A] : memref<80x125xi32, #tpu.memory_space<vmem>> -> memref<1x125xi32, #tpu.memory_space<vmem>>
        %dma_wait3A_125 = tpu.memref_squeeze %dma_wait3A_124 : memref<1x125xi32, #tpu.memory_space<vmem>> -> memref<125xi32, #tpu.memory_space<vmem>>
        %dma_wait3A_126 = arith.constant 0 : i32
        %dma_wait3A_127 = arith.constant 0 : i32
        %dma_wait3A_128 = tpu.memref_slice %arg2[%dma_wait3A_126, %dma_wait3A_127] : memref<10000x64xbf16, #tpu.memory_space<hbm>> -> memref<10000x64xbf16, #tpu.memory_space<hbm>>
        tpu.wait_indirect_dma semaphore(%arg14 : memref<!tpu.dma_semaphore, #tpu.memory_space<semaphore_mem>>) src(%dma_wait3A_128 : memref<10000x64xbf16, #tpu.memory_space<hbm>>) dst(%arg9 : memref<125x64xbf16, #tpu.memory_space<vmem>>)
        %dma_start3A_129 = arith.constant 0 : i32
        %dma_start3A_130 = tpu.memref_slice %arg8[%add3A_44, %dma_start3A_129] : memref<80x125xi32, #tpu.memory_space<vmem>> -> memref<1x125xi32, #tpu.memory_space<vmem>>
        %dma_start3A_131 = tpu.memref_squeeze %dma_start3A_130 : memref<1x125xi32, #tpu.memory_space<vmem>> -> memref<125xi32, #tpu.memory_space<vmem>>
        %dma_start3A_132 = arith.constant 0 : i32
        %dma_start3A_133 = arith.constant 0 : i32
        %dma_start3A_134 = tpu.memref_slice %arg13[%dma_start3A_132, %dma_start3A_133] : memref<10240x64xbf16, #tpu.memory_space<vmem_shared>> -> memref<10240x64xbf16, #tpu.memory_space<vmem_shared>>
        tpu.enqueue_indirect_dma source(%arg9 : memref<125x64xbf16, #tpu.memory_space<vmem>>) target(%dma_start3A_134 : memref<10240x64xbf16, #tpu.memory_space<vmem_shared>>) offsets(%dma_start3A_131 : memref<125xi32, #tpu.memory_space<vmem>>) semaphore(%arg18 : memref<!tpu.dma_semaphore, #tpu.memory_space<semaphore_mem>>) {add = true}
      } else {
      }
      %add3A_47 = arith.constant 1 : i32
      %add3A_48 = arith.addi %mul3A_42, %add3A_47 : i32
      %lt3A_49 = arith.constant 80 : i32
      %lt3A_50 = arith.cmpi slt, %add3A_48, %lt3A_49 : i32
      %convert_element_type3A_51 = arith.extui %lt3A_50 : i1 to i32
      %cond3A_52 = arith.constant 0 : i32
      %cond3A_53 = arith.cmpi ne, %convert_element_type3A_51, %cond3A_52 : i32
      scf.if %cond3A_53 {
        %dma_wait3A = arith.constant 0 : i32
        %dma_wait3A_124 = tpu.memref_slice %arg7[%add3A_48, %dma_wait3A] : memref<80x125xi32, #tpu.memory_space<vmem>> -> memref<1x125xi32, #tpu.memory_space<vmem>>
        %dma_wait3A_125 = tpu.memref_squeeze %dma_wait3A_124 : memref<1x125xi32, #tpu.memory_space<vmem>> -> memref<125xi32, #tpu.memory_space<vmem>>
        %dma_wait3A_126 = arith.constant 0 : i32
        %dma_wait3A_127 = arith.constant 0 : i32
        %dma_wait3A_128 = tpu.memref_slice %arg2[%dma_wait3A_126, %dma_wait3A_127] : memref<10000x64xbf16, #tpu.memory_space<hbm>> -> memref<10000x64xbf16, #tpu.memory_space<hbm>>
        tpu.wait_indirect_dma semaphore(%arg15 : memref<!tpu.dma_semaphore, #tpu.memory_space<semaphore_mem>>) src(%dma_wait3A_128 : memref<10000x64xbf16, #tpu.memory_space<hbm>>) dst(%arg10 : memref<125x64xbf16, #tpu.memory_space<vmem>>)
        %dma_start3A_129 = arith.constant 0 : i32
        %dma_start3A_130 = tpu.memref_slice %arg8[%add3A_48, %dma_start3A_129] : memref<80x125xi32, #tpu.memory_space<vmem>> -> memref<1x125xi32, #tpu.memory_space<vmem>>
        %dma_start3A_131 = tpu.memref_squeeze %dma_start3A_130 : memref<1x125xi32, #tpu.memory_space<vmem>> -> memref<125xi32, #tpu.memory_space<vmem>>
        %dma_start3A_132 = arith.constant 0 : i32
        %dma_start3A_133 = arith.constant 0 : i32
        %dma_start3A_134 = tpu.memref_slice %arg13[%dma_start3A_132, %dma_start3A_133] : memref<10240x64xbf16, #tpu.memory_space<vmem_shared>> -> memref<10240x64xbf16, #tpu.memory_space<vmem_shared>>
        tpu.enqueue_indirect_dma source(%arg10 : memref<125x64xbf16, #tpu.memory_space<vmem>>) target(%dma_start3A_134 : memref<10240x64xbf16, #tpu.memory_space<vmem_shared>>) offsets(%dma_start3A_131 : memref<125xi32, #tpu.memory_space<vmem>>) semaphore(%arg19 : memref<!tpu.dma_semaphore, #tpu.memory_space<semaphore_mem>>) {add = true}
      } else {
      }
      %add3A_54 = arith.constant 2 : i32
      %add3A_55 = arith.addi %mul3A_42, %add3A_54 : i32
      %lt3A_56 = arith.constant 80 : i32
      %lt3A_57 = arith.cmpi slt, %add3A_55, %lt3A_56 : i32
      %convert_element_type3A_58 = arith.extui %lt3A_57 : i1 to i32
      %cond3A_59 = arith.constant 0 : i32
      %cond3A_60 = arith.cmpi ne, %convert_element_type3A_58, %cond3A_59 : i32
      scf.if %cond3A_60 {
        %dma_wait3A = arith.constant 0 : i32
        %dma_wait3A_124 = tpu.memref_slice %arg7[%add3A_55, %dma_wait3A] : memref<80x125xi32, #tpu.memory_space<vmem>> -> memref<1x125xi32, #tpu.memory_space<vmem>>
        %dma_wait3A_125 = tpu.memref_squeeze %dma_wait3A_124 : memref<1x125xi32, #tpu.memory_space<vmem>> -> memref<125xi32, #tpu.memory_space<vmem>>
        %dma_wait3A_126 = arith.constant 0 : i32
        %dma_wait3A_127 = arith.constant 0 : i32
        %dma_wait3A_128 = tpu.memref_slice %arg2[%dma_wait3A_126, %dma_wait3A_127] : memref<10000x64xbf16, #tpu.memory_space<hbm>> -> memref<10000x64xbf16, #tpu.memory_space<hbm>>
        tpu.wait_indirect_dma semaphore(%arg16 : memref<!tpu.dma_semaphore, #tpu.memory_space<semaphore_mem>>) src(%dma_wait3A_128 : memref<10000x64xbf16, #tpu.memory_space<hbm>>) dst(%arg11 : memref<125x64xbf16, #tpu.memory_space<vmem>>)
        %dma_start3A_129 = arith.constant 0 : i32
        %dma_start3A_130 = tpu.memref_slice %arg8[%add3A_55, %dma_start3A_129] : memref<80x125xi32, #tpu.memory_space<vmem>> -> memref<1x125xi32, #tpu.memory_space<vmem>>
        %dma_start3A_131 = tpu.memref_squeeze %dma_start3A_130 : memref<1x125xi32, #tpu.memory_space<vmem>> -> memref<125xi32, #tpu.memory_space<vmem>>
        %dma_start3A_132 = arith.constant 0 : i32
        %dma_start3A_133 = arith.constant 0 : i32
        %dma_start3A_134 = tpu.memref_slice %arg13[%dma_start3A_132, %dma_start3A_133] : memref<10240x64xbf16, #tpu.memory_space<vmem_shared>> -> memref<10240x64xbf16, #tpu.memory_space<vmem_shared>>
        tpu.enqueue_indirect_dma source(%arg11 : memref<125x64xbf16, #tpu.memory_space<vmem>>) target(%dma_start3A_134 : memref<10240x64xbf16, #tpu.memory_space<vmem_shared>>) offsets(%dma_start3A_131 : memref<125xi32, #tpu.memory_space<vmem>>) semaphore(%arg20 : memref<!tpu.dma_semaphore, #tpu.memory_space<semaphore_mem>>) {add = true}
      } else {
      }
      %add3A_61 = arith.constant 3 : i32
      %add3A_62 = arith.addi %mul3A_42, %add3A_61 : i32
      %lt3A_63 = arith.constant 80 : i32
      %lt3A_64 = arith.cmpi slt, %add3A_62, %lt3A_63 : i32
      %convert_element_type3A_65 = arith.extui %lt3A_64 : i1 to i32
      %cond3A_66 = arith.constant 0 : i32
      %cond3A_67 = arith.cmpi ne, %convert_element_type3A_65, %cond3A_66 : i32
      scf.if %cond3A_67 {
        %dma_wait3A = arith.constant 0 : i32
        %dma_wait3A_124 = tpu.memref_slice %arg7[%add3A_62, %dma_wait3A] : memref<80x125xi32, #tpu.memory_space<vmem>> -> memref<1x125xi32, #tpu.memory_space<vmem>>
        %dma_wait3A_125 = tpu.memref_squeeze %dma_wait3A_124 : memref<1x125xi32, #tpu.memory_space<vmem>> -> memref<125xi32, #tpu.memory_space<vmem>>
        %dma_wait3A_126 = arith.constant 0 : i32
        %dma_wait3A_127 = arith.constant 0 : i32
        %dma_wait3A_128 = tpu.memref_slice %arg2[%dma_wait3A_126, %dma_wait3A_127] : memref<10000x64xbf16, #tpu.memory_space<hbm>> -> memref<10000x64xbf16, #tpu.memory_space<hbm>>
        tpu.wait_indirect_dma semaphore(%arg17 : memref<!tpu.dma_semaphore, #tpu.memory_space<semaphore_mem>>) src(%dma_wait3A_128 : memref<10000x64xbf16, #tpu.memory_space<hbm>>) dst(%arg12 : memref<125x64xbf16, #tpu.memory_space<vmem>>)
        %dma_start3A_129 = arith.constant 0 : i32
        %dma_start3A_130 = tpu.memref_slice %arg8[%add3A_62, %dma_start3A_129] : memref<80x125xi32, #tpu.memory_space<vmem>> -> memref<1x125xi32, #tpu.memory_space<vmem>>
        %dma_start3A_131 = tpu.memref_squeeze %dma_start3A_130 : memref<1x125xi32, #tpu.memory_space<vmem>> -> memref<125xi32, #tpu.memory_space<vmem>>
        %dma_start3A_132 = arith.constant 0 : i32
        %dma_start3A_133 = arith.constant 0 : i32
        %dma_start3A_134 = tpu.memref_slice %arg13[%dma_start3A_132, %dma_start3A_133] : memref<10240x64xbf16, #tpu.memory_space<vmem_shared>> -> memref<10240x64xbf16, #tpu.memory_space<vmem_shared>>
        tpu.enqueue_indirect_dma source(%arg12 : memref<125x64xbf16, #tpu.memory_space<vmem>>) target(%dma_start3A_134 : memref<10240x64xbf16, #tpu.memory_space<vmem_shared>>) offsets(%dma_start3A_131 : memref<125xi32, #tpu.memory_space<vmem>>) semaphore(%arg21 : memref<!tpu.dma_semaphore, #tpu.memory_space<semaphore_mem>>) {add = true}
      } else {
      }
      %add3A_68 = arith.constant 0 : i32
      %add3A_69 = arith.addi %mul3A_42, %add3A_68 : i32
      %lt3A_70 = arith.constant 80 : i32
      %lt3A_71 = arith.cmpi slt, %add3A_69, %lt3A_70 : i32
      %convert_element_type3A_72 = arith.extui %lt3A_71 : i1 to i32
      %cond3A_73 = arith.constant 0 : i32
      %cond3A_74 = arith.cmpi ne, %convert_element_type3A_72, %cond3A_73 : i32
      scf.if %cond3A_74 {
        %dma_wait3A = arith.constant 0 : i32
        %dma_wait3A_124 = tpu.memref_slice %arg8[%add3A_69, %dma_wait3A] : memref<80x125xi32, #tpu.memory_space<vmem>> -> memref<1x125xi32, #tpu.memory_space<vmem>>
        %dma_wait3A_125 = tpu.memref_squeeze %dma_wait3A_124 : memref<1x125xi32, #tpu.memory_space<vmem>> -> memref<125xi32, #tpu.memory_space<vmem>>
        %dma_wait3A_126 = arith.constant 0 : i32
        %dma_wait3A_127 = arith.constant 0 : i32
        %dma_wait3A_128 = tpu.memref_slice %arg13[%dma_wait3A_126, %dma_wait3A_127] : memref<10240x64xbf16, #tpu.memory_space<vmem_shared>> -> memref<10240x64xbf16, #tpu.memory_space<vmem_shared>>
        tpu.wait_indirect_dma semaphore(%arg18 : memref<!tpu.dma_semaphore, #tpu.memory_space<semaphore_mem>>) src(%arg9 : memref<125x64xbf16, #tpu.memory_space<vmem>>) dst(%dma_wait3A_128 : memref<10240x64xbf16, #tpu.memory_space<vmem_shared>>)
      } else {
      }
      %add3A_75 = arith.constant 4 : i32
      %add3A_76 = arith.addi %add3A_69, %add3A_75 : i32
      %lt3A_77 = arith.constant 80 : i32
      %lt3A_78 = arith.cmpi slt, %add3A_76, %lt3A_77 : i32
      %convert_element_type3A_79 = arith.extui %lt3A_78 : i1 to i32
      %cond3A_80 = arith.constant 0 : i32
      %cond3A_81 = arith.cmpi ne, %convert_element_type3A_79, %cond3A_80 : i32
      scf.if %cond3A_81 {
        %add3A_124 = arith.constant 4 : i32
        %add3A_125 = arith.addi %add3A_69, %add3A_124 : i32
        %dma_start3A_126 = arith.constant 0 : i32
        %dma_start3A_127 = tpu.memref_slice %arg7[%add3A_125, %dma_start3A_126] : memref<80x125xi32, #tpu.memory_space<vmem>> -> memref<1x125xi32, #tpu.memory_space<vmem>>
        %dma_start3A_128 = tpu.memref_squeeze %dma_start3A_127 : memref<1x125xi32, #tpu.memory_space<vmem>> -> memref<125xi32, #tpu.memory_space<vmem>>
        %dma_start3A_129 = arith.constant 0 : i32
        %dma_start3A_130 = arith.constant 0 : i32
        %dma_start3A_131 = tpu.memref_slice %arg2[%dma_start3A_129, %dma_start3A_130] : memref<10000x64xbf16, #tpu.memory_space<hbm>> -> memref<10000x64xbf16, #tpu.memory_space<hbm>>
        tpu.enqueue_indirect_dma source(%dma_start3A_131 : memref<10000x64xbf16, #tpu.memory_space<hbm>>) target(%arg9 : memref<125x64xbf16, #tpu.memory_space<vmem>>) offsets(%dma_start3A_128 : memref<125xi32, #tpu.memory_space<vmem>>) semaphore(%arg14 : memref<!tpu.dma_semaphore, #tpu.memory_space<semaphore_mem>>)
      } else {
      }
      %add3A_82 = arith.constant 1 : i32
      %add3A_83 = arith.addi %mul3A_42, %add3A_82 : i32
      %lt3A_84 = arith.constant 80 : i32
      %lt3A_85 = arith.cmpi slt, %add3A_83, %lt3A_84 : i32
      %convert_element_type3A_86 = arith.extui %lt3A_85 : i1 to i32
      %cond3A_87 = arith.constant 0 : i32
      %cond3A_88 = arith.cmpi ne, %convert_element_type3A_86, %cond3A_87 : i32
      scf.if %cond3A_88 {
        %dma_wait3A = arith.constant 0 : i32
        %dma_wait3A_124 = tpu.memref_slice %arg8[%add3A_83, %dma_wait3A] : memref<80x125xi32, #tpu.memory_space<vmem>> -> memref<1x125xi32, #tpu.memory_space<vmem>>
        %dma_wait3A_125 = tpu.memref_squeeze %dma_wait3A_124 : memref<1x125xi32, #tpu.memory_space<vmem>> -> memref<125xi32, #tpu.memory_space<vmem>>
        %dma_wait3A_126 = arith.constant 0 : i32
        %dma_wait3A_127 = arith.constant 0 : i32
        %dma_wait3A_128 = tpu.memref_slice %arg13[%dma_wait3A_126, %dma_wait3A_127] : memref<10240x64xbf16, #tpu.memory_space<vmem_shared>> -> memref<10240x64xbf16, #tpu.memory_space<vmem_shared>>
        tpu.wait_indirect_dma semaphore(%arg19 : memref<!tpu.dma_semaphore, #tpu.memory_space<semaphore_mem>>) src(%arg10 : memref<125x64xbf16, #tpu.memory_space<vmem>>) dst(%dma_wait3A_128 : memref<10240x64xbf16, #tpu.memory_space<vmem_shared>>)
      } else {
      }
      %add3A_89 = arith.constant 4 : i32
      %add3A_90 = arith.addi %add3A_83, %add3A_89 : i32
      %lt3A_91 = arith.constant 80 : i32
      %lt3A_92 = arith.cmpi slt, %add3A_90, %lt3A_91 : i32
      %convert_element_type3A_93 = arith.extui %lt3A_92 : i1 to i32
      %cond3A_94 = arith.constant 0 : i32
      %cond3A_95 = arith.cmpi ne, %convert_element_type3A_93, %cond3A_94 : i32
      scf.if %cond3A_95 {
        %add3A_124 = arith.constant 4 : i32
        %add3A_125 = arith.addi %add3A_83, %add3A_124 : i32
        %dma_start3A_126 = arith.constant 0 : i32
        %dma_start3A_127 = tpu.memref_slice %arg7[%add3A_125, %dma_start3A_126] : memref<80x125xi32, #tpu.memory_space<vmem>> -> memref<1x125xi32, #tpu.memory_space<vmem>>
        %dma_start3A_128 = tpu.memref_squeeze %dma_start3A_127 : memref<1x125xi32, #tpu.memory_space<vmem>> -> memref<125xi32, #tpu.memory_space<vmem>>
        %dma_start3A_129 = arith.constant 0 : i32
        %dma_start3A_130 = arith.constant 0 : i32
        %dma_start3A_131 = tpu.memref_slice %arg2[%dma_start3A_129, %dma_start3A_130] : memref<10000x64xbf16, #tpu.memory_space<hbm>> -> memref<10000x64xbf16, #tpu.memory_space<hbm>>
        tpu.enqueue_indirect_dma source(%dma_start3A_131 : memref<10000x64xbf16, #tpu.memory_space<hbm>>) target(%arg10 : memref<125x64xbf16, #tpu.memory_space<vmem>>) offsets(%dma_start3A_128 : memref<125xi32, #tpu.memory_space<vmem>>) semaphore(%arg15 : memref<!tpu.dma_semaphore, #tpu.memory_space<semaphore_mem>>)
      } else {
      }
      %add3A_96 = arith.constant 2 : i32
      %add3A_97 = arith.addi %mul3A_42, %add3A_96 : i32
      %lt3A_98 = arith.constant 80 : i32
      %lt3A_99 = arith.cmpi slt, %add3A_97, %lt3A_98 : i32
      %convert_element_type3A_100 = arith.extui %lt3A_99 : i1 to i32
      %cond3A_101 = arith.constant 0 : i32
      %cond3A_102 = arith.cmpi ne, %convert_element_type3A_100, %cond3A_101 : i32
      scf.if %cond3A_102 {
        %dma_wait3A = arith.constant 0 : i32
        %dma_wait3A_124 = tpu.memref_slice %arg8[%add3A_97, %dma_wait3A] : memref<80x125xi32, #tpu.memory_space<vmem>> -> memref<1x125xi32, #tpu.memory_space<vmem>>
        %dma_wait3A_125 = tpu.memref_squeeze %dma_wait3A_124 : memref<1x125xi32, #tpu.memory_space<vmem>> -> memref<125xi32, #tpu.memory_space<vmem>>
        %dma_wait3A_126 = arith.constant 0 : i32
        %dma_wait3A_127 = arith.constant 0 : i32
        %dma_wait3A_128 = tpu.memref_slice %arg13[%dma_wait3A_126, %dma_wait3A_127] : memref<10240x64xbf16, #tpu.memory_space<vmem_shared>> -> memref<10240x64xbf16, #tpu.memory_space<vmem_shared>>
        tpu.wait_indirect_dma semaphore(%arg20 : memref<!tpu.dma_semaphore, #tpu.memory_space<semaphore_mem>>) src(%arg11 : memref<125x64xbf16, #tpu.memory_space<vmem>>) dst(%dma_wait3A_128 : memref<10240x64xbf16, #tpu.memory_space<vmem_shared>>)
      } else {
      }
      %add3A_103 = arith.constant 4 : i32
      %add3A_104 = arith.addi %add3A_97, %add3A_103 : i32
      %lt3A_105 = arith.constant 80 : i32
      %lt3A_106 = arith.cmpi slt, %add3A_104, %lt3A_105 : i32
      %convert_element_type3A_107 = arith.extui %lt3A_106 : i1 to i32
      %cond3A_108 = arith.constant 0 : i32
      %cond3A_109 = arith.cmpi ne, %convert_element_type3A_107, %cond3A_108 : i32
      scf.if %cond3A_109 {
        %add3A_124 = arith.constant 4 : i32
        %add3A_125 = arith.addi %add3A_97, %add3A_124 : i32
        %dma_start3A_126 = arith.constant 0 : i32
        %dma_start3A_127 = tpu.memref_slice %arg7[%add3A_125, %dma_start3A_126] : memref<80x125xi32, #tpu.memory_space<vmem>> -> memref<1x125xi32, #tpu.memory_space<vmem>>
        %dma_start3A_128 = tpu.memref_squeeze %dma_start3A_127 : memref<1x125xi32, #tpu.memory_space<vmem>> -> memref<125xi32, #tpu.memory_space<vmem>>
        %dma_start3A_129 = arith.constant 0 : i32
        %dma_start3A_130 = arith.constant 0 : i32
        %dma_start3A_131 = tpu.memref_slice %arg2[%dma_start3A_129, %dma_start3A_130] : memref<10000x64xbf16, #tpu.memory_space<hbm>> -> memref<10000x64xbf16, #tpu.memory_space<hbm>>
        tpu.enqueue_indirect_dma source(%dma_start3A_131 : memref<10000x64xbf16, #tpu.memory_space<hbm>>) target(%arg11 : memref<125x64xbf16, #tpu.memory_space<vmem>>) offsets(%dma_start3A_128 : memref<125xi32, #tpu.memory_space<vmem>>) semaphore(%arg16 : memref<!tpu.dma_semaphore, #tpu.memory_space<semaphore_mem>>)
      } else {
      }
      %add3A_110 = arith.constant 3 : i32
      %add3A_111 = arith.addi %mul3A_42, %add3A_110 : i32
      %lt3A_112 = arith.constant 80 : i32
      %lt3A_113 = arith.cmpi slt, %add3A_111, %lt3A_112 : i32
      %convert_element_type3A_114 = arith.extui %lt3A_113 : i1 to i32
      %cond3A_115 = arith.constant 0 : i32
      %cond3A_116 = arith.cmpi ne, %convert_element_type3A_114, %cond3A_115 : i32
      scf.if %cond3A_116 {
        %dma_wait3A = arith.constant 0 : i32
        %dma_wait3A_124 = tpu.memref_slice %arg8[%add3A_111, %dma_wait3A] : memref<80x125xi32, #tpu.memory_space<vmem>> -> memref<1x125xi32, #tpu.memory_space<vmem>>
        %dma_wait3A_125 = tpu.memref_squeeze %dma_wait3A_124 : memref<1x125xi32, #tpu.memory_space<vmem>> -> memref<125xi32, #tpu.memory_space<vmem>>
        %dma_wait3A_126 = arith.constant 0 : i32
        %dma_wait3A_127 = arith.constant 0 : i32
        %dma_wait3A_128 = tpu.memref_slice %arg13[%dma_wait3A_126, %dma_wait3A_127] : memref<10240x64xbf16, #tpu.memory_space<vmem_shared>> -> memref<10240x64xbf16, #tpu.memory_space<vmem_shared>>
        tpu.wait_indirect_dma semaphore(%arg21 : memref<!tpu.dma_semaphore, #tpu.memory_space<semaphore_mem>>) src(%arg12 : memref<125x64xbf16, #tpu.memory_space<vmem>>) dst(%dma_wait3A_128 : memref<10240x64xbf16, #tpu.memory_space<vmem_shared>>)
      } else {
      }
      %add3A_117 = arith.constant 4 : i32
      %add3A_118 = arith.addi %add3A_111, %add3A_117 : i32
      %lt3A_119 = arith.constant 80 : i32
      %lt3A_120 = arith.cmpi slt, %add3A_118, %lt3A_119 : i32
      %convert_element_type3A_121 = arith.extui %lt3A_120 : i1 to i32
      %cond3A_122 = arith.constant 0 : i32
      %cond3A_123 = arith.cmpi ne, %convert_element_type3A_121, %cond3A_122 : i32
      scf.if %cond3A_123 {
        %add3A_124 = arith.constant 4 : i32
        %add3A_125 = arith.addi %add3A_111, %add3A_124 : i32
        %dma_start3A_126 = arith.constant 0 : i32
        %dma_start3A_127 = tpu.memref_slice %arg7[%add3A_125, %dma_start3A_126] : memref<80x125xi32, #tpu.memory_space<vmem>> -> memref<1x125xi32, #tpu.memory_space<vmem>>
        %dma_start3A_128 = tpu.memref_squeeze %dma_start3A_127 : memref<1x125xi32, #tpu.memory_space<vmem>> -> memref<125xi32, #tpu.memory_space<vmem>>
        %dma_start3A_129 = arith.constant 0 : i32
        %dma_start3A_130 = arith.constant 0 : i32
        %dma_start3A_131 = tpu.memref_slice %arg2[%dma_start3A_129, %dma_start3A_130] : memref<10000x64xbf16, #tpu.memory_space<hbm>> -> memref<10000x64xbf16, #tpu.memory_space<hbm>>
        tpu.enqueue_indirect_dma source(%dma_start3A_131 : memref<10000x64xbf16, #tpu.memory_space<hbm>>) target(%arg12 : memref<125x64xbf16, #tpu.memory_space<vmem>>) offsets(%dma_start3A_128 : memref<125xi32, #tpu.memory_space<vmem>>) semaphore(%arg17 : memref<!tpu.dma_semaphore, #tpu.memory_space<semaphore_mem>>)
      } else {
      }
    }
    %scan3A_34 = arith.constant 20 : i32
    %barrier3A_35 = arith.constant 0 : index
    tpu.barrier barrier_id(%barrier3A_35)
    %mul3A_36 = arith.constant 640 : i32
    %mul3A_37 = arith.muli %arg1, %mul3A_36 : i32
    %mul3A_38 = arith.constant 640 : i32
    %mul3A_39 = arith.muli %arg1, %mul3A_38 : i32
    "tpu.region"() ({
      %run_scoped3A = tpu.sem_alloc : memref<!tpu.dma_semaphore, #tpu.memory_space<semaphore_mem>>
      %dma_start3A_40 = arith.constant 0 : i32
      %dma_start3A_41 = tpu.memref_slice %arg6[%arg0, %mul3A_39, %dma_start3A_40] : memref<2x10240x64xbf16, #tpu.memory_space<hbm>> -> memref<1x640x64xbf16, #tpu.memory_space<hbm>>
      %dma_start3A_42 = tpu.memref_squeeze %dma_start3A_41 : memref<1x640x64xbf16, #tpu.memory_space<hbm>> -> memref<640x64xbf16, #tpu.memory_space<hbm>>
      %dma_start3A_43 = arith.constant 0 : i32
      %dma_start3A_44 = tpu.memref_slice %arg13[%mul3A_37, %dma_start3A_43] : memref<10240x64xbf16, #tpu.memory_space<vmem_shared>> -> memref<640x64xbf16, #tpu.memory_space<vmem_shared>>
      tpu.enqueue_dma source(%dma_start3A_44 : memref<640x64xbf16, #tpu.memory_space<vmem_shared>>) target(%dma_start3A_42 : memref<640x64xbf16, #tpu.memory_space<hbm>>) target_semaphore(%run_scoped3A : memref<!tpu.dma_semaphore, #tpu.memory_space<semaphore_mem>>)
      %dma_wait3A = arith.constant 0 : i32
      %dma_wait3A_45 = tpu.memref_slice %arg6[%arg0, %mul3A_39, %dma_wait3A] : memref<2x10240x64xbf16, #tpu.memory_space<hbm>> -> memref<1x640x64xbf16, #tpu.memory_space<hbm>>
      %dma_wait3A_46 = tpu.memref_squeeze %dma_wait3A_45 : memref<1x640x64xbf16, #tpu.memory_space<hbm>> -> memref<640x64xbf16, #tpu.memory_space<hbm>>
      %dma_wait3A_47 = arith.constant 0 : i32
      %dma_wait3A_48 = tpu.memref_slice %arg13[%mul3A_37, %dma_wait3A_47] : memref<10240x64xbf16, #tpu.memory_space<vmem_shared>> -> memref<640x64xbf16, #tpu.memory_space<vmem_shared>>
      tpu.wait_dma2 semaphore(%run_scoped3A : memref<!tpu.dma_semaphore, #tpu.memory_space<semaphore_mem>>) src(%dma_wait3A_48 : memref<640x64xbf16, #tpu.memory_space<vmem_shared>>) dst(%dma_wait3A_46 : memref<640x64xbf16, #tpu.memory_space<hbm>>)
      tpu.yield
    }) : () -> ()
    return
  }
}

#map = affine_map<(d0, d1) -> (0, 0)>
#map1 = affine_map<(d0, d1) -> (0, 0, 0)>
module attributes {stable_mosaic.version = 14 : i64} {
  func.func @mp(%arg0: i32, %arg1: i32, %arg2: memref<10000x64xbf16, #tpu.memory_space<hbm>>, %arg3: memref<32x80x125xi32, #tpu.memory_space<hbm>>, %arg4: memref<32x80x125xi32, #tpu.memory_space<hbm>>, %arg5: memref<640x64xbf16, #tpu.memory_space<hbm>>, %arg6: memref<2x10240x64xbf16, #tpu.memory_space<hbm>>, %arg7: memref<80x125xi32, #tpu.memory_space<vmem>>, %arg8: memref<80x125xi32, #tpu.memory_space<vmem>>, %arg9: memref<125x64xbf16, #tpu.memory_space<vmem>>, %arg10: memref<125x64xbf16, #tpu.memory_space<vmem>>, %arg11: memref<125x64xbf16, #tpu.memory_space<vmem>>, %arg12: memref<125x64xbf16, #tpu.memory_space<vmem>>, %arg13: memref<10240x64xbf16, #tpu.memory_space<vmem_shared>>, %arg14: memref<!tpu.dma_semaphore, #tpu.memory_space<semaphore_mem>>, %arg15: memref<!tpu.dma_semaphore, #tpu.memory_space<semaphore_mem>>, %arg16: memref<!tpu.dma_semaphore, #tpu.memory_space<semaphore_mem>>, %arg17: memref<!tpu.dma_semaphore, #tpu.memory_space<semaphore_mem>>, %arg18: memref<!tpu.dma_semaphore, #tpu.memory_space<semaphore_mem>>, %arg19: memref<!tpu.dma_semaphore, #tpu.memory_space<semaphore_mem>>, %arg20: memref<!tpu.dma_semaphore, #tpu.memory_space<semaphore_mem>>, %arg21: memref<!tpu.dma_semaphore, #tpu.memory_space<semaphore_mem>>) attributes {dimension_semantics = [#tpu.dimension_semantics<core_parallel>, #tpu.dimension_semantics<subcore_parallel>], iteration_bounds = array<i64: 2, 16>, scalar_prefetch = 0 : i64, scratch_operands = 15 : i64, tpu.core_type = #tpu.core_type<sc_vector_subcore>, window_params = [{transform_indices = #map}, {transform_indices = #map1}, {transform_indices = #map1}, {transform_indices = #map}, {transform_indices = #map1}]} {
    %mul3A = arith.constant 2 : i32
    %mul3A_0 = arith.muli %arg1, %mul3A : i32
    %add3A = arith.addi %mul3A_0, %arg0 : i32
    "tpu.region"() ({
      %run_scoped3A = tpu.sem_alloc : memref<!tpu.dma_semaphore, #tpu.memory_space<semaphore_mem>>
      %dma_start3A_40 = arith.constant 0 : i32
      %dma_start3A_41 = arith.constant 0 : i32
      %dma_start3A_42 = tpu.memref_slice %arg3[%add3A, %dma_start3A_40, %dma_start3A_41] : memref<32x80x125xi32, #tpu.memory_space<hbm>> -> memref<1x80x125xi32, #tpu.memory_space<hbm>>
      %dma_start3A_43 = tpu.memref_squeeze %dma_start3A_42 : memref<1x80x125xi32, #tpu.memory_space<hbm>> -> memref<80x125xi32, #tpu.memory_space<hbm>>
      %dma_start3A_44 = arith.constant 0 : i32
      %dma_start3A_45 = arith.constant 0 : i32
      %dma_start3A_46 = tpu.memref_slice %arg3[%add3A, %dma_start3A_44, %dma_start3A_45] : memref<32x80x125xi32, #tpu.memory_space<hbm>> -> memref<1x80x125xi32, #tpu.memory_space<hbm>>
      %dma_start3A_47 = tpu.memref_squeeze %dma_start3A_46 : memref<1x80x125xi32, #tpu.memory_space<hbm>> -> memref<80x125xi32, #tpu.memory_space<hbm>>
      tpu.enqueue_dma source(%dma_start3A_47 : memref<80x125xi32, #tpu.memory_space<hbm>>) target(%arg7 : memref<80x125xi32, #tpu.memory_space<vmem>>) target_semaphore(%run_scoped3A : memref<!tpu.dma_semaphore, #tpu.memory_space<semaphore_mem>>)
      %dma_wait3A = arith.constant 0 : i32
      %dma_wait3A_48 = arith.constant 0 : i32
      %dma_wait3A_49 = tpu.memref_slice %arg3[%add3A, %dma_wait3A, %dma_wait3A_48] : memref<32x80x125xi32, #tpu.memory_space<hbm>> -> memref<1x80x125xi32, #tpu.memory_space<hbm>>
      %dma_wait3A_50 = tpu.memref_squeeze %dma_wait3A_49 : memref<1x80x125xi32, #tpu.memory_space<hbm>> -> memref<80x125xi32, #tpu.memory_space<hbm>>
      %dma_wait3A_51 = arith.constant 0 : i32
      %dma_wait3A_52 = arith.constant 0 : i32
      %dma_wait3A_53 = tpu.memref_slice %arg3[%add3A, %dma_wait3A_51, %dma_wait3A_52] : memref<32x80x125xi32, #tpu.memory_space<hbm>> -> memref<1x80x125xi32, #tpu.memory_space<hbm>>
      %dma_wait3A_54 = tpu.memref_squeeze %dma_wait3A_53 : memref<1x80x125xi32, #tpu.memory_space<hbm>> -> memref<80x125xi32, #tpu.memory_space<hbm>>
      tpu.wait_dma2 semaphore(%run_scoped3A : memref<!tpu.dma_semaphore, #tpu.memory_space<semaphore_mem>>) src(%dma_wait3A_54 : memref<80x125xi32, #tpu.memory_space<hbm>>) dst(%arg7 : memref<80x125xi32, #tpu.memory_space<vmem>>)
      tpu.yield
    }) : () -> ()
    "tpu.region"() ({
      %run_scoped3A = tpu.sem_alloc : memref<!tpu.dma_semaphore, #tpu.memory_space<semaphore_mem>>
      %dma_start3A_40 = arith.constant 0 : i32
      %dma_start3A_41 = arith.constant 0 : i32
      %dma_start3A_42 = tpu.memref_slice %arg4[%add3A, %dma_start3A_40, %dma_start3A_41] : memref<32x80x125xi32, #tpu.memory_space<hbm>> -> memref<1x80x125xi32, #tpu.memory_space<hbm>>
      %dma_start3A_43 = tpu.memref_squeeze %dma_start3A_42 : memref<1x80x125xi32, #tpu.memory_space<hbm>> -> memref<80x125xi32, #tpu.memory_space<hbm>>
      %dma_start3A_44 = arith.constant 0 : i32
      %dma_start3A_45 = arith.constant 0 : i32
      %dma_start3A_46 = tpu.memref_slice %arg4[%add3A, %dma_start3A_44, %dma_start3A_45] : memref<32x80x125xi32, #tpu.memory_space<hbm>> -> memref<1x80x125xi32, #tpu.memory_space<hbm>>
      %dma_start3A_47 = tpu.memref_squeeze %dma_start3A_46 : memref<1x80x125xi32, #tpu.memory_space<hbm>> -> memref<80x125xi32, #tpu.memory_space<hbm>>
      tpu.enqueue_dma source(%dma_start3A_47 : memref<80x125xi32, #tpu.memory_space<hbm>>) target(%arg8 : memref<80x125xi32, #tpu.memory_space<vmem>>) target_semaphore(%run_scoped3A : memref<!tpu.dma_semaphore, #tpu.memory_space<semaphore_mem>>)
      %dma_wait3A = arith.constant 0 : i32
      %dma_wait3A_48 = arith.constant 0 : i32
      %dma_wait3A_49 = tpu.memref_slice %arg4[%add3A, %dma_wait3A, %dma_wait3A_48] : memref<32x80x125xi32, #tpu.memory_space<hbm>> -> memref<1x80x125xi32, #tpu.memory_space<hbm>>
      %dma_wait3A_50 = tpu.memref_squeeze %dma_wait3A_49 : memref<1x80x125xi32, #tpu.memory_space<hbm>> -> memref<80x125xi32, #tpu.memory_space<hbm>>
      %dma_wait3A_51 = arith.constant 0 : i32
      %dma_wait3A_52 = arith.constant 0 : i32
      %dma_wait3A_53 = tpu.memref_slice %arg4[%add3A, %dma_wait3A_51, %dma_wait3A_52] : memref<32x80x125xi32, #tpu.memory_space<hbm>> -> memref<1x80x125xi32, #tpu.memory_space<hbm>>
      %dma_wait3A_54 = tpu.memref_squeeze %dma_wait3A_53 : memref<1x80x125xi32, #tpu.memory_space<hbm>> -> memref<80x125xi32, #tpu.memory_space<hbm>>
      tpu.wait_dma2 semaphore(%run_scoped3A : memref<!tpu.dma_semaphore, #tpu.memory_space<semaphore_mem>>) src(%dma_wait3A_54 : memref<80x125xi32, #tpu.memory_space<hbm>>) dst(%arg8 : memref<80x125xi32, #tpu.memory_space<vmem>>)
      tpu.yield
    }) : () -> ()
    %mul3A_1 = arith.constant 640 : i32
    %mul3A_2 = arith.muli %arg1, %mul3A_1 : i32
    "tpu.region"() ({
      %run_scoped3A = tpu.sem_alloc : memref<!tpu.dma_semaphore, #tpu.memory_space<semaphore_mem>>
      %dma_start3A_40 = arith.constant 0 : i32
      %dma_start3A_41 = tpu.memref_slice %arg13[%mul3A_2, %dma_start3A_40] : memref<10240x64xbf16, #tpu.memory_space<vmem_shared>> -> memref<640x64xbf16, #tpu.memory_space<vmem_shared>>
      tpu.enqueue_dma source(%arg5 : memref<640x64xbf16, #tpu.memory_space<hbm>>) target(%dma_start3A_41 : memref<640x64xbf16, #tpu.memory_space<vmem_shared>>) target_semaphore(%run_scoped3A : memref<!tpu.dma_semaphore, #tpu.memory_space<semaphore_mem>>)
      %dma_wait3A = arith.constant 0 : i32
      %dma_wait3A_42 = tpu.memref_slice %arg13[%mul3A_2, %dma_wait3A] : memref<10240x64xbf16, #tpu.memory_space<vmem_shared>> -> memref<640x64xbf16, #tpu.memory_space<vmem_shared>>
      tpu.wait_dma2 semaphore(%run_scoped3A : memref<!tpu.dma_semaphore, #tpu.memory_space<semaphore_mem>>) src(%arg5 : memref<640x64xbf16, #tpu.memory_space<hbm>>) dst(%dma_wait3A_42 : memref<640x64xbf16, #tpu.memory_space<vmem_shared>>)
      tpu.yield
    }) : () -> ()
    %barrier3A = arith.constant 0 : index
    tpu.barrier barrier_id(%barrier3A)
    %dma_start3A = arith.constant 0 : i32
    %dma_start3A_3 = arith.constant 0 : i32
    %dma_start3A_4 = tpu.memref_slice %arg7[%dma_start3A, %dma_start3A_3] : memref<80x125xi32, #tpu.memory_space<vmem>> -> memref<1x125xi32, #tpu.memory_space<vmem>>
    %dma_start3A_5 = tpu.memref_squeeze %dma_start3A_4 : memref<1x125xi32, #tpu.memory_space<vmem>> -> memref<125xi32, #tpu.memory_space<vmem>>
    %dma_start3A_6 = arith.constant 0 : i32
    %dma_start3A_7 = arith.constant 0 : i32
    %dma_start3A_8 = tpu.memref_slice %arg2[%dma_start3A_6, %dma_start3A_7] : memref<10000x64xbf16, #tpu.memory_space<hbm>> -> memref<10000x64xbf16, #tpu.memory_space<hbm>>
    tpu.enqueue_indirect_dma source(%dma_start3A_8 : memref<10000x64xbf16, #tpu.memory_space<hbm>>) target(%arg9 : memref<125x64xbf16, #tpu.memory_space<vmem>>) offsets(%dma_start3A_5 : memref<125xi32, #tpu.memory_space<vmem>>) semaphore(%arg14 : memref<!tpu.dma_semaphore, #tpu.memory_space<semaphore_mem>>)
    %dma_start3A_9 = arith.constant 1 : i32
    %dma_start3A_10 = arith.constant 0 : i32
    %dma_start3A_11 = tpu.memref_slice %arg7[%dma_start3A_9, %dma_start3A_10] : memref<80x125xi32, #tpu.memory_space<vmem>> -> memref<1x125xi32, #tpu.memory_space<vmem>>
    %dma_start3A_12 = tpu.memref_squeeze %dma_start3A_11 : memref<1x125xi32, #tpu.memory_space<vmem>> -> memref<125xi32, #tpu.memory_space<vmem>>
    %dma_start3A_13 = arith.constant 0 : i32
    %dma_start3A_14 = arith.constant 0 : i32
    %dma_start3A_15 = tpu.memref_slice %arg2[%dma_start3A_13, %dma_start3A_14] : memref<10000x64xbf16, #tpu.memory_space<hbm>> -> memref<10000x64xbf16, #tpu.memory_space<hbm>>
    tpu.enqueue_indirect_dma source(%dma_start3A_15 : memref<10000x64xbf16, #tpu.memory_space<hbm>>) target(%arg10 : memref<125x64xbf16, #tpu.memory_space<vmem>>) offsets(%dma_start3A_12 : memref<125xi32, #tpu.memory_space<vmem>>) semaphore(%arg15 : memref<!tpu.dma_semaphore, #tpu.memory_space<semaphore_mem>>)
    %dma_start3A_16 = arith.constant 2 : i32
    %dma_start3A_17 = arith.constant 0 : i32
    %dma_start3A_18 = tpu.memref_slice %arg7[%dma_start3A_16, %dma_start3A_17] : memref<80x125xi32, #tpu.memory_space<vmem>> -> memref<1x125xi32, #tpu.memory_space<vmem>>
    %dma_start3A_19 = tpu.memref_squeeze %dma_start3A_18 : memref<1x125xi32, #tpu.memory_space<vmem>> -> memref<125xi32, #tpu.memory_space<vmem>>
    %dma_start3A_20 = arith.constant 0 : i32
    %dma_start3A_21 = arith.constant 0 : i32
    %dma_start3A_22 = tpu.memref_slice %arg2[%dma_start3A_20, %dma_start3A_21] : memref<10000x64xbf16, #tpu.memory_space<hbm>> -> memref<10000x64xbf16, #tpu.memory_space<hbm>>
    tpu.enqueue_indirect_dma source(%dma_start3A_22 : memref<10000x64xbf16, #tpu.memory_space<hbm>>) target(%arg11 : memref<125x64xbf16, #tpu.memory_space<vmem>>) offsets(%dma_start3A_19 : memref<125xi32, #tpu.memory_space<vmem>>) semaphore(%arg16 : memref<!tpu.dma_semaphore, #tpu.memory_space<semaphore_mem>>)
    %dma_start3A_23 = arith.constant 3 : i32
    %dma_start3A_24 = arith.constant 0 : i32
    %dma_start3A_25 = tpu.memref_slice %arg7[%dma_start3A_23, %dma_start3A_24] : memref<80x125xi32, #tpu.memory_space<vmem>> -> memref<1x125xi32, #tpu.memory_space<vmem>>
    %dma_start3A_26 = tpu.memref_squeeze %dma_start3A_25 : memref<1x125xi32, #tpu.memory_space<vmem>> -> memref<125xi32, #tpu.memory_space<vmem>>
    %dma_start3A_27 = arith.constant 0 : i32
    %dma_start3A_28 = arith.constant 0 : i32
    %dma_start3A_29 = tpu.memref_slice %arg2[%dma_start3A_27, %dma_start3A_28] : memref<10000x64xbf16, #tpu.memory_space<hbm>> -> memref<10000x64xbf16, #tpu.memory_space<hbm>>
    tpu.enqueue_indirect_dma source(%dma_start3A_29 : memref<10000x64xbf16, #tpu.memory_space<hbm>>) target(%arg12 : memref<125x64xbf16, #tpu.memory_space<vmem>>) offsets(%dma_start3A_26 : memref<125xi32, #tpu.memory_space<vmem>>) semaphore(%arg17 : memref<!tpu.dma_semaphore, #tpu.memory_space<semaphore_mem>>)
    %scan3A = arith.constant 0 : i32
    %scan3A_30 = arith.constant 0 : i32
    %scan3A_31 = arith.constant 20 : i32
    %scan3A_32 = arith.addi %scan3A_30, %scan3A_31 : i32
    %scan3A_33 = arith.constant 1 : i32
    scf.for %scan3A_40 = %scan3A_30 to %scan3A_32 step %scan3A_33  : i32 {
      %mul3A_41 = arith.constant 4 : i32
      %mul3A_42 = arith.muli %mul3A_41, %scan3A_40 : i32
      %add3A_43 = arith.constant 0 : i32
      %add3A_44 = arith.addi %mul3A_42, %add3A_43 : i32
      %lt3A = arith.constant 80 : i32
      %lt3A_45 = arith.cmpi slt, %add3A_44, %lt3A : i32
      %convert_element_type3A = arith.extui %lt3A_45 : i1 to i32
      %cond3A = arith.constant 0 : i32
      %cond3A_46 = arith.cmpi ne, %convert_element_type3A, %cond3A : i32
      scf.if %cond3A_46 {
        %dma_wait3A = arith.constant 0 : i32
        %dma_wait3A_124 = tpu.memref_slice %arg7[%add3A_44, %dma_wait3A] : memref<80x125xi32, #tpu.memory_space<vmem>> -> memref<1x125xi32, #tpu.memory_space<vmem>>
        %dma_wait3A_125 = tpu.memref_squeeze %dma_wait3A_124 : memref<1x125xi32, #tpu.memory_space<vmem>> -> memref<125xi32, #tpu.memory_space<vmem>>
        %dma_wait3A_126 = arith.constant 0 : i32
        %dma_wait3A_127 = arith.constant 0 : i32
        %dma_wait3A_128 = tpu.memref_slice %arg2[%dma_wait3A_126, %dma_wait3A_127] : memref<10000x64xbf16, #tpu.memory_space<hbm>> -> memref<10000x64xbf16, #tpu.memory_space<hbm>>
        tpu.wait_indirect_dma semaphore(%arg14 : memref<!tpu.dma_semaphore, #tpu.memory_space<semaphore_mem>>) src(%dma_wait3A_128 : memref<10000x64xbf16, #tpu.memory_space<hbm>>) dst(%arg9 : memref<125x64xbf16, #tpu.memory_space<vmem>>)
        %dma_start3A_129 = arith.constant 0 : i32
        %dma_start3A_130 = tpu.memref_slice %arg8[%add3A_44, %dma_start3A_129] : memref<80x125xi32, #tpu.memory_space<vmem>> -> memref<1x125xi32, #tpu.memory_space<vmem>>
        %dma_start3A_131 = tpu.memref_squeeze %dma_start3A_130 : memref<1x125xi32, #tpu.memory_space<vmem>> -> memref<125xi32, #tpu.memory_space<vmem>>
        %dma_start3A_132 = arith.constant 0 : i32
        %dma_start3A_133 = arith.constant 0 : i32
        %dma_start3A_134 = tpu.memref_slice %arg13[%dma_start3A_132, %dma_start3A_133] : memref<10240x64xbf16, #tpu.memory_space<vmem_shared>> -> memref<10240x64xbf16, #tpu.memory_space<vmem_shared>>
        tpu.enqueue_indirect_dma source(%arg9 : memref<125x64xbf16, #tpu.memory_space<vmem>>) target(%dma_start3A_134 : memref<10240x64xbf16, #tpu.memory_space<vmem_shared>>) offsets(%dma_start3A_131 : memref<125xi32, #tpu.memory_space<vmem>>) semaphore(%arg18 : memref<!tpu.dma_semaphore, #tpu.memory_space<semaphore_mem>>) {add = true}
      } else {
      }
      %add3A_47 = arith.constant 1 : i32
      %add3A_48 = arith.addi %mul3A_42, %add3A_47 : i32
      %lt3A_49 = arith.constant 80 : i32
      %lt3A_50 = arith.cmpi slt, %add3A_48, %lt3A_49 : i32
      %convert_element_type3A_51 = arith.extui %lt3A_50 : i1 to i32
      %cond3A_52 = arith.constant 0 : i32
      %cond3A_53 = arith.cmpi ne, %convert_element_type3A_51, %cond3A_52 : i32
      scf.if %cond3A_53 {
        %dma_wait3A = arith.constant 0 : i32
        %dma_wait3A_124 = tpu.memref_slice %arg7[%add3A_48, %dma_wait3A] : memref<80x125xi32, #tpu.memory_space<vmem>> -> memref<1x125xi32, #tpu.memory_space<vmem>>
        %dma_wait3A_125 = tpu.memref_squeeze %dma_wait3A_124 : memref<1x125xi32, #tpu.memory_space<vmem>> -> memref<125xi32, #tpu.memory_space<vmem>>
        %dma_wait3A_126 = arith.constant 0 : i32
        %dma_wait3A_127 = arith.constant 0 : i32
        %dma_wait3A_128 = tpu.memref_slice %arg2[%dma_wait3A_126, %dma_wait3A_127] : memref<10000x64xbf16, #tpu.memory_space<hbm>> -> memref<10000x64xbf16, #tpu.memory_space<hbm>>
        tpu.wait_indirect_dma semaphore(%arg15 : memref<!tpu.dma_semaphore, #tpu.memory_space<semaphore_mem>>) src(%dma_wait3A_128 : memref<10000x64xbf16, #tpu.memory_space<hbm>>) dst(%arg10 : memref<125x64xbf16, #tpu.memory_space<vmem>>)
        %dma_start3A_129 = arith.constant 0 : i32
        %dma_start3A_130 = tpu.memref_slice %arg8[%add3A_48, %dma_start3A_129] : memref<80x125xi32, #tpu.memory_space<vmem>> -> memref<1x125xi32, #tpu.memory_space<vmem>>
        %dma_start3A_131 = tpu.memref_squeeze %dma_start3A_130 : memref<1x125xi32, #tpu.memory_space<vmem>> -> memref<125xi32, #tpu.memory_space<vmem>>
        %dma_start3A_132 = arith.constant 0 : i32
        %dma_start3A_133 = arith.constant 0 : i32
        %dma_start3A_134 = tpu.memref_slice %arg13[%dma_start3A_132, %dma_start3A_133] : memref<10240x64xbf16, #tpu.memory_space<vmem_shared>> -> memref<10240x64xbf16, #tpu.memory_space<vmem_shared>>
        tpu.enqueue_indirect_dma source(%arg10 : memref<125x64xbf16, #tpu.memory_space<vmem>>) target(%dma_start3A_134 : memref<10240x64xbf16, #tpu.memory_space<vmem_shared>>) offsets(%dma_start3A_131 : memref<125xi32, #tpu.memory_space<vmem>>) semaphore(%arg19 : memref<!tpu.dma_semaphore, #tpu.memory_space<semaphore_mem>>) {add = true}
      } else {
      }
      %add3A_54 = arith.constant 2 : i32
      %add3A_55 = arith.addi %mul3A_42, %add3A_54 : i32
      %lt3A_56 = arith.constant 80 : i32
      %lt3A_57 = arith.cmpi slt, %add3A_55, %lt3A_56 : i32
      %convert_element_type3A_58 = arith.extui %lt3A_57 : i1 to i32
      %cond3A_59 = arith.constant 0 : i32
      %cond3A_60 = arith.cmpi ne, %convert_element_type3A_58, %cond3A_59 : i32
      scf.if %cond3A_60 {
        %dma_wait3A = arith.constant 0 : i32
        %dma_wait3A_124 = tpu.memref_slice %arg7[%add3A_55, %dma_wait3A] : memref<80x125xi32, #tpu.memory_space<vmem>> -> memref<1x125xi32, #tpu.memory_space<vmem>>
        %dma_wait3A_125 = tpu.memref_squeeze %dma_wait3A_124 : memref<1x125xi32, #tpu.memory_space<vmem>> -> memref<125xi32, #tpu.memory_space<vmem>>
        %dma_wait3A_126 = arith.constant 0 : i32
        %dma_wait3A_127 = arith.constant 0 : i32
        %dma_wait3A_128 = tpu.memref_slice %arg2[%dma_wait3A_126, %dma_wait3A_127] : memref<10000x64xbf16, #tpu.memory_space<hbm>> -> memref<10000x64xbf16, #tpu.memory_space<hbm>>
        tpu.wait_indirect_dma semaphore(%arg16 : memref<!tpu.dma_semaphore, #tpu.memory_space<semaphore_mem>>) src(%dma_wait3A_128 : memref<10000x64xbf16, #tpu.memory_space<hbm>>) dst(%arg11 : memref<125x64xbf16, #tpu.memory_space<vmem>>)
        %dma_start3A_129 = arith.constant 0 : i32
        %dma_start3A_130 = tpu.memref_slice %arg8[%add3A_55, %dma_start3A_129] : memref<80x125xi32, #tpu.memory_space<vmem>> -> memref<1x125xi32, #tpu.memory_space<vmem>>
        %dma_start3A_131 = tpu.memref_squeeze %dma_start3A_130 : memref<1x125xi32, #tpu.memory_space<vmem>> -> memref<125xi32, #tpu.memory_space<vmem>>
        %dma_start3A_132 = arith.constant 0 : i32
        %dma_start3A_133 = arith.constant 0 : i32
        %dma_start3A_134 = tpu.memref_slice %arg13[%dma_start3A_132, %dma_start3A_133] : memref<10240x64xbf16, #tpu.memory_space<vmem_shared>> -> memref<10240x64xbf16, #tpu.memory_space<vmem_shared>>
        tpu.enqueue_indirect_dma source(%arg11 : memref<125x64xbf16, #tpu.memory_space<vmem>>) target(%dma_start3A_134 : memref<10240x64xbf16, #tpu.memory_space<vmem_shared>>) offsets(%dma_start3A_131 : memref<125xi32, #tpu.memory_space<vmem>>) semaphore(%arg20 : memref<!tpu.dma_semaphore, #tpu.memory_space<semaphore_mem>>) {add = true}
      } else {
      }
      %add3A_61 = arith.constant 3 : i32
      %add3A_62 = arith.addi %mul3A_42, %add3A_61 : i32
      %lt3A_63 = arith.constant 80 : i32
      %lt3A_64 = arith.cmpi slt, %add3A_62, %lt3A_63 : i32
      %convert_element_type3A_65 = arith.extui %lt3A_64 : i1 to i32
      %cond3A_66 = arith.constant 0 : i32
      %cond3A_67 = arith.cmpi ne, %convert_element_type3A_65, %cond3A_66 : i32
      scf.if %cond3A_67 {
        %dma_wait3A = arith.constant 0 : i32
        %dma_wait3A_124 = tpu.memref_slice %arg7[%add3A_62, %dma_wait3A] : memref<80x125xi32, #tpu.memory_space<vmem>> -> memref<1x125xi32, #tpu.memory_space<vmem>>
        %dma_wait3A_125 = tpu.memref_squeeze %dma_wait3A_124 : memref<1x125xi32, #tpu.memory_space<vmem>> -> memref<125xi32, #tpu.memory_space<vmem>>
        %dma_wait3A_126 = arith.constant 0 : i32
        %dma_wait3A_127 = arith.constant 0 : i32
        %dma_wait3A_128 = tpu.memref_slice %arg2[%dma_wait3A_126, %dma_wait3A_127] : memref<10000x64xbf16, #tpu.memory_space<hbm>> -> memref<10000x64xbf16, #tpu.memory_space<hbm>>
        tpu.wait_indirect_dma semaphore(%arg17 : memref<!tpu.dma_semaphore, #tpu.memory_space<semaphore_mem>>) src(%dma_wait3A_128 : memref<10000x64xbf16, #tpu.memory_space<hbm>>) dst(%arg12 : memref<125x64xbf16, #tpu.memory_space<vmem>>)
        %dma_start3A_129 = arith.constant 0 : i32
        %dma_start3A_130 = tpu.memref_slice %arg8[%add3A_62, %dma_start3A_129] : memref<80x125xi32, #tpu.memory_space<vmem>> -> memref<1x125xi32, #tpu.memory_space<vmem>>
        %dma_start3A_131 = tpu.memref_squeeze %dma_start3A_130 : memref<1x125xi32, #tpu.memory_space<vmem>> -> memref<125xi32, #tpu.memory_space<vmem>>
        %dma_start3A_132 = arith.constant 0 : i32
        %dma_start3A_133 = arith.constant 0 : i32
        %dma_start3A_134 = tpu.memref_slice %arg13[%dma_start3A_132, %dma_start3A_133] : memref<10240x64xbf16, #tpu.memory_space<vmem_shared>> -> memref<10240x64xbf16, #tpu.memory_space<vmem_shared>>
        tpu.enqueue_indirect_dma source(%arg12 : memref<125x64xbf16, #tpu.memory_space<vmem>>) target(%dma_start3A_134 : memref<10240x64xbf16, #tpu.memory_space<vmem_shared>>) offsets(%dma_start3A_131 : memref<125xi32, #tpu.memory_space<vmem>>) semaphore(%arg21 : memref<!tpu.dma_semaphore, #tpu.memory_space<semaphore_mem>>) {add = true}
      } else {
      }
      %add3A_68 = arith.constant 0 : i32
      %add3A_69 = arith.addi %mul3A_42, %add3A_68 : i32
      %lt3A_70 = arith.constant 80 : i32
      %lt3A_71 = arith.cmpi slt, %add3A_69, %lt3A_70 : i32
      %convert_element_type3A_72 = arith.extui %lt3A_71 : i1 to i32
      %cond3A_73 = arith.constant 0 : i32
      %cond3A_74 = arith.cmpi ne, %convert_element_type3A_72, %cond3A_73 : i32
      scf.if %cond3A_74 {
        %dma_wait3A = arith.constant 0 : i32
        %dma_wait3A_124 = tpu.memref_slice %arg8[%add3A_69, %dma_wait3A] : memref<80x125xi32, #tpu.memory_space<vmem>> -> memref<1x125xi32, #tpu.memory_space<vmem>>
        %dma_wait3A_125 = tpu.memref_squeeze %dma_wait3A_124 : memref<1x125xi32, #tpu.memory_space<vmem>> -> memref<125xi32, #tpu.memory_space<vmem>>
        %dma_wait3A_126 = arith.constant 0 : i32
        %dma_wait3A_127 = arith.constant 0 : i32
        %dma_wait3A_128 = tpu.memref_slice %arg13[%dma_wait3A_126, %dma_wait3A_127] : memref<10240x64xbf16, #tpu.memory_space<vmem_shared>> -> memref<10240x64xbf16, #tpu.memory_space<vmem_shared>>
        tpu.wait_indirect_dma semaphore(%arg18 : memref<!tpu.dma_semaphore, #tpu.memory_space<semaphore_mem>>) src(%arg9 : memref<125x64xbf16, #tpu.memory_space<vmem>>) dst(%dma_wait3A_128 : memref<10240x64xbf16, #tpu.memory_space<vmem_shared>>)
      } else {
      }
      %add3A_75 = arith.constant 4 : i32
      %add3A_76 = arith.addi %add3A_69, %add3A_75 : i32
      %lt3A_77 = arith.constant 80 : i32
      %lt3A_78 = arith.cmpi slt, %add3A_76, %lt3A_77 : i32
      %convert_element_type3A_79 = arith.extui %lt3A_78 : i1 to i32
      %cond3A_80 = arith.constant 0 : i32
      %cond3A_81 = arith.cmpi ne, %convert_element_type3A_79, %cond3A_80 : i32
      scf.if %cond3A_81 {
        %add3A_124 = arith.constant 4 : i32
        %add3A_125 = arith.addi %add3A_69, %add3A_124 : i32
        %dma_start3A_126 = arith.constant 0 : i32
        %dma_start3A_127 = tpu.memref_slice %arg7[%add3A_125, %dma_start3A_126] : memref<80x125xi32, #tpu.memory_space<vmem>> -> memref<1x125xi32, #tpu.memory_space<vmem>>
        %dma_start3A_128 = tpu.memref_squeeze %dma_start3A_127 : memref<1x125xi32, #tpu.memory_space<vmem>> -> memref<125xi32, #tpu.memory_space<vmem>>
        %dma_start3A_129 = arith.constant 0 : i32
        %dma_start3A_130 = arith.constant 0 : i32
        %dma_start3A_131 = tpu.memref_slice %arg2[%dma_start3A_129, %dma_start3A_130] : memref<10000x64xbf16, #tpu.memory_space<hbm>> -> memref<10000x64xbf16, #tpu.memory_space<hbm>>
        tpu.enqueue_indirect_dma source(%dma_start3A_131 : memref<10000x64xbf16, #tpu.memory_space<hbm>>) target(%arg9 : memref<125x64xbf16, #tpu.memory_space<vmem>>) offsets(%dma_start3A_128 : memref<125xi32, #tpu.memory_space<vmem>>) semaphore(%arg14 : memref<!tpu.dma_semaphore, #tpu.memory_space<semaphore_mem>>)
      } else {
      }
      %add3A_82 = arith.constant 1 : i32
      %add3A_83 = arith.addi %mul3A_42, %add3A_82 : i32
      %lt3A_84 = arith.constant 80 : i32
      %lt3A_85 = arith.cmpi slt, %add3A_83, %lt3A_84 : i32
      %convert_element_type3A_86 = arith.extui %lt3A_85 : i1 to i32
      %cond3A_87 = arith.constant 0 : i32
      %cond3A_88 = arith.cmpi ne, %convert_element_type3A_86, %cond3A_87 : i32
      scf.if %cond3A_88 {
        %dma_wait3A = arith.constant 0 : i32
        %dma_wait3A_124 = tpu.memref_slice %arg8[%add3A_83, %dma_wait3A] : memref<80x125xi32, #tpu.memory_space<vmem>> -> memref<1x125xi32, #tpu.memory_space<vmem>>
        %dma_wait3A_125 = tpu.memref_squeeze %dma_wait3A_124 : memref<1x125xi32, #tpu.memory_space<vmem>> -> memref<125xi32, #tpu.memory_space<vmem>>
        %dma_wait3A_126 = arith.constant 0 : i32
        %dma_wait3A_127 = arith.constant 0 : i32
        %dma_wait3A_128 = tpu.memref_slice %arg13[%dma_wait3A_126, %dma_wait3A_127] : memref<10240x64xbf16, #tpu.memory_space<vmem_shared>> -> memref<10240x64xbf16, #tpu.memory_space<vmem_shared>>
        tpu.wait_indirect_dma semaphore(%arg19 : memref<!tpu.dma_semaphore, #tpu.memory_space<semaphore_mem>>) src(%arg10 : memref<125x64xbf16, #tpu.memory_space<vmem>>) dst(%dma_wait3A_128 : memref<10240x64xbf16, #tpu.memory_space<vmem_shared>>)
      } else {
      }
      %add3A_89 = arith.constant 4 : i32
      %add3A_90 = arith.addi %add3A_83, %add3A_89 : i32
      %lt3A_91 = arith.constant 80 : i32
      %lt3A_92 = arith.cmpi slt, %add3A_90, %lt3A_91 : i32
      %convert_element_type3A_93 = arith.extui %lt3A_92 : i1 to i32
      %cond3A_94 = arith.constant 0 : i32
      %cond3A_95 = arith.cmpi ne, %convert_element_type3A_93, %cond3A_94 : i32
      scf.if %cond3A_95 {
        %add3A_124 = arith.constant 4 : i32
        %add3A_125 = arith.addi %add3A_83, %add3A_124 : i32
        %dma_start3A_126 = arith.constant 0 : i32
        %dma_start3A_127 = tpu.memref_slice %arg7[%add3A_125, %dma_start3A_126] : memref<80x125xi32, #tpu.memory_space<vmem>> -> memref<1x125xi32, #tpu.memory_space<vmem>>
        %dma_start3A_128 = tpu.memref_squeeze %dma_start3A_127 : memref<1x125xi32, #tpu.memory_space<vmem>> -> memref<125xi32, #tpu.memory_space<vmem>>
        %dma_start3A_129 = arith.constant 0 : i32
        %dma_start3A_130 = arith.constant 0 : i32
        %dma_start3A_131 = tpu.memref_slice %arg2[%dma_start3A_129, %dma_start3A_130] : memref<10000x64xbf16, #tpu.memory_space<hbm>> -> memref<10000x64xbf16, #tpu.memory_space<hbm>>
        tpu.enqueue_indirect_dma source(%dma_start3A_131 : memref<10000x64xbf16, #tpu.memory_space<hbm>>) target(%arg10 : memref<125x64xbf16, #tpu.memory_space<vmem>>) offsets(%dma_start3A_128 : memref<125xi32, #tpu.memory_space<vmem>>) semaphore(%arg15 : memref<!tpu.dma_semaphore, #tpu.memory_space<semaphore_mem>>)
      } else {
      }
      %add3A_96 = arith.constant 2 : i32
      %add3A_97 = arith.addi %mul3A_42, %add3A_96 : i32
      %lt3A_98 = arith.constant 80 : i32
      %lt3A_99 = arith.cmpi slt, %add3A_97, %lt3A_98 : i32
      %convert_element_type3A_100 = arith.extui %lt3A_99 : i1 to i32
      %cond3A_101 = arith.constant 0 : i32
      %cond3A_102 = arith.cmpi ne, %convert_element_type3A_100, %cond3A_101 : i32
      scf.if %cond3A_102 {
        %dma_wait3A = arith.constant 0 : i32
        %dma_wait3A_124 = tpu.memref_slice %arg8[%add3A_97, %dma_wait3A] : memref<80x125xi32, #tpu.memory_space<vmem>> -> memref<1x125xi32, #tpu.memory_space<vmem>>
        %dma_wait3A_125 = tpu.memref_squeeze %dma_wait3A_124 : memref<1x125xi32, #tpu.memory_space<vmem>> -> memref<125xi32, #tpu.memory_space<vmem>>
        %dma_wait3A_126 = arith.constant 0 : i32
        %dma_wait3A_127 = arith.constant 0 : i32
        %dma_wait3A_128 = tpu.memref_slice %arg13[%dma_wait3A_126, %dma_wait3A_127] : memref<10240x64xbf16, #tpu.memory_space<vmem_shared>> -> memref<10240x64xbf16, #tpu.memory_space<vmem_shared>>
        tpu.wait_indirect_dma semaphore(%arg20 : memref<!tpu.dma_semaphore, #tpu.memory_space<semaphore_mem>>) src(%arg11 : memref<125x64xbf16, #tpu.memory_space<vmem>>) dst(%dma_wait3A_128 : memref<10240x64xbf16, #tpu.memory_space<vmem_shared>>)
      } else {
      }
      %add3A_103 = arith.constant 4 : i32
      %add3A_104 = arith.addi %add3A_97, %add3A_103 : i32
      %lt3A_105 = arith.constant 80 : i32
      %lt3A_106 = arith.cmpi slt, %add3A_104, %lt3A_105 : i32
      %convert_element_type3A_107 = arith.extui %lt3A_106 : i1 to i32
      %cond3A_108 = arith.constant 0 : i32
      %cond3A_109 = arith.cmpi ne, %convert_element_type3A_107, %cond3A_108 : i32
      scf.if %cond3A_109 {
        %add3A_124 = arith.constant 4 : i32
        %add3A_125 = arith.addi %add3A_97, %add3A_124 : i32
        %dma_start3A_126 = arith.constant 0 : i32
        %dma_start3A_127 = tpu.memref_slice %arg7[%add3A_125, %dma_start3A_126] : memref<80x125xi32, #tpu.memory_space<vmem>> -> memref<1x125xi32, #tpu.memory_space<vmem>>
        %dma_start3A_128 = tpu.memref_squeeze %dma_start3A_127 : memref<1x125xi32, #tpu.memory_space<vmem>> -> memref<125xi32, #tpu.memory_space<vmem>>
        %dma_start3A_129 = arith.constant 0 : i32
        %dma_start3A_130 = arith.constant 0 : i32
        %dma_start3A_131 = tpu.memref_slice %arg2[%dma_start3A_129, %dma_start3A_130] : memref<10000x64xbf16, #tpu.memory_space<hbm>> -> memref<10000x64xbf16, #tpu.memory_space<hbm>>
        tpu.enqueue_indirect_dma source(%dma_start3A_131 : memref<10000x64xbf16, #tpu.memory_space<hbm>>) target(%arg11 : memref<125x64xbf16, #tpu.memory_space<vmem>>) offsets(%dma_start3A_128 : memref<125xi32, #tpu.memory_space<vmem>>) semaphore(%arg16 : memref<!tpu.dma_semaphore, #tpu.memory_space<semaphore_mem>>)
      } else {
      }
      %add3A_110 = arith.constant 3 : i32
      %add3A_111 = arith.addi %mul3A_42, %add3A_110 : i32
      %lt3A_112 = arith.constant 80 : i32
      %lt3A_113 = arith.cmpi slt, %add3A_111, %lt3A_112 : i32
      %convert_element_type3A_114 = arith.extui %lt3A_113 : i1 to i32
      %cond3A_115 = arith.constant 0 : i32
      %cond3A_116 = arith.cmpi ne, %convert_element_type3A_114, %cond3A_115 : i32
      scf.if %cond3A_116 {
        %dma_wait3A = arith.constant 0 : i32
        %dma_wait3A_124 = tpu.memref_slice %arg8[%add3A_111, %dma_wait3A] : memref<80x125xi32, #tpu.memory_space<vmem>> -> memref<1x125xi32, #tpu.memory_space<vmem>>
        %dma_wait3A_125 = tpu.memref_squeeze %dma_wait3A_124 : memref<1x125xi32, #tpu.memory_space<vmem>> -> memref<125xi32, #tpu.memory_space<vmem>>
        %dma_wait3A_126 = arith.constant 0 : i32
        %dma_wait3A_127 = arith.constant 0 : i32
        %dma_wait3A_128 = tpu.memref_slice %arg13[%dma_wait3A_126, %dma_wait3A_127] : memref<10240x64xbf16, #tpu.memory_space<vmem_shared>> -> memref<10240x64xbf16, #tpu.memory_space<vmem_shared>>
        tpu.wait_indirect_dma semaphore(%arg21 : memref<!tpu.dma_semaphore, #tpu.memory_space<semaphore_mem>>) src(%arg12 : memref<125x64xbf16, #tpu.memory_space<vmem>>) dst(%dma_wait3A_128 : memref<10240x64xbf16, #tpu.memory_space<vmem_shared>>)
      } else {
      }
      %add3A_117 = arith.constant 4 : i32
      %add3A_118 = arith.addi %add3A_111, %add3A_117 : i32
      %lt3A_119 = arith.constant 80 : i32
      %lt3A_120 = arith.cmpi slt, %add3A_118, %lt3A_119 : i32
      %convert_element_type3A_121 = arith.extui %lt3A_120 : i1 to i32
      %cond3A_122 = arith.constant 0 : i32
      %cond3A_123 = arith.cmpi ne, %convert_element_type3A_121, %cond3A_122 : i32
      scf.if %cond3A_123 {
        %add3A_124 = arith.constant 4 : i32
        %add3A_125 = arith.addi %add3A_111, %add3A_124 : i32
        %dma_start3A_126 = arith.constant 0 : i32
        %dma_start3A_127 = tpu.memref_slice %arg7[%add3A_125, %dma_start3A_126] : memref<80x125xi32, #tpu.memory_space<vmem>> -> memref<1x125xi32, #tpu.memory_space<vmem>>
        %dma_start3A_128 = tpu.memref_squeeze %dma_start3A_127 : memref<1x125xi32, #tpu.memory_space<vmem>> -> memref<125xi32, #tpu.memory_space<vmem>>
        %dma_start3A_129 = arith.constant 0 : i32
        %dma_start3A_130 = arith.constant 0 : i32
        %dma_start3A_131 = tpu.memref_slice %arg2[%dma_start3A_129, %dma_start3A_130] : memref<10000x64xbf16, #tpu.memory_space<hbm>> -> memref<10000x64xbf16, #tpu.memory_space<hbm>>
        tpu.enqueue_indirect_dma source(%dma_start3A_131 : memref<10000x64xbf16, #tpu.memory_space<hbm>>) target(%arg12 : memref<125x64xbf16, #tpu.memory_space<vmem>>) offsets(%dma_start3A_128 : memref<125xi32, #tpu.memory_space<vmem>>) semaphore(%arg17 : memref<!tpu.dma_semaphore, #tpu.memory_space<semaphore_mem>>)
      } else {
      }
    }
    %scan3A_34 = arith.constant 20 : i32
    %barrier3A_35 = arith.constant 0 : index
    tpu.barrier barrier_id(%barrier3A_35)
    %mul3A_36 = arith.constant 640 : i32
    %mul3A_37 = arith.muli %arg1, %mul3A_36 : i32
    %mul3A_38 = arith.constant 640 : i32
    %mul3A_39 = arith.muli %arg1, %mul3A_38 : i32
    "tpu.region"() ({
      %run_scoped3A = tpu.sem_alloc : memref<!tpu.dma_semaphore, #tpu.memory_space<semaphore_mem>>
      %dma_start3A_40 = arith.constant 0 : i32
      %dma_start3A_41 = tpu.memref_slice %arg6[%arg0, %mul3A_39, %dma_start3A_40] : memref<2x10240x64xbf16, #tpu.memory_space<hbm>> -> memref<1x640x64xbf16, #tpu.memory_space<hbm>>
      %dma_start3A_42 = tpu.memref_squeeze %dma_start3A_41 : memref<1x640x64xbf16, #tpu.memory_space<hbm>> -> memref<640x64xbf16, #tpu.memory_space<hbm>>
      %dma_start3A_43 = arith.constant 0 : i32
      %dma_start3A_44 = tpu.memref_slice %arg13[%mul3A_37, %dma_start3A_43] : memref<10240x64xbf16, #tpu.memory_space<vmem_shared>> -> memref<640x64xbf16, #tpu.memory_space<vmem_shared>>
      tpu.enqueue_dma source(%dma_start3A_44 : memref<640x64xbf16, #tpu.memory_space<vmem_shared>>) target(%dma_start3A_42 : memref<640x64xbf16, #tpu.memory_space<hbm>>) target_semaphore(%run_scoped3A : memref<!tpu.dma_semaphore, #tpu.memory_space<semaphore_mem>>)
      %dma_wait3A = arith.constant 0 : i32
      %dma_wait3A_45 = tpu.memref_slice %arg6[%arg0, %mul3A_39, %dma_wait3A] : memref<2x10240x64xbf16, #tpu.memory_space<hbm>> -> memref<1x640x64xbf16, #tpu.memory_space<hbm>>
      %dma_wait3A_46 = tpu.memref_squeeze %dma_wait3A_45 : memref<1x640x64xbf16, #tpu.memory_space<hbm>> -> memref<640x64xbf16, #tpu.memory_space<hbm>>
      %dma_wait3A_47 = arith.constant 0 : i32
      %dma_wait3A_48 = tpu.memref_slice %arg13[%mul3A_37, %dma_wait3A_47] : memref<10240x64xbf16, #tpu.memory_space<vmem_shared>> -> memref<640x64xbf16, #tpu.memory_space<vmem_shared>>
      tpu.wait_dma2 semaphore(%run_scoped3A : memref<!tpu.dma_semaphore, #tpu.memory_space<semaphore_mem>>) src(%dma_wait3A_48 : memref<640x64xbf16, #tpu.memory_space<vmem_shared>>) dst(%dma_wait3A_46 : memref<640x64xbf16, #tpu.memory_space<hbm>>)
      tpu.yield
    }) : () -> ()
    return
  }
}

#map = affine_map<(d0, d1) -> (0, 0, 0)>
#map1 = affine_map<(d0, d1) -> (0, 0)>
module attributes {stable_mosaic.version = 14 : i64} {
  func.func @_deg_kernel(%arg0: i32, %arg1: i32, %arg2: memref<32x80x125xi32, #tpu.memory_space<hbm>>, %arg3: memref<125x16xf32, #tpu.memory_space<hbm>>, %arg4: memref<640x16xf32, #tpu.memory_space<hbm>>, %arg5: memref<2x10240x16xf32, #tpu.memory_space<hbm>>, %arg6: memref<80x125xi32, #tpu.memory_space<vmem>>, %arg7: memref<125x16xf32, #tpu.memory_space<vmem>>, %arg8: memref<10240x16xf32, #tpu.memory_space<vmem_shared>>) attributes {dimension_semantics = [#tpu.dimension_semantics<core_parallel>, #tpu.dimension_semantics<subcore_parallel>], iteration_bounds = array<i64: 2, 16>, scalar_prefetch = 0 : i64, scratch_operands = 3 : i64, tpu.core_type = #tpu.core_type<sc_vector_subcore>, window_params = [{transform_indices = #map}, {transform_indices = #map1}, {transform_indices = #map1}, {transform_indices = #map}]} {
    %mul3A = arith.constant 2 : i32
    %mul3A_0 = arith.muli %arg1, %mul3A : i32
    %add3A = arith.addi %mul3A_0, %arg0 : i32
    "tpu.region"() ({
      %run_scoped3A = tpu.sem_alloc : memref<!tpu.dma_semaphore, #tpu.memory_space<semaphore_mem>>
      %dma_start3A = arith.constant 0 : i32
      %dma_start3A_13 = arith.constant 0 : i32
      %dma_start3A_14 = tpu.memref_slice %arg2[%add3A, %dma_start3A, %dma_start3A_13] : memref<32x80x125xi32, #tpu.memory_space<hbm>> -> memref<1x80x125xi32, #tpu.memory_space<hbm>>
      %dma_start3A_15 = tpu.memref_squeeze %dma_start3A_14 : memref<1x80x125xi32, #tpu.memory_space<hbm>> -> memref<80x125xi32, #tpu.memory_space<hbm>>
      %dma_start3A_16 = arith.constant 0 : i32
      %dma_start3A_17 = arith.constant 0 : i32
      %dma_start3A_18 = tpu.memref_slice %arg2[%add3A, %dma_start3A_16, %dma_start3A_17] : memref<32x80x125xi32, #tpu.memory_space<hbm>> -> memref<1x80x125xi32, #tpu.memory_space<hbm>>
      %dma_start3A_19 = tpu.memref_squeeze %dma_start3A_18 : memref<1x80x125xi32, #tpu.memory_space<hbm>> -> memref<80x125xi32, #tpu.memory_space<hbm>>
      tpu.enqueue_dma source(%dma_start3A_19 : memref<80x125xi32, #tpu.memory_space<hbm>>) target(%arg6 : memref<80x125xi32, #tpu.memory_space<vmem>>) target_semaphore(%run_scoped3A : memref<!tpu.dma_semaphore, #tpu.memory_space<semaphore_mem>>)
      %dma_wait3A = arith.constant 0 : i32
      %dma_wait3A_20 = arith.constant 0 : i32
      %dma_wait3A_21 = tpu.memref_slice %arg2[%add3A, %dma_wait3A, %dma_wait3A_20] : memref<32x80x125xi32, #tpu.memory_space<hbm>> -> memref<1x80x125xi32, #tpu.memory_space<hbm>>
      %dma_wait3A_22 = tpu.memref_squeeze %dma_wait3A_21 : memref<1x80x125xi32, #tpu.memory_space<hbm>> -> memref<80x125xi32, #tpu.memory_space<hbm>>
      %dma_wait3A_23 = arith.constant 0 : i32
      %dma_wait3A_24 = arith.constant 0 : i32
      %dma_wait3A_25 = tpu.memref_slice %arg2[%add3A, %dma_wait3A_23, %dma_wait3A_24] : memref<32x80x125xi32, #tpu.memory_space<hbm>> -> memref<1x80x125xi32, #tpu.memory_space<hbm>>
      %dma_wait3A_26 = tpu.memref_squeeze %dma_wait3A_25 : memref<1x80x125xi32, #tpu.memory_space<hbm>> -> memref<80x125xi32, #tpu.memory_space<hbm>>
      tpu.wait_dma2 semaphore(%run_scoped3A : memref<!tpu.dma_semaphore, #tpu.memory_space<semaphore_mem>>) src(%dma_wait3A_26 : memref<80x125xi32, #tpu.memory_space<hbm>>) dst(%arg6 : memref<80x125xi32, #tpu.memory_space<vmem>>)
      tpu.yield
    }) : () -> ()
    "tpu.region"() ({
      %run_scoped3A = tpu.sem_alloc : memref<!tpu.dma_semaphore, #tpu.memory_space<semaphore_mem>>
      tpu.enqueue_dma source(%arg3 : memref<125x16xf32, #tpu.memory_space<hbm>>) target(%arg7 : memref<125x16xf32, #tpu.memory_space<vmem>>) target_semaphore(%run_scoped3A : memref<!tpu.dma_semaphore, #tpu.memory_space<semaphore_mem>>)
      tpu.wait_dma2 semaphore(%run_scoped3A : memref<!tpu.dma_semaphore, #tpu.memory_space<semaphore_mem>>) src(%arg3 : memref<125x16xf32, #tpu.memory_space<hbm>>) dst(%arg7 : memref<125x16xf32, #tpu.memory_space<vmem>>)
      tpu.yield
    }) : () -> ()
    %mul3A_1 = arith.constant 640 : i32
    %mul3A_2 = arith.muli %arg1, %mul3A_1 : i32
    "tpu.region"() ({
      %run_scoped3A = tpu.sem_alloc : memref<!tpu.dma_semaphore, #tpu.memory_space<semaphore_mem>>
      %dma_start3A = arith.constant 0 : i32
      %dma_start3A_13 = tpu.memref_slice %arg8[%mul3A_2, %dma_start3A] : memref<10240x16xf32, #tpu.memory_space<vmem_shared>> -> memref<640x16xf32, #tpu.memory_space<vmem_shared>>
      tpu.enqueue_dma source(%arg4 : memref<640x16xf32, #tpu.memory_space<hbm>>) target(%dma_start3A_13 : memref<640x16xf32, #tpu.memory_space<vmem_shared>>) target_semaphore(%run_scoped3A : memref<!tpu.dma_semaphore, #tpu.memory_space<semaphore_mem>>)
      %dma_wait3A = arith.constant 0 : i32
      %dma_wait3A_14 = tpu.memref_slice %arg8[%mul3A_2, %dma_wait3A] : memref<10240x16xf32, #tpu.memory_space<vmem_shared>> -> memref<640x16xf32, #tpu.memory_space<vmem_shared>>
      tpu.wait_dma2 semaphore(%run_scoped3A : memref<!tpu.dma_semaphore, #tpu.memory_space<semaphore_mem>>) src(%arg4 : memref<640x16xf32, #tpu.memory_space<hbm>>) dst(%dma_wait3A_14 : memref<640x16xf32, #tpu.memory_space<vmem_shared>>)
      tpu.yield
    }) : () -> ()
    %barrier3A = arith.constant 0 : index
    tpu.barrier barrier_id(%barrier3A)
    %scan3A = arith.constant 0 : i32
    %scan3A_3 = arith.constant 0 : i32
    %scan3A_4 = arith.constant 80 : i32
    %scan3A_5 = arith.addi %scan3A_3, %scan3A_4 : i32
    %scan3A_6 = arith.constant 1 : i32
    scf.for %scan3A_13 = %scan3A_3 to %scan3A_5 step %scan3A_6  : i32 {
      "tpu.region"() ({
        %run_scoped3A = tpu.sem_alloc : memref<!tpu.dma_semaphore, #tpu.memory_space<semaphore_mem>>
        %dma_start3A = arith.constant 0 : i32
        %dma_start3A_14 = tpu.memref_slice %arg6[%scan3A_13, %dma_start3A] : memref<80x125xi32, #tpu.memory_space<vmem>> -> memref<1x125xi32, #tpu.memory_space<vmem>>
        %dma_start3A_15 = tpu.memref_squeeze %dma_start3A_14 : memref<1x125xi32, #tpu.memory_space<vmem>> -> memref<125xi32, #tpu.memory_space<vmem>>
        %dma_start3A_16 = arith.constant 0 : i32
        %dma_start3A_17 = arith.constant 0 : i32
        %dma_start3A_18 = tpu.memref_slice %arg8[%dma_start3A_16, %dma_start3A_17] : memref<10240x16xf32, #tpu.memory_space<vmem_shared>> -> memref<10240x16xf32, #tpu.memory_space<vmem_shared>>
        tpu.enqueue_indirect_dma source(%arg7 : memref<125x16xf32, #tpu.memory_space<vmem>>) target(%dma_start3A_18 : memref<10240x16xf32, #tpu.memory_space<vmem_shared>>) offsets(%dma_start3A_15 : memref<125xi32, #tpu.memory_space<vmem>>) semaphore(%run_scoped3A : memref<!tpu.dma_semaphore, #tpu.memory_space<semaphore_mem>>) {add = true}
        %dma_wait3A = arith.constant 0 : i32
        %dma_wait3A_19 = tpu.memref_slice %arg6[%scan3A_13, %dma_wait3A] : memref<80x125xi32, #tpu.memory_space<vmem>> -> memref<1x125xi32, #tpu.memory_space<vmem>>
        %dma_wait3A_20 = tpu.memref_squeeze %dma_wait3A_19 : memref<1x125xi32, #tpu.memory_space<vmem>> -> memref<125xi32, #tpu.memory_space<vmem>>
        %dma_wait3A_21 = arith.constant 0 : i32
        %dma_wait3A_22 = arith.constant 0 : i32
        %dma_wait3A_23 = tpu.memref_slice %arg8[%dma_wait3A_21, %dma_wait3A_22] : memref<10240x16xf32, #tpu.memory_space<vmem_shared>> -> memref<10240x16xf32, #tpu.memory_space<vmem_shared>>
        tpu.wait_indirect_dma semaphore(%run_scoped3A : memref<!tpu.dma_semaphore, #tpu.memory_space<semaphore_mem>>) src(%arg7 : memref<125x16xf32, #tpu.memory_space<vmem>>) dst(%dma_wait3A_23 : memref<10240x16xf32, #tpu.memory_space<vmem_shared>>)
        tpu.yield
      }) : () -> ()
    }
    %scan3A_7 = arith.constant 80 : i32
    %barrier3A_8 = arith.constant 0 : index
    tpu.barrier barrier_id(%barrier3A_8)
    %mul3A_9 = arith.constant 640 : i32
    %mul3A_10 = arith.muli %arg1, %mul3A_9 : i32
    %mul3A_11 = arith.constant 640 : i32
    %mul3A_12 = arith.muli %arg1, %mul3A_11 : i32
    "tpu.region"() ({
      %run_scoped3A = tpu.sem_alloc : memref<!tpu.dma_semaphore, #tpu.memory_space<semaphore_mem>>
      %dma_start3A = arith.constant 0 : i32
      %dma_start3A_13 = tpu.memref_slice %arg5[%arg0, %mul3A_12, %dma_start3A] : memref<2x10240x16xf32, #tpu.memory_space<hbm>> -> memref<1x640x16xf32, #tpu.memory_space<hbm>>
      %dma_start3A_14 = tpu.memref_squeeze %dma_start3A_13 : memref<1x640x16xf32, #tpu.memory_space<hbm>> -> memref<640x16xf32, #tpu.memory_space<hbm>>
      %dma_start3A_15 = arith.constant 0 : i32
      %dma_start3A_16 = tpu.memref_slice %arg8[%mul3A_10, %dma_start3A_15] : memref<10240x16xf32, #tpu.memory_space<vmem_shared>> -> memref<640x16xf32, #tpu.memory_space<vmem_shared>>
      tpu.enqueue_dma source(%dma_start3A_16 : memref<640x16xf32, #tpu.memory_space<vmem_shared>>) target(%dma_start3A_14 : memref<640x16xf32, #tpu.memory_space<hbm>>) target_semaphore(%run_scoped3A : memref<!tpu.dma_semaphore, #tpu.memory_space<semaphore_mem>>)
      %dma_wait3A = arith.constant 0 : i32
      %dma_wait3A_17 = tpu.memref_slice %arg5[%arg0, %mul3A_12, %dma_wait3A] : memref<2x10240x16xf32, #tpu.memory_space<hbm>> -> memref<1x640x16xf32, #tpu.memory_space<hbm>>
      %dma_wait3A_18 = tpu.memref_squeeze %dma_wait3A_17 : memref<1x640x16xf32, #tpu.memory_space<hbm>> -> memref<640x16xf32, #tpu.memory_space<hbm>>
      %dma_wait3A_19 = arith.constant 0 : i32
      %dma_wait3A_20 = tpu.memref_slice %arg8[%mul3A_10, %dma_wait3A_19] : memref<10240x16xf32, #tpu.memory_space<vmem_shared>> -> memref<640x16xf32, #tpu.memory_space<vmem_shared>>
      tpu.wait_dma2 semaphore(%run_scoped3A : memref<!tpu.dma_semaphore, #tpu.memory_space<semaphore_mem>>) src(%dma_wait3A_20 : memref<640x16xf32, #tpu.memory_space<vmem_shared>>) dst(%dma_wait3A_18 : memref<640x16xf32, #tpu.memory_space<hbm>>)
      tpu.yield
    }) : () -> ()
    return
  }
}

#map = affine_map<(d0, d1) -> (0, 0)>
#map1 = affine_map<(d0, d1) -> (0, 0, 0)>
module attributes {stable_mosaic.version = 14 : i64} {
  func.func @mp(%arg0: i32, %arg1: i32, %arg2: memref<10000x64xbf16, #tpu.memory_space<hbm>>, %arg3: memref<32x80x125xi32, #tpu.memory_space<hbm>>, %arg4: memref<32x80x125xi32, #tpu.memory_space<hbm>>, %arg5: memref<640x64xbf16, #tpu.memory_space<hbm>>, %arg6: memref<2x10240x64xbf16, #tpu.memory_space<hbm>>, %arg7: memref<80x125xi32, #tpu.memory_space<vmem>>, %arg8: memref<80x125xi32, #tpu.memory_space<vmem>>, %arg9: memref<125x64xbf16, #tpu.memory_space<vmem>>, %arg10: memref<125x64xbf16, #tpu.memory_space<vmem>>, %arg11: memref<125x64xbf16, #tpu.memory_space<vmem>>, %arg12: memref<125x64xbf16, #tpu.memory_space<vmem>>, %arg13: memref<10240x64xbf16, #tpu.memory_space<vmem_shared>>, %arg14: memref<!tpu.dma_semaphore, #tpu.memory_space<semaphore_mem>>, %arg15: memref<!tpu.dma_semaphore, #tpu.memory_space<semaphore_mem>>, %arg16: memref<!tpu.dma_semaphore, #tpu.memory_space<semaphore_mem>>, %arg17: memref<!tpu.dma_semaphore, #tpu.memory_space<semaphore_mem>>, %arg18: memref<!tpu.dma_semaphore, #tpu.memory_space<semaphore_mem>>, %arg19: memref<!tpu.dma_semaphore, #tpu.memory_space<semaphore_mem>>, %arg20: memref<!tpu.dma_semaphore, #tpu.memory_space<semaphore_mem>>, %arg21: memref<!tpu.dma_semaphore, #tpu.memory_space<semaphore_mem>>) attributes {dimension_semantics = [#tpu.dimension_semantics<core_parallel>, #tpu.dimension_semantics<subcore_parallel>], iteration_bounds = array<i64: 2, 16>, scalar_prefetch = 0 : i64, scratch_operands = 15 : i64, tpu.core_type = #tpu.core_type<sc_vector_subcore>, window_params = [{transform_indices = #map}, {transform_indices = #map1}, {transform_indices = #map1}, {transform_indices = #map}, {transform_indices = #map1}]} {
    %mul3A = arith.constant 2 : i32
    %mul3A_0 = arith.muli %arg1, %mul3A : i32
    %add3A = arith.addi %mul3A_0, %arg0 : i32
    "tpu.region"() ({
      %run_scoped3A = tpu.sem_alloc : memref<!tpu.dma_semaphore, #tpu.memory_space<semaphore_mem>>
      %dma_start3A_40 = arith.constant 0 : i32
      %dma_start3A_41 = arith.constant 0 : i32
      %dma_start3A_42 = tpu.memref_slice %arg3[%add3A, %dma_start3A_40, %dma_start3A_41] : memref<32x80x125xi32, #tpu.memory_space<hbm>> -> memref<1x80x125xi32, #tpu.memory_space<hbm>>
      %dma_start3A_43 = tpu.memref_squeeze %dma_start3A_42 : memref<1x80x125xi32, #tpu.memory_space<hbm>> -> memref<80x125xi32, #tpu.memory_space<hbm>>
      %dma_start3A_44 = arith.constant 0 : i32
      %dma_start3A_45 = arith.constant 0 : i32
      %dma_start3A_46 = tpu.memref_slice %arg3[%add3A, %dma_start3A_44, %dma_start3A_45] : memref<32x80x125xi32, #tpu.memory_space<hbm>> -> memref<1x80x125xi32, #tpu.memory_space<hbm>>
      %dma_start3A_47 = tpu.memref_squeeze %dma_start3A_46 : memref<1x80x125xi32, #tpu.memory_space<hbm>> -> memref<80x125xi32, #tpu.memory_space<hbm>>
      tpu.enqueue_dma source(%dma_start3A_47 : memref<80x125xi32, #tpu.memory_space<hbm>>) target(%arg7 : memref<80x125xi32, #tpu.memory_space<vmem>>) target_semaphore(%run_scoped3A : memref<!tpu.dma_semaphore, #tpu.memory_space<semaphore_mem>>)
      %dma_wait3A = arith.constant 0 : i32
      %dma_wait3A_48 = arith.constant 0 : i32
      %dma_wait3A_49 = tpu.memref_slice %arg3[%add3A, %dma_wait3A, %dma_wait3A_48] : memref<32x80x125xi32, #tpu.memory_space<hbm>> -> memref<1x80x125xi32, #tpu.memory_space<hbm>>
      %dma_wait3A_50 = tpu.memref_squeeze %dma_wait3A_49 : memref<1x80x125xi32, #tpu.memory_space<hbm>> -> memref<80x125xi32, #tpu.memory_space<hbm>>
      %dma_wait3A_51 = arith.constant 0 : i32
      %dma_wait3A_52 = arith.constant 0 : i32
      %dma_wait3A_53 = tpu.memref_slice %arg3[%add3A, %dma_wait3A_51, %dma_wait3A_52] : memref<32x80x125xi32, #tpu.memory_space<hbm>> -> memref<1x80x125xi32, #tpu.memory_space<hbm>>
      %dma_wait3A_54 = tpu.memref_squeeze %dma_wait3A_53 : memref<1x80x125xi32, #tpu.memory_space<hbm>> -> memref<80x125xi32, #tpu.memory_space<hbm>>
      tpu.wait_dma2 semaphore(%run_scoped3A : memref<!tpu.dma_semaphore, #tpu.memory_space<semaphore_mem>>) src(%dma_wait3A_54 : memref<80x125xi32, #tpu.memory_space<hbm>>) dst(%arg7 : memref<80x125xi32, #tpu.memory_space<vmem>>)
      tpu.yield
    }) : () -> ()
    "tpu.region"() ({
      %run_scoped3A = tpu.sem_alloc : memref<!tpu.dma_semaphore, #tpu.memory_space<semaphore_mem>>
      %dma_start3A_40 = arith.constant 0 : i32
      %dma_start3A_41 = arith.constant 0 : i32
      %dma_start3A_42 = tpu.memref_slice %arg4[%add3A, %dma_start3A_40, %dma_start3A_41] : memref<32x80x125xi32, #tpu.memory_space<hbm>> -> memref<1x80x125xi32, #tpu.memory_space<hbm>>
      %dma_start3A_43 = tpu.memref_squeeze %dma_start3A_42 : memref<1x80x125xi32, #tpu.memory_space<hbm>> -> memref<80x125xi32, #tpu.memory_space<hbm>>
      %dma_start3A_44 = arith.constant 0 : i32
      %dma_start3A_45 = arith.constant 0 : i32
      %dma_start3A_46 = tpu.memref_slice %arg4[%add3A, %dma_start3A_44, %dma_start3A_45] : memref<32x80x125xi32, #tpu.memory_space<hbm>> -> memref<1x80x125xi32, #tpu.memory_space<hbm>>
      %dma_start3A_47 = tpu.memref_squeeze %dma_start3A_46 : memref<1x80x125xi32, #tpu.memory_space<hbm>> -> memref<80x125xi32, #tpu.memory_space<hbm>>
      tpu.enqueue_dma source(%dma_start3A_47 : memref<80x125xi32, #tpu.memory_space<hbm>>) target(%arg8 : memref<80x125xi32, #tpu.memory_space<vmem>>) target_semaphore(%run_scoped3A : memref<!tpu.dma_semaphore, #tpu.memory_space<semaphore_mem>>)
      %dma_wait3A = arith.constant 0 : i32
      %dma_wait3A_48 = arith.constant 0 : i32
      %dma_wait3A_49 = tpu.memref_slice %arg4[%add3A, %dma_wait3A, %dma_wait3A_48] : memref<32x80x125xi32, #tpu.memory_space<hbm>> -> memref<1x80x125xi32, #tpu.memory_space<hbm>>
      %dma_wait3A_50 = tpu.memref_squeeze %dma_wait3A_49 : memref<1x80x125xi32, #tpu.memory_space<hbm>> -> memref<80x125xi32, #tpu.memory_space<hbm>>
      %dma_wait3A_51 = arith.constant 0 : i32
      %dma_wait3A_52 = arith.constant 0 : i32
      %dma_wait3A_53 = tpu.memref_slice %arg4[%add3A, %dma_wait3A_51, %dma_wait3A_52] : memref<32x80x125xi32, #tpu.memory_space<hbm>> -> memref<1x80x125xi32, #tpu.memory_space<hbm>>
      %dma_wait3A_54 = tpu.memref_squeeze %dma_wait3A_53 : memref<1x80x125xi32, #tpu.memory_space<hbm>> -> memref<80x125xi32, #tpu.memory_space<hbm>>
      tpu.wait_dma2 semaphore(%run_scoped3A : memref<!tpu.dma_semaphore, #tpu.memory_space<semaphore_mem>>) src(%dma_wait3A_54 : memref<80x125xi32, #tpu.memory_space<hbm>>) dst(%arg8 : memref<80x125xi32, #tpu.memory_space<vmem>>)
      tpu.yield
    }) : () -> ()
    %mul3A_1 = arith.constant 640 : i32
    %mul3A_2 = arith.muli %arg1, %mul3A_1 : i32
    "tpu.region"() ({
      %run_scoped3A = tpu.sem_alloc : memref<!tpu.dma_semaphore, #tpu.memory_space<semaphore_mem>>
      %dma_start3A_40 = arith.constant 0 : i32
      %dma_start3A_41 = tpu.memref_slice %arg13[%mul3A_2, %dma_start3A_40] : memref<10240x64xbf16, #tpu.memory_space<vmem_shared>> -> memref<640x64xbf16, #tpu.memory_space<vmem_shared>>
      tpu.enqueue_dma source(%arg5 : memref<640x64xbf16, #tpu.memory_space<hbm>>) target(%dma_start3A_41 : memref<640x64xbf16, #tpu.memory_space<vmem_shared>>) target_semaphore(%run_scoped3A : memref<!tpu.dma_semaphore, #tpu.memory_space<semaphore_mem>>)
      %dma_wait3A = arith.constant 0 : i32
      %dma_wait3A_42 = tpu.memref_slice %arg13[%mul3A_2, %dma_wait3A] : memref<10240x64xbf16, #tpu.memory_space<vmem_shared>> -> memref<640x64xbf16, #tpu.memory_space<vmem_shared>>
      tpu.wait_dma2 semaphore(%run_scoped3A : memref<!tpu.dma_semaphore, #tpu.memory_space<semaphore_mem>>) src(%arg5 : memref<640x64xbf16, #tpu.memory_space<hbm>>) dst(%dma_wait3A_42 : memref<640x64xbf16, #tpu.memory_space<vmem_shared>>)
      tpu.yield
    }) : () -> ()
    %barrier3A = arith.constant 0 : index
    tpu.barrier barrier_id(%barrier3A)
    %dma_start3A = arith.constant 0 : i32
    %dma_start3A_3 = arith.constant 0 : i32
    %dma_start3A_4 = tpu.memref_slice %arg7[%dma_start3A, %dma_start3A_3] : memref<80x125xi32, #tpu.memory_space<vmem>> -> memref<1x125xi32, #tpu.memory_space<vmem>>
    %dma_start3A_5 = tpu.memref_squeeze %dma_start3A_4 : memref<1x125xi32, #tpu.memory_space<vmem>> -> memref<125xi32, #tpu.memory_space<vmem>>
    %dma_start3A_6 = arith.constant 0 : i32
    %dma_start3A_7 = arith.constant 0 : i32
    %dma_start3A_8 = tpu.memref_slice %arg2[%dma_start3A_6, %dma_start3A_7] : memref<10000x64xbf16, #tpu.memory_space<hbm>> -> memref<10000x64xbf16, #tpu.memory_space<hbm>>
    tpu.enqueue_indirect_dma source(%dma_start3A_8 : memref<10000x64xbf16, #tpu.memory_space<hbm>>) target(%arg9 : memref<125x64xbf16, #tpu.memory_space<vmem>>) offsets(%dma_start3A_5 : memref<125xi32, #tpu.memory_space<vmem>>) semaphore(%arg14 : memref<!tpu.dma_semaphore, #tpu.memory_space<semaphore_mem>>)
    %dma_start3A_9 = arith.constant 1 : i32
    %dma_start3A_10 = arith.constant 0 : i32
    %dma_start3A_11 = tpu.memref_slice %arg7[%dma_start3A_9, %dma_start3A_10] : memref<80x125xi32, #tpu.memory_space<vmem>> -> memref<1x125xi32, #tpu.memory_space<vmem>>
    %dma_start3A_12 = tpu.memref_squeeze %dma_start3A_11 : memref<1x125xi32, #tpu.memory_space<vmem>> -> memref<125xi32, #tpu.memory_space<vmem>>
    %dma_start3A_13 = arith.constant 0 : i32
    %dma_start3A_14 = arith.constant 0 : i32
    %dma_start3A_15 = tpu.memref_slice %arg2[%dma_start3A_13, %dma_start3A_14] : memref<10000x64xbf16, #tpu.memory_space<hbm>> -> memref<10000x64xbf16, #tpu.memory_space<hbm>>
    tpu.enqueue_indirect_dma source(%dma_start3A_15 : memref<10000x64xbf16, #tpu.memory_space<hbm>>) target(%arg10 : memref<125x64xbf16, #tpu.memory_space<vmem>>) offsets(%dma_start3A_12 : memref<125xi32, #tpu.memory_space<vmem>>) semaphore(%arg15 : memref<!tpu.dma_semaphore, #tpu.memory_space<semaphore_mem>>)
    %dma_start3A_16 = arith.constant 2 : i32
    %dma_start3A_17 = arith.constant 0 : i32
    %dma_start3A_18 = tpu.memref_slice %arg7[%dma_start3A_16, %dma_start3A_17] : memref<80x125xi32, #tpu.memory_space<vmem>> -> memref<1x125xi32, #tpu.memory_space<vmem>>
    %dma_start3A_19 = tpu.memref_squeeze %dma_start3A_18 : memref<1x125xi32, #tpu.memory_space<vmem>> -> memref<125xi32, #tpu.memory_space<vmem>>
    %dma_start3A_20 = arith.constant 0 : i32
    %dma_start3A_21 = arith.constant 0 : i32
    %dma_start3A_22 = tpu.memref_slice %arg2[%dma_start3A_20, %dma_start3A_21] : memref<10000x64xbf16, #tpu.memory_space<hbm>> -> memref<10000x64xbf16, #tpu.memory_space<hbm>>
    tpu.enqueue_indirect_dma source(%dma_start3A_22 : memref<10000x64xbf16, #tpu.memory_space<hbm>>) target(%arg11 : memref<125x64xbf16, #tpu.memory_space<vmem>>) offsets(%dma_start3A_19 : memref<125xi32, #tpu.memory_space<vmem>>) semaphore(%arg16 : memref<!tpu.dma_semaphore, #tpu.memory_space<semaphore_mem>>)
    %dma_start3A_23 = arith.constant 3 : i32
    %dma_start3A_24 = arith.constant 0 : i32
    %dma_start3A_25 = tpu.memref_slice %arg7[%dma_start3A_23, %dma_start3A_24] : memref<80x125xi32, #tpu.memory_space<vmem>> -> memref<1x125xi32, #tpu.memory_space<vmem>>
    %dma_start3A_26 = tpu.memref_squeeze %dma_start3A_25 : memref<1x125xi32, #tpu.memory_space<vmem>> -> memref<125xi32, #tpu.memory_space<vmem>>
    %dma_start3A_27 = arith.constant 0 : i32
    %dma_start3A_28 = arith.constant 0 : i32
    %dma_start3A_29 = tpu.memref_slice %arg2[%dma_start3A_27, %dma_start3A_28] : memref<10000x64xbf16, #tpu.memory_space<hbm>> -> memref<10000x64xbf16, #tpu.memory_space<hbm>>
    tpu.enqueue_indirect_dma source(%dma_start3A_29 : memref<10000x64xbf16, #tpu.memory_space<hbm>>) target(%arg12 : memref<125x64xbf16, #tpu.memory_space<vmem>>) offsets(%dma_start3A_26 : memref<125xi32, #tpu.memory_space<vmem>>) semaphore(%arg17 : memref<!tpu.dma_semaphore, #tpu.memory_space<semaphore_mem>>)
    %scan3A = arith.constant 0 : i32
    %scan3A_30 = arith.constant 0 : i32
    %scan3A_31 = arith.constant 20 : i32
    %scan3A_32 = arith.addi %scan3A_30, %scan3A_31 : i32
    %scan3A_33 = arith.constant 1 : i32
    scf.for %scan3A_40 = %scan3A_30 to %scan3A_32 step %scan3A_33  : i32 {
      %mul3A_41 = arith.constant 4 : i32
      %mul3A_42 = arith.muli %mul3A_41, %scan3A_40 : i32
      %add3A_43 = arith.constant 0 : i32
      %add3A_44 = arith.addi %mul3A_42, %add3A_43 : i32
      %lt3A = arith.constant 80 : i32
      %lt3A_45 = arith.cmpi slt, %add3A_44, %lt3A : i32
      %convert_element_type3A = arith.extui %lt3A_45 : i1 to i32
      %cond3A = arith.constant 0 : i32
      %cond3A_46 = arith.cmpi ne, %convert_element_type3A, %cond3A : i32
      scf.if %cond3A_46 {
        %dma_wait3A = arith.constant 0 : i32
        %dma_wait3A_124 = tpu.memref_slice %arg7[%add3A_44, %dma_wait3A] : memref<80x125xi32, #tpu.memory_space<vmem>> -> memref<1x125xi32, #tpu.memory_space<vmem>>
        %dma_wait3A_125 = tpu.memref_squeeze %dma_wait3A_124 : memref<1x125xi32, #tpu.memory_space<vmem>> -> memref<125xi32, #tpu.memory_space<vmem>>
        %dma_wait3A_126 = arith.constant 0 : i32
        %dma_wait3A_127 = arith.constant 0 : i32
        %dma_wait3A_128 = tpu.memref_slice %arg2[%dma_wait3A_126, %dma_wait3A_127] : memref<10000x64xbf16, #tpu.memory_space<hbm>> -> memref<10000x64xbf16, #tpu.memory_space<hbm>>
        tpu.wait_indirect_dma semaphore(%arg14 : memref<!tpu.dma_semaphore, #tpu.memory_space<semaphore_mem>>) src(%dma_wait3A_128 : memref<10000x64xbf16, #tpu.memory_space<hbm>>) dst(%arg9 : memref<125x64xbf16, #tpu.memory_space<vmem>>)
        %dma_start3A_129 = arith.constant 0 : i32
        %dma_start3A_130 = tpu.memref_slice %arg8[%add3A_44, %dma_start3A_129] : memref<80x125xi32, #tpu.memory_space<vmem>> -> memref<1x125xi32, #tpu.memory_space<vmem>>
        %dma_start3A_131 = tpu.memref_squeeze %dma_start3A_130 : memref<1x125xi32, #tpu.memory_space<vmem>> -> memref<125xi32, #tpu.memory_space<vmem>>
        %dma_start3A_132 = arith.constant 0 : i32
        %dma_start3A_133 = arith.constant 0 : i32
        %dma_start3A_134 = tpu.memref_slice %arg13[%dma_start3A_132, %dma_start3A_133] : memref<10240x64xbf16, #tpu.memory_space<vmem_shared>> -> memref<10240x64xbf16, #tpu.memory_space<vmem_shared>>
        tpu.enqueue_indirect_dma source(%arg9 : memref<125x64xbf16, #tpu.memory_space<vmem>>) target(%dma_start3A_134 : memref<10240x64xbf16, #tpu.memory_space<vmem_shared>>) offsets(%dma_start3A_131 : memref<125xi32, #tpu.memory_space<vmem>>) semaphore(%arg18 : memref<!tpu.dma_semaphore, #tpu.memory_space<semaphore_mem>>) {add = true}
      } else {
      }
      %add3A_47 = arith.constant 1 : i32
      %add3A_48 = arith.addi %mul3A_42, %add3A_47 : i32
      %lt3A_49 = arith.constant 80 : i32
      %lt3A_50 = arith.cmpi slt, %add3A_48, %lt3A_49 : i32
      %convert_element_type3A_51 = arith.extui %lt3A_50 : i1 to i32
      %cond3A_52 = arith.constant 0 : i32
      %cond3A_53 = arith.cmpi ne, %convert_element_type3A_51, %cond3A_52 : i32
      scf.if %cond3A_53 {
        %dma_wait3A = arith.constant 0 : i32
        %dma_wait3A_124 = tpu.memref_slice %arg7[%add3A_48, %dma_wait3A] : memref<80x125xi32, #tpu.memory_space<vmem>> -> memref<1x125xi32, #tpu.memory_space<vmem>>
        %dma_wait3A_125 = tpu.memref_squeeze %dma_wait3A_124 : memref<1x125xi32, #tpu.memory_space<vmem>> -> memref<125xi32, #tpu.memory_space<vmem>>
        %dma_wait3A_126 = arith.constant 0 : i32
        %dma_wait3A_127 = arith.constant 0 : i32
        %dma_wait3A_128 = tpu.memref_slice %arg2[%dma_wait3A_126, %dma_wait3A_127] : memref<10000x64xbf16, #tpu.memory_space<hbm>> -> memref<10000x64xbf16, #tpu.memory_space<hbm>>
        tpu.wait_indirect_dma semaphore(%arg15 : memref<!tpu.dma_semaphore, #tpu.memory_space<semaphore_mem>>) src(%dma_wait3A_128 : memref<10000x64xbf16, #tpu.memory_space<hbm>>) dst(%arg10 : memref<125x64xbf16, #tpu.memory_space<vmem>>)
        %dma_start3A_129 = arith.constant 0 : i32
        %dma_start3A_130 = tpu.memref_slice %arg8[%add3A_48, %dma_start3A_129] : memref<80x125xi32, #tpu.memory_space<vmem>> -> memref<1x125xi32, #tpu.memory_space<vmem>>
        %dma_start3A_131 = tpu.memref_squeeze %dma_start3A_130 : memref<1x125xi32, #tpu.memory_space<vmem>> -> memref<125xi32, #tpu.memory_space<vmem>>
        %dma_start3A_132 = arith.constant 0 : i32
        %dma_start3A_133 = arith.constant 0 : i32
        %dma_start3A_134 = tpu.memref_slice %arg13[%dma_start3A_132, %dma_start3A_133] : memref<10240x64xbf16, #tpu.memory_space<vmem_shared>> -> memref<10240x64xbf16, #tpu.memory_space<vmem_shared>>
        tpu.enqueue_indirect_dma source(%arg10 : memref<125x64xbf16, #tpu.memory_space<vmem>>) target(%dma_start3A_134 : memref<10240x64xbf16, #tpu.memory_space<vmem_shared>>) offsets(%dma_start3A_131 : memref<125xi32, #tpu.memory_space<vmem>>) semaphore(%arg19 : memref<!tpu.dma_semaphore, #tpu.memory_space<semaphore_mem>>) {add = true}
      } else {
      }
      %add3A_54 = arith.constant 2 : i32
      %add3A_55 = arith.addi %mul3A_42, %add3A_54 : i32
      %lt3A_56 = arith.constant 80 : i32
      %lt3A_57 = arith.cmpi slt, %add3A_55, %lt3A_56 : i32
      %convert_element_type3A_58 = arith.extui %lt3A_57 : i1 to i32
      %cond3A_59 = arith.constant 0 : i32
      %cond3A_60 = arith.cmpi ne, %convert_element_type3A_58, %cond3A_59 : i32
      scf.if %cond3A_60 {
        %dma_wait3A = arith.constant 0 : i32
        %dma_wait3A_124 = tpu.memref_slice %arg7[%add3A_55, %dma_wait3A] : memref<80x125xi32, #tpu.memory_space<vmem>> -> memref<1x125xi32, #tpu.memory_space<vmem>>
        %dma_wait3A_125 = tpu.memref_squeeze %dma_wait3A_124 : memref<1x125xi32, #tpu.memory_space<vmem>> -> memref<125xi32, #tpu.memory_space<vmem>>
        %dma_wait3A_126 = arith.constant 0 : i32
        %dma_wait3A_127 = arith.constant 0 : i32
        %dma_wait3A_128 = tpu.memref_slice %arg2[%dma_wait3A_126, %dma_wait3A_127] : memref<10000x64xbf16, #tpu.memory_space<hbm>> -> memref<10000x64xbf16, #tpu.memory_space<hbm>>
        tpu.wait_indirect_dma semaphore(%arg16 : memref<!tpu.dma_semaphore, #tpu.memory_space<semaphore_mem>>) src(%dma_wait3A_128 : memref<10000x64xbf16, #tpu.memory_space<hbm>>) dst(%arg11 : memref<125x64xbf16, #tpu.memory_space<vmem>>)
        %dma_start3A_129 = arith.constant 0 : i32
        %dma_start3A_130 = tpu.memref_slice %arg8[%add3A_55, %dma_start3A_129] : memref<80x125xi32, #tpu.memory_space<vmem>> -> memref<1x125xi32, #tpu.memory_space<vmem>>
        %dma_start3A_131 = tpu.memref_squeeze %dma_start3A_130 : memref<1x125xi32, #tpu.memory_space<vmem>> -> memref<125xi32, #tpu.memory_space<vmem>>
        %dma_start3A_132 = arith.constant 0 : i32
        %dma_start3A_133 = arith.constant 0 : i32
        %dma_start3A_134 = tpu.memref_slice %arg13[%dma_start3A_132, %dma_start3A_133] : memref<10240x64xbf16, #tpu.memory_space<vmem_shared>> -> memref<10240x64xbf16, #tpu.memory_space<vmem_shared>>
        tpu.enqueue_indirect_dma source(%arg11 : memref<125x64xbf16, #tpu.memory_space<vmem>>) target(%dma_start3A_134 : memref<10240x64xbf16, #tpu.memory_space<vmem_shared>>) offsets(%dma_start3A_131 : memref<125xi32, #tpu.memory_space<vmem>>) semaphore(%arg20 : memref<!tpu.dma_semaphore, #tpu.memory_space<semaphore_mem>>) {add = true}
      } else {
      }
      %add3A_61 = arith.constant 3 : i32
      %add3A_62 = arith.addi %mul3A_42, %add3A_61 : i32
      %lt3A_63 = arith.constant 80 : i32
      %lt3A_64 = arith.cmpi slt, %add3A_62, %lt3A_63 : i32
      %convert_element_type3A_65 = arith.extui %lt3A_64 : i1 to i32
      %cond3A_66 = arith.constant 0 : i32
      %cond3A_67 = arith.cmpi ne, %convert_element_type3A_65, %cond3A_66 : i32
      scf.if %cond3A_67 {
        %dma_wait3A = arith.constant 0 : i32
        %dma_wait3A_124 = tpu.memref_slice %arg7[%add3A_62, %dma_wait3A] : memref<80x125xi32, #tpu.memory_space<vmem>> -> memref<1x125xi32, #tpu.memory_space<vmem>>
        %dma_wait3A_125 = tpu.memref_squeeze %dma_wait3A_124 : memref<1x125xi32, #tpu.memory_space<vmem>> -> memref<125xi32, #tpu.memory_space<vmem>>
        %dma_wait3A_126 = arith.constant 0 : i32
        %dma_wait3A_127 = arith.constant 0 : i32
        %dma_wait3A_128 = tpu.memref_slice %arg2[%dma_wait3A_126, %dma_wait3A_127] : memref<10000x64xbf16, #tpu.memory_space<hbm>> -> memref<10000x64xbf16, #tpu.memory_space<hbm>>
        tpu.wait_indirect_dma semaphore(%arg17 : memref<!tpu.dma_semaphore, #tpu.memory_space<semaphore_mem>>) src(%dma_wait3A_128 : memref<10000x64xbf16, #tpu.memory_space<hbm>>) dst(%arg12 : memref<125x64xbf16, #tpu.memory_space<vmem>>)
        %dma_start3A_129 = arith.constant 0 : i32
        %dma_start3A_130 = tpu.memref_slice %arg8[%add3A_62, %dma_start3A_129] : memref<80x125xi32, #tpu.memory_space<vmem>> -> memref<1x125xi32, #tpu.memory_space<vmem>>
        %dma_start3A_131 = tpu.memref_squeeze %dma_start3A_130 : memref<1x125xi32, #tpu.memory_space<vmem>> -> memref<125xi32, #tpu.memory_space<vmem>>
        %dma_start3A_132 = arith.constant 0 : i32
        %dma_start3A_133 = arith.constant 0 : i32
        %dma_start3A_134 = tpu.memref_slice %arg13[%dma_start3A_132, %dma_start3A_133] : memref<10240x64xbf16, #tpu.memory_space<vmem_shared>> -> memref<10240x64xbf16, #tpu.memory_space<vmem_shared>>
        tpu.enqueue_indirect_dma source(%arg12 : memref<125x64xbf16, #tpu.memory_space<vmem>>) target(%dma_start3A_134 : memref<10240x64xbf16, #tpu.memory_space<vmem_shared>>) offsets(%dma_start3A_131 : memref<125xi32, #tpu.memory_space<vmem>>) semaphore(%arg21 : memref<!tpu.dma_semaphore, #tpu.memory_space<semaphore_mem>>) {add = true}
      } else {
      }
      %add3A_68 = arith.constant 0 : i32
      %add3A_69 = arith.addi %mul3A_42, %add3A_68 : i32
      %lt3A_70 = arith.constant 80 : i32
      %lt3A_71 = arith.cmpi slt, %add3A_69, %lt3A_70 : i32
      %convert_element_type3A_72 = arith.extui %lt3A_71 : i1 to i32
      %cond3A_73 = arith.constant 0 : i32
      %cond3A_74 = arith.cmpi ne, %convert_element_type3A_72, %cond3A_73 : i32
      scf.if %cond3A_74 {
        %dma_wait3A = arith.constant 0 : i32
        %dma_wait3A_124 = tpu.memref_slice %arg8[%add3A_69, %dma_wait3A] : memref<80x125xi32, #tpu.memory_space<vmem>> -> memref<1x125xi32, #tpu.memory_space<vmem>>
        %dma_wait3A_125 = tpu.memref_squeeze %dma_wait3A_124 : memref<1x125xi32, #tpu.memory_space<vmem>> -> memref<125xi32, #tpu.memory_space<vmem>>
        %dma_wait3A_126 = arith.constant 0 : i32
        %dma_wait3A_127 = arith.constant 0 : i32
        %dma_wait3A_128 = tpu.memref_slice %arg13[%dma_wait3A_126, %dma_wait3A_127] : memref<10240x64xbf16, #tpu.memory_space<vmem_shared>> -> memref<10240x64xbf16, #tpu.memory_space<vmem_shared>>
        tpu.wait_indirect_dma semaphore(%arg18 : memref<!tpu.dma_semaphore, #tpu.memory_space<semaphore_mem>>) src(%arg9 : memref<125x64xbf16, #tpu.memory_space<vmem>>) dst(%dma_wait3A_128 : memref<10240x64xbf16, #tpu.memory_space<vmem_shared>>)
      } else {
      }
      %add3A_75 = arith.constant 4 : i32
      %add3A_76 = arith.addi %add3A_69, %add3A_75 : i32
      %lt3A_77 = arith.constant 80 : i32
      %lt3A_78 = arith.cmpi slt, %add3A_76, %lt3A_77 : i32
      %convert_element_type3A_79 = arith.extui %lt3A_78 : i1 to i32
      %cond3A_80 = arith.constant 0 : i32
      %cond3A_81 = arith.cmpi ne, %convert_element_type3A_79, %cond3A_80 : i32
      scf.if %cond3A_81 {
        %add3A_124 = arith.constant 4 : i32
        %add3A_125 = arith.addi %add3A_69, %add3A_124 : i32
        %dma_start3A_126 = arith.constant 0 : i32
        %dma_start3A_127 = tpu.memref_slice %arg7[%add3A_125, %dma_start3A_126] : memref<80x125xi32, #tpu.memory_space<vmem>> -> memref<1x125xi32, #tpu.memory_space<vmem>>
        %dma_start3A_128 = tpu.memref_squeeze %dma_start3A_127 : memref<1x125xi32, #tpu.memory_space<vmem>> -> memref<125xi32, #tpu.memory_space<vmem>>
        %dma_start3A_129 = arith.constant 0 : i32
        %dma_start3A_130 = arith.constant 0 : i32
        %dma_start3A_131 = tpu.memref_slice %arg2[%dma_start3A_129, %dma_start3A_130] : memref<10000x64xbf16, #tpu.memory_space<hbm>> -> memref<10000x64xbf16, #tpu.memory_space<hbm>>
        tpu.enqueue_indirect_dma source(%dma_start3A_131 : memref<10000x64xbf16, #tpu.memory_space<hbm>>) target(%arg9 : memref<125x64xbf16, #tpu.memory_space<vmem>>) offsets(%dma_start3A_128 : memref<125xi32, #tpu.memory_space<vmem>>) semaphore(%arg14 : memref<!tpu.dma_semaphore, #tpu.memory_space<semaphore_mem>>)
      } else {
      }
      %add3A_82 = arith.constant 1 : i32
      %add3A_83 = arith.addi %mul3A_42, %add3A_82 : i32
      %lt3A_84 = arith.constant 80 : i32
      %lt3A_85 = arith.cmpi slt, %add3A_83, %lt3A_84 : i32
      %convert_element_type3A_86 = arith.extui %lt3A_85 : i1 to i32
      %cond3A_87 = arith.constant 0 : i32
      %cond3A_88 = arith.cmpi ne, %convert_element_type3A_86, %cond3A_87 : i32
      scf.if %cond3A_88 {
        %dma_wait3A = arith.constant 0 : i32
        %dma_wait3A_124 = tpu.memref_slice %arg8[%add3A_83, %dma_wait3A] : memref<80x125xi32, #tpu.memory_space<vmem>> -> memref<1x125xi32, #tpu.memory_space<vmem>>
        %dma_wait3A_125 = tpu.memref_squeeze %dma_wait3A_124 : memref<1x125xi32, #tpu.memory_space<vmem>> -> memref<125xi32, #tpu.memory_space<vmem>>
        %dma_wait3A_126 = arith.constant 0 : i32
        %dma_wait3A_127 = arith.constant 0 : i32
        %dma_wait3A_128 = tpu.memref_slice %arg13[%dma_wait3A_126, %dma_wait3A_127] : memref<10240x64xbf16, #tpu.memory_space<vmem_shared>> -> memref<10240x64xbf16, #tpu.memory_space<vmem_shared>>
        tpu.wait_indirect_dma semaphore(%arg19 : memref<!tpu.dma_semaphore, #tpu.memory_space<semaphore_mem>>) src(%arg10 : memref<125x64xbf16, #tpu.memory_space<vmem>>) dst(%dma_wait3A_128 : memref<10240x64xbf16, #tpu.memory_space<vmem_shared>>)
      } else {
      }
      %add3A_89 = arith.constant 4 : i32
      %add3A_90 = arith.addi %add3A_83, %add3A_89 : i32
      %lt3A_91 = arith.constant 80 : i32
      %lt3A_92 = arith.cmpi slt, %add3A_90, %lt3A_91 : i32
      %convert_element_type3A_93 = arith.extui %lt3A_92 : i1 to i32
      %cond3A_94 = arith.constant 0 : i32
      %cond3A_95 = arith.cmpi ne, %convert_element_type3A_93, %cond3A_94 : i32
      scf.if %cond3A_95 {
        %add3A_124 = arith.constant 4 : i32
        %add3A_125 = arith.addi %add3A_83, %add3A_124 : i32
        %dma_start3A_126 = arith.constant 0 : i32
        %dma_start3A_127 = tpu.memref_slice %arg7[%add3A_125, %dma_start3A_126] : memref<80x125xi32, #tpu.memory_space<vmem>> -> memref<1x125xi32, #tpu.memory_space<vmem>>
        %dma_start3A_128 = tpu.memref_squeeze %dma_start3A_127 : memref<1x125xi32, #tpu.memory_space<vmem>> -> memref<125xi32, #tpu.memory_space<vmem>>
        %dma_start3A_129 = arith.constant 0 : i32
        %dma_start3A_130 = arith.constant 0 : i32
        %dma_start3A_131 = tpu.memref_slice %arg2[%dma_start3A_129, %dma_start3A_130] : memref<10000x64xbf16, #tpu.memory_space<hbm>> -> memref<10000x64xbf16, #tpu.memory_space<hbm>>
        tpu.enqueue_indirect_dma source(%dma_start3A_131 : memref<10000x64xbf16, #tpu.memory_space<hbm>>) target(%arg10 : memref<125x64xbf16, #tpu.memory_space<vmem>>) offsets(%dma_start3A_128 : memref<125xi32, #tpu.memory_space<vmem>>) semaphore(%arg15 : memref<!tpu.dma_semaphore, #tpu.memory_space<semaphore_mem>>)
      } else {
      }
      %add3A_96 = arith.constant 2 : i32
      %add3A_97 = arith.addi %mul3A_42, %add3A_96 : i32
      %lt3A_98 = arith.constant 80 : i32
      %lt3A_99 = arith.cmpi slt, %add3A_97, %lt3A_98 : i32
      %convert_element_type3A_100 = arith.extui %lt3A_99 : i1 to i32
      %cond3A_101 = arith.constant 0 : i32
      %cond3A_102 = arith.cmpi ne, %convert_element_type3A_100, %cond3A_101 : i32
      scf.if %cond3A_102 {
        %dma_wait3A = arith.constant 0 : i32
        %dma_wait3A_124 = tpu.memref_slice %arg8[%add3A_97, %dma_wait3A] : memref<80x125xi32, #tpu.memory_space<vmem>> -> memref<1x125xi32, #tpu.memory_space<vmem>>
        %dma_wait3A_125 = tpu.memref_squeeze %dma_wait3A_124 : memref<1x125xi32, #tpu.memory_space<vmem>> -> memref<125xi32, #tpu.memory_space<vmem>>
        %dma_wait3A_126 = arith.constant 0 : i32
        %dma_wait3A_127 = arith.constant 0 : i32
        %dma_wait3A_128 = tpu.memref_slice %arg13[%dma_wait3A_126, %dma_wait3A_127] : memref<10240x64xbf16, #tpu.memory_space<vmem_shared>> -> memref<10240x64xbf16, #tpu.memory_space<vmem_shared>>
        tpu.wait_indirect_dma semaphore(%arg20 : memref<!tpu.dma_semaphore, #tpu.memory_space<semaphore_mem>>) src(%arg11 : memref<125x64xbf16, #tpu.memory_space<vmem>>) dst(%dma_wait3A_128 : memref<10240x64xbf16, #tpu.memory_space<vmem_shared>>)
      } else {
      }
      %add3A_103 = arith.constant 4 : i32
      %add3A_104 = arith.addi %add3A_97, %add3A_103 : i32
      %lt3A_105 = arith.constant 80 : i32
      %lt3A_106 = arith.cmpi slt, %add3A_104, %lt3A_105 : i32
      %convert_element_type3A_107 = arith.extui %lt3A_106 : i1 to i32
      %cond3A_108 = arith.constant 0 : i32
      %cond3A_109 = arith.cmpi ne, %convert_element_type3A_107, %cond3A_108 : i32
      scf.if %cond3A_109 {
        %add3A_124 = arith.constant 4 : i32
        %add3A_125 = arith.addi %add3A_97, %add3A_124 : i32
        %dma_start3A_126 = arith.constant 0 : i32
        %dma_start3A_127 = tpu.memref_slice %arg7[%add3A_125, %dma_start3A_126] : memref<80x125xi32, #tpu.memory_space<vmem>> -> memref<1x125xi32, #tpu.memory_space<vmem>>
        %dma_start3A_128 = tpu.memref_squeeze %dma_start3A_127 : memref<1x125xi32, #tpu.memory_space<vmem>> -> memref<125xi32, #tpu.memory_space<vmem>>
        %dma_start3A_129 = arith.constant 0 : i32
        %dma_start3A_130 = arith.constant 0 : i32
        %dma_start3A_131 = tpu.memref_slice %arg2[%dma_start3A_129, %dma_start3A_130] : memref<10000x64xbf16, #tpu.memory_space<hbm>> -> memref<10000x64xbf16, #tpu.memory_space<hbm>>
        tpu.enqueue_indirect_dma source(%dma_start3A_131 : memref<10000x64xbf16, #tpu.memory_space<hbm>>) target(%arg11 : memref<125x64xbf16, #tpu.memory_space<vmem>>) offsets(%dma_start3A_128 : memref<125xi32, #tpu.memory_space<vmem>>) semaphore(%arg16 : memref<!tpu.dma_semaphore, #tpu.memory_space<semaphore_mem>>)
      } else {
      }
      %add3A_110 = arith.constant 3 : i32
      %add3A_111 = arith.addi %mul3A_42, %add3A_110 : i32
      %lt3A_112 = arith.constant 80 : i32
      %lt3A_113 = arith.cmpi slt, %add3A_111, %lt3A_112 : i32
      %convert_element_type3A_114 = arith.extui %lt3A_113 : i1 to i32
      %cond3A_115 = arith.constant 0 : i32
      %cond3A_116 = arith.cmpi ne, %convert_element_type3A_114, %cond3A_115 : i32
      scf.if %cond3A_116 {
        %dma_wait3A = arith.constant 0 : i32
        %dma_wait3A_124 = tpu.memref_slice %arg8[%add3A_111, %dma_wait3A] : memref<80x125xi32, #tpu.memory_space<vmem>> -> memref<1x125xi32, #tpu.memory_space<vmem>>
        %dma_wait3A_125 = tpu.memref_squeeze %dma_wait3A_124 : memref<1x125xi32, #tpu.memory_space<vmem>> -> memref<125xi32, #tpu.memory_space<vmem>>
        %dma_wait3A_126 = arith.constant 0 : i32
        %dma_wait3A_127 = arith.constant 0 : i32
        %dma_wait3A_128 = tpu.memref_slice %arg13[%dma_wait3A_126, %dma_wait3A_127] : memref<10240x64xbf16, #tpu.memory_space<vmem_shared>> -> memref<10240x64xbf16, #tpu.memory_space<vmem_shared>>
        tpu.wait_indirect_dma semaphore(%arg21 : memref<!tpu.dma_semaphore, #tpu.memory_space<semaphore_mem>>) src(%arg12 : memref<125x64xbf16, #tpu.memory_space<vmem>>) dst(%dma_wait3A_128 : memref<10240x64xbf16, #tpu.memory_space<vmem_shared>>)
      } else {
      }
      %add3A_117 = arith.constant 4 : i32
      %add3A_118 = arith.addi %add3A_111, %add3A_117 : i32
      %lt3A_119 = arith.constant 80 : i32
      %lt3A_120 = arith.cmpi slt, %add3A_118, %lt3A_119 : i32
      %convert_element_type3A_121 = arith.extui %lt3A_120 : i1 to i32
      %cond3A_122 = arith.constant 0 : i32
      %cond3A_123 = arith.cmpi ne, %convert_element_type3A_121, %cond3A_122 : i32
      scf.if %cond3A_123 {
        %add3A_124 = arith.constant 4 : i32
        %add3A_125 = arith.addi %add3A_111, %add3A_124 : i32
        %dma_start3A_126 = arith.constant 0 : i32
        %dma_start3A_127 = tpu.memref_slice %arg7[%add3A_125, %dma_start3A_126] : memref<80x125xi32, #tpu.memory_space<vmem>> -> memref<1x125xi32, #tpu.memory_space<vmem>>
        %dma_start3A_128 = tpu.memref_squeeze %dma_start3A_127 : memref<1x125xi32, #tpu.memory_space<vmem>> -> memref<125xi32, #tpu.memory_space<vmem>>
        %dma_start3A_129 = arith.constant 0 : i32
        %dma_start3A_130 = arith.constant 0 : i32
        %dma_start3A_131 = tpu.memref_slice %arg2[%dma_start3A_129, %dma_start3A_130] : memref<10000x64xbf16, #tpu.memory_space<hbm>> -> memref<10000x64xbf16, #tpu.memory_space<hbm>>
        tpu.enqueue_indirect_dma source(%dma_start3A_131 : memref<10000x64xbf16, #tpu.memory_space<hbm>>) target(%arg12 : memref<125x64xbf16, #tpu.memory_space<vmem>>) offsets(%dma_start3A_128 : memref<125xi32, #tpu.memory_space<vmem>>) semaphore(%arg17 : memref<!tpu.dma_semaphore, #tpu.memory_space<semaphore_mem>>)
      } else {
      }
    }
    %scan3A_34 = arith.constant 20 : i32
    %barrier3A_35 = arith.constant 0 : index
    tpu.barrier barrier_id(%barrier3A_35)
    %mul3A_36 = arith.constant 640 : i32
    %mul3A_37 = arith.muli %arg1, %mul3A_36 : i32
    %mul3A_38 = arith.constant 640 : i32
    %mul3A_39 = arith.muli %arg1, %mul3A_38 : i32
    "tpu.region"() ({
      %run_scoped3A = tpu.sem_alloc : memref<!tpu.dma_semaphore, #tpu.memory_space<semaphore_mem>>
      %dma_start3A_40 = arith.constant 0 : i32
      %dma_start3A_41 = tpu.memref_slice %arg6[%arg0, %mul3A_39, %dma_start3A_40] : memref<2x10240x64xbf16, #tpu.memory_space<hbm>> -> memref<1x640x64xbf16, #tpu.memory_space<hbm>>
      %dma_start3A_42 = tpu.memref_squeeze %dma_start3A_41 : memref<1x640x64xbf16, #tpu.memory_space<hbm>> -> memref<640x64xbf16, #tpu.memory_space<hbm>>
      %dma_start3A_43 = arith.constant 0 : i32
      %dma_start3A_44 = tpu.memref_slice %arg13[%mul3A_37, %dma_start3A_43] : memref<10240x64xbf16, #tpu.memory_space<vmem_shared>> -> memref<640x64xbf16, #tpu.memory_space<vmem_shared>>
      tpu.enqueue_dma source(%dma_start3A_44 : memref<640x64xbf16, #tpu.memory_space<vmem_shared>>) target(%dma_start3A_42 : memref<640x64xbf16, #tpu.memory_space<hbm>>) target_semaphore(%run_scoped3A : memref<!tpu.dma_semaphore, #tpu.memory_space<semaphore_mem>>)
      %dma_wait3A = arith.constant 0 : i32
      %dma_wait3A_45 = tpu.memref_slice %arg6[%arg0, %mul3A_39, %dma_wait3A] : memref<2x10240x64xbf16, #tpu.memory_space<hbm>> -> memref<1x640x64xbf16, #tpu.memory_space<hbm>>
      %dma_wait3A_46 = tpu.memref_squeeze %dma_wait3A_45 : memref<1x640x64xbf16, #tpu.memory_space<hbm>> -> memref<640x64xbf16, #tpu.memory_space<hbm>>
      %dma_wait3A_47 = arith.constant 0 : i32
      %dma_wait3A_48 = tpu.memref_slice %arg13[%mul3A_37, %dma_wait3A_47] : memref<10240x64xbf16, #tpu.memory_space<vmem_shared>> -> memref<640x64xbf16, #tpu.memory_space<vmem_shared>>
      tpu.wait_dma2 semaphore(%run_scoped3A : memref<!tpu.dma_semaphore, #tpu.memory_space<semaphore_mem>>) src(%dma_wait3A_48 : memref<640x64xbf16, #tpu.memory_space<vmem_shared>>) dst(%dma_wait3A_46 : memref<640x64xbf16, #tpu.memory_space<hbm>>)
      tpu.yield
    }) : () -> ()
    return
  }
}

module attributes {stable_mosaic.version = 14 : i64} {
  func.func @_tc_a_body(%arg0: i32, %arg1: memref<1024x128xf32, #tpu.memory_space<vmem>>, %arg2: memref<128x128xf32, #tpu.memory_space<vmem>>, %arg3: memref<2x1024x16xf32, #tpu.memory_space<vmem>>, %arg4: memref<1024x128xf32, #tpu.memory_space<vmem>>, %arg5: memref<1024x64xbf16, #tpu.memory_space<vmem>>, %arg6: memref<1024x64xbf16, #tpu.memory_space<vmem>>, %arg7: memref<1024x1xf32, #tpu.memory_space<vmem>>) attributes {dimension_semantics = [#tpu.dimension_semantics<arbitrary>], iteration_bounds = array<i64: 10>, scalar_prefetch = 0 : i64, scratch_operands = 0 : i64, tpu.core_type = #tpu.core_type<tc>, window_params = [{transform_indices = @transform_0, window_bounds = array<i64: 1024, 128>}, {pipeline_mode = #tpu.pipeline_mode<synchronous>, transform_indices = @transform_1, window_bounds = array<i64: 128, 128>}, {transform_indices = @transform_2, window_bounds = array<i64: 2, 1024, 16>}, {transform_indices = @transform_3, window_bounds = array<i64: 1024, 128>}, {transform_indices = @transform_4, window_bounds = array<i64: 1024, 64>}, {transform_indices = @transform_5, window_bounds = array<i64: 1024, 64>}, {transform_indices = @transform_6, window_bounds = array<i64: 1024, 1>}]} {
    %get3A = arith.constant 0 : index
    %get3A_0 = arith.constant 0 : index
    %get3A_1 = vector.load %arg1[%get3A, %get3A_0] : memref<1024x128xf32, #tpu.memory_space<vmem>>, vector<1024x128xf32>
    %convert_element_type3A = arith.truncf %get3A_1 : vector<1024x128xf32> to vector<1024x128xbf16>
    %get3A_2 = arith.constant 0 : index
    %get3A_3 = arith.constant 0 : index
    %get3A_4 = vector.load %arg2[%get3A_2, %get3A_3] : memref<128x128xf32, #tpu.memory_space<vmem>>, vector<128x128xf32>
    %convert_element_type3A_5 = arith.truncf %get3A_4 : vector<128x128xf32> to vector<128x128xbf16>
    %dot_general3A = arith.constant dense<0.000000e+00> : vector<1024x128xf32>
    %dot_general3A_6 = tpu.matmul %convert_element_type3A, %convert_element_type3A_5, %dot_general3A {dimension_numbers = #tpu.dot_dimension_numbers<[1], [0], [0], [1], [0, 0, 1, 1], [], []>, transpose_lhs_hint = false} : vector<1024x128xbf16>, vector<128x128xbf16>, vector<1024x128xf32> -> vector<1024x128xf32>
    %get3A_7 = arith.constant 0 : index
    %get3A_8 = arith.constant 0 : index
    %get3A_9 = arith.constant 0 : index
    %get3A_10 = vector.load %arg3[%get3A_7, %get3A_8, %get3A_9] : memref<2x1024x16xf32, #tpu.memory_space<vmem>>, vector<1x1024x1xf32>
    %get3A_11 = vector.shape_cast %get3A_10 : vector<1x1024x1xf32> to vector<1024x1xf32>
    %get3A_12 = arith.constant 1 : index
    %get3A_13 = arith.constant 0 : index
    %get3A_14 = arith.constant 0 : index
    %get3A_15 = vector.load %arg3[%get3A_12, %get3A_13, %get3A_14] : memref<2x1024x16xf32, #tpu.memory_space<vmem>>, vector<1x1024x1xf32>
    %get3A_16 = vector.shape_cast %get3A_15 : vector<1x1024x1xf32> to vector<1024x1xf32>
    %add3A = arith.addf %get3A_11, %get3A_16 : vector<1024x1xf32>
    %add3A_17 = arith.constant 1.000000e+00 : f32
    %add3A_18 = vector.broadcast %add3A_17 : f32 to vector<1024x1xf32>
    %add3A_19 = arith.addf %add3A, %add3A_18 : vector<1024x1xf32>
    %rsqrt3A = math.rsqrt %add3A_19 : vector<1024x1xf32>
    %mul3A = vector.broadcast %rsqrt3A : vector<1024x1xf32> to vector<1024x128xf32>
    %mul3A_20 = arith.mulf %dot_general3A_6, %mul3A : vector<1024x128xf32>
    %convert_element_type3A_21 = arith.truncf %mul3A_20 : vector<1024x128xf32> to vector<1024x128xbf16>
    %swap3A = arith.constant 0 : index
    %swap3A_22 = arith.constant 0 : index
    %swap3A_23 = vector.load %arg4[%swap3A, %swap3A_22] : memref<1024x128xf32, #tpu.memory_space<vmem>>, vector<1024x128xf32>
    tpu.vector_store %arg4[%swap3A, %swap3A_22], %dot_general3A_6 {strides = array<i32>} : memref<1024x128xf32, #tpu.memory_space<vmem>>, vector<1024x128xf32>,
    %slice3A = vector.extract_strided_slice %convert_element_type3A_21 {offsets = [0, 0], sizes = [1024, 64], strides = [1, 1]} : vector<1024x128xbf16> to vector<1024x64xbf16>
    %swap3A_24 = arith.constant 0 : index
    %swap3A_25 = arith.constant 0 : index
    %swap3A_26 = vector.load %arg5[%swap3A_24, %swap3A_25] : memref<1024x64xbf16, #tpu.memory_space<vmem>>, vector<1024x64xbf16>
    tpu.vector_store %arg5[%swap3A_24, %swap3A_25], %slice3A {strides = array<i32>} : memref<1024x64xbf16, #tpu.memory_space<vmem>>, vector<1024x64xbf16>,
    %slice3A_27 = vector.extract_strided_slice %convert_element_type3A_21 {offsets = [0, 64], sizes = [1024, 64], strides = [1, 1]} : vector<1024x128xbf16> to vector<1024x64xbf16>
    %swap3A_28 = arith.constant 0 : index
    %swap3A_29 = arith.constant 0 : index
    %swap3A_30 = vector.load %arg6[%swap3A_28, %swap3A_29] : memref<1024x64xbf16, #tpu.memory_space<vmem>>, vector<1024x64xbf16>
    tpu.vector_store %arg6[%swap3A_28, %swap3A_29], %slice3A_27 {strides = array<i32>} : memref<1024x64xbf16, #tpu.memory_space<vmem>>, vector<1024x64xbf16>,
    %swap3A_31 = arith.constant 0 : index
    %swap3A_32 = arith.constant 0 : index
    %swap3A_33 = vector.load %arg7[%swap3A_31, %swap3A_32] : memref<1024x1xf32, #tpu.memory_space<vmem>>, vector<1024x1xf32>
    tpu.vector_store %arg7[%swap3A_31, %swap3A_32], %rsqrt3A {strides = array<i32>} : memref<1024x1xf32, #tpu.memory_space<vmem>>, vector<1024x1xf32>,
    return
  }
  func.func @transform_0(%arg0: i32) -> (i32, i32) {
    %c0_i32 = arith.constant 0 : i32
    %c0_i32_0 = arith.constant 0 : i32
    return %arg0, %c0_i32 : i32, i32
  }
  func.func @transform_1(%arg0: i32) -> (i32, i32) {
    %c0_i32 = arith.constant 0 : i32
    %c0_i32_0 = arith.constant 0 : i32
    %c0_i32_1 = arith.constant 0 : i32
    return %c0_i32, %c0_i32_0 : i32, i32
  }
  func.func @transform_2(%arg0: i32) -> (i32, i32, i32) {
    %c0_i32 = arith.constant 0 : i32
    %c0_i32_0 = arith.constant 0 : i32
    %c0_i32_1 = arith.constant 0 : i32
    return %c0_i32, %arg0, %c0_i32_0 : i32, i32, i32
  }
  func.func @transform_3(%arg0: i32) -> (i32, i32) {
    %c0_i32 = arith.constant 0 : i32
    %c0_i32_0 = arith.constant 0 : i32
    return %arg0, %c0_i32 : i32, i32
  }
  func.func @transform_4(%arg0: i32) -> (i32, i32) {
    %c0_i32 = arith.constant 0 : i32
    %c0_i32_0 = arith.constant 0 : i32
    return %arg0, %c0_i32 : i32, i32
  }
  func.func @transform_5(%arg0: i32) -> (i32, i32) {
    %c0_i32 = arith.constant 0 : i32
    %c0_i32_0 = arith.constant 0 : i32
    return %arg0, %c0_i32 : i32, i32
  }
  func.func @transform_6(%arg0: i32) -> (i32, i32) {
    %c0_i32 = arith.constant 0 : i32
    %c0_i32_0 = arith.constant 0 : i32
    return %arg0, %c0_i32 : i32, i32
  }
}

module attributes {stable_mosaic.version = 14 : i64} {
  func.func @_tc_c_body(%arg0: i32, %arg1: memref<2x1024x64xbf16, #tpu.memory_space<vmem>>, %arg2: memref<2x1024x64xbf16, #tpu.memory_space<vmem>>, %arg3: memref<1024x128xf32, #tpu.memory_space<vmem>>, %arg4: memref<1024x1xf32, #tpu.memory_space<vmem>>, %arg5: memref<1x128xf32, #tpu.memory_space<vmem>>, %arg6: memref<128x64xf32, #tpu.memory_space<vmem>>, %arg7: memref<1024x64xf32, #tpu.memory_space<vmem>>, %arg8: memref<1024x64xbf16, #tpu.memory_space<vmem>>) attributes {dimension_semantics = [#tpu.dimension_semantics<arbitrary>], iteration_bounds = array<i64: 10>, scalar_prefetch = 0 : i64, scratch_operands = 0 : i64, tpu.core_type = #tpu.core_type<tc>, window_params = [{transform_indices = @transform_0, window_bounds = array<i64: 2, 1024, 64>}, {transform_indices = @transform_1, window_bounds = array<i64: 2, 1024, 64>}, {transform_indices = @transform_2, window_bounds = array<i64: 1024, 128>}, {transform_indices = @transform_3, window_bounds = array<i64: 1024, 1>}, {pipeline_mode = #tpu.pipeline_mode<synchronous>, transform_indices = @transform_4, window_bounds = array<i64: 1, 128>}, {pipeline_mode = #tpu.pipeline_mode<synchronous>, transform_indices = @transform_5, window_bounds = array<i64: 128, 64>}, {transform_indices = @transform_6, window_bounds = array<i64: 1024, 64>}, {transform_indices = @transform_7, window_bounds = array<i64: 1024, 64>}]} {
    %get3A = arith.constant 0 : index
    %get3A_0 = arith.constant 0 : index
    %get3A_1 = vector.load %arg4[%get3A, %get3A_0] : memref<1024x1xf32, #tpu.memory_space<vmem>>, vector<1024x1xf32>
    %get3A_2 = arith.constant 0 : index
    %get3A_3 = arith.constant 0 : index
    %get3A_4 = arith.constant 0 : index
    %get3A_5 = vector.load %arg1[%get3A_2, %get3A_3, %get3A_4] : memref<2x1024x64xbf16, #tpu.memory_space<vmem>>, vector<1x1024x64xbf16>
    %get3A_6 = vector.shape_cast %get3A_5 : vector<1x1024x64xbf16> to vector<1024x64xbf16>
    %convert_element_type3A = arith.extf %get3A_6 : vector<1024x64xbf16> to vector<1024x64xf32>
    %get3A_7 = arith.constant 1 : index
    %get3A_8 = arith.constant 0 : index
    %get3A_9 = arith.constant 0 : index
    %get3A_10 = vector.load %arg1[%get3A_7, %get3A_8, %get3A_9] : memref<2x1024x64xbf16, #tpu.memory_space<vmem>>, vector<1x1024x64xbf16>
    %get3A_11 = vector.shape_cast %get3A_10 : vector<1x1024x64xbf16> to vector<1024x64xbf16>
    %convert_element_type3A_12 = arith.extf %get3A_11 : vector<1024x64xbf16> to vector<1024x64xf32>
    %add3A = arith.addf %convert_element_type3A, %convert_element_type3A_12 : vector<1024x64xf32>
    %get3A_13 = arith.constant 0 : index
    %get3A_14 = arith.constant 0 : index
    %get3A_15 = arith.constant 0 : index
    %get3A_16 = vector.load %arg2[%get3A_13, %get3A_14, %get3A_15] : memref<2x1024x64xbf16, #tpu.memory_space<vmem>>, vector<1x1024x64xbf16>
    %get3A_17 = vector.shape_cast %get3A_16 : vector<1x1024x64xbf16> to vector<1024x64xbf16>
    %convert_element_type3A_18 = arith.extf %get3A_17 : vector<1024x64xbf16> to vector<1024x64xf32>
    %get3A_19 = arith.constant 1 : index
    %get3A_20 = arith.constant 0 : index
    %get3A_21 = arith.constant 0 : index
    %get3A_22 = vector.load %arg2[%get3A_19, %get3A_20, %get3A_21] : memref<2x1024x64xbf16, #tpu.memory_space<vmem>>, vector<1x1024x64xbf16>
    %get3A_23 = vector.shape_cast %get3A_22 : vector<1x1024x64xbf16> to vector<1024x64xbf16>
    %convert_element_type3A_24 = arith.extf %get3A_23 : vector<1024x64xbf16> to vector<1024x64xf32>
    %add3A_25 = arith.addf %convert_element_type3A_18, %convert_element_type3A_24 : vector<1024x64xf32>
    %concatenate3A = tpu.concatenate %add3A, %add3A_25 in 1 : vector<1024x64xf32>, vector<1024x64xf32> -> vector<1024x128xf32>
    %mul3A = vector.broadcast %get3A_1 : vector<1024x1xf32> to vector<1024x128xf32>
    %mul3A_26 = arith.mulf %mul3A, %concatenate3A : vector<1024x128xf32>
    %mul3A_27 = arith.mulf %get3A_1, %get3A_1 : vector<1024x1xf32>
    %get3A_28 = arith.constant 0 : index
    %get3A_29 = arith.constant 0 : index
    %get3A_30 = vector.load %arg3[%get3A_28, %get3A_29] : memref<1024x128xf32, #tpu.memory_space<vmem>>, vector<1024x128xf32>
    %mul3A_31 = vector.broadcast %mul3A_27 : vector<1024x1xf32> to vector<1024x128xf32>
    %mul3A_32 = arith.mulf %mul3A_31, %get3A_30 : vector<1024x128xf32>
    %add3A_33 = arith.addf %mul3A_26, %mul3A_32 : vector<1024x128xf32>
    %get3A_34 = arith.constant 0 : index
    %get3A_35 = arith.constant 0 : index
    %get3A_36 = vector.load %arg5[%get3A_34, %get3A_35] : memref<1x128xf32, #tpu.memory_space<vmem>>, vector<1x128xf32>
    %add3A_37 = vector.broadcast %get3A_36 : vector<1x128xf32> to vector<1024x128xf32>
    %add3A_38 = arith.addf %add3A_33, %add3A_37 : vector<1024x128xf32>
    %max3A = arith.constant 0.000000e+00 : f32
    %max3A_39 = vector.broadcast %max3A : f32 to vector<1024x128xf32>
    %max3A_40 = arith.maximumf %add3A_38, %max3A_39 : vector<1024x128xf32>
    %convert_element_type3A_41 = arith.truncf %max3A_40 : vector<1024x128xf32> to vector<1024x128xbf16>
    %get3A_42 = arith.constant 0 : index
    %get3A_43 = arith.constant 0 : index
    %get3A_44 = vector.load %arg6[%get3A_42, %get3A_43] : memref<128x64xf32, #tpu.memory_space<vmem>>, vector<128x64xf32>
    %convert_element_type3A_45 = arith.truncf %get3A_44 : vector<128x64xf32> to vector<128x64xbf16>
    %dot_general3A = arith.constant dense<0.000000e+00> : vector<1024x64xf32>
    %dot_general3A_46 = tpu.matmul %convert_element_type3A_41, %convert_element_type3A_45, %dot_general3A {dimension_numbers = #tpu.dot_dimension_numbers<[1], [0], [0], [1], [0, 0, 1, 1], [], []>, transpose_lhs_hint = false} : vector<1024x128xbf16>, vector<128x64xbf16>, vector<1024x64xf32> -> vector<1024x64xf32>
    %swap3A = arith.constant 0 : index
    %swap3A_47 = arith.constant 0 : index
    %swap3A_48 = vector.load %arg7[%swap3A, %swap3A_47] : memref<1024x64xf32, #tpu.memory_space<vmem>>, vector<1024x64xf32>
    tpu.vector_store %arg7[%swap3A, %swap3A_47], %dot_general3A_46 {strides = array<i32>} : memref<1024x64xf32, #tpu.memory_space<vmem>>, vector<1024x64xf32>,
    %mul3A_49 = vector.broadcast %get3A_1 : vector<1024x1xf32> to vector<1024x64xf32>
    %mul3A_50 = arith.mulf %dot_general3A_46, %mul3A_49 : vector<1024x64xf32>
    %convert_element_type3A_51 = arith.truncf %mul3A_50 : vector<1024x64xf32> to vector<1024x64xbf16>
    %swap3A_52 = arith.constant 0 : index
    %swap3A_53 = arith.constant 0 : index
    %swap3A_54 = vector.load %arg8[%swap3A_52, %swap3A_53] : memref<1024x64xbf16, #tpu.memory_space<vmem>>, vector<1024x64xbf16>
    tpu.vector_store %arg8[%swap3A_52, %swap3A_53], %convert_element_type3A_51 {strides = array<i32>} : memref<1024x64xbf16, #tpu.memory_space<vmem>>, vector<1024x64xbf16>,
    return
  }
  func.func @transform_0(%arg0: i32) -> (i32, i32, i32) {
    %c0_i32 = arith.constant 0 : i32
    %c0_i32_0 = arith.constant 0 : i32
    %c0_i32_1 = arith.constant 0 : i32
    return %c0_i32, %arg0, %c0_i32_0 : i32, i32, i32
  }
  func.func @transform_1(%arg0: i32) -> (i32, i32, i32) {
    %c0_i32 = arith.constant 0 : i32
    %c0_i32_0 = arith.constant 0 : i32
    %c0_i32_1 = arith.constant 0 : i32
    return %c0_i32, %arg0, %c0_i32_0 : i32, i32, i32
  }
  func.func @transform_2(%arg0: i32) -> (i32, i32) {
    %c0_i32 = arith.constant 0 : i32
    %c0_i32_0 = arith.constant 0 : i32
    return %arg0, %c0_i32 : i32, i32
  }
  func.func @transform_3(%arg0: i32) -> (i32, i32) {
    %c0_i32 = arith.constant 0 : i32
    %c0_i32_0 = arith.constant 0 : i32
    return %arg0, %c0_i32 : i32, i32
  }
  func.func @transform_4(%arg0: i32) -> (i32, i32) {
    %c0_i32 = arith.constant 0 : i32
    %c0_i32_0 = arith.constant 0 : i32
    %c0_i32_1 = arith.constant 0 : i32
    return %c0_i32, %c0_i32_0 : i32, i32
  }
  func.func @transform_5(%arg0: i32) -> (i32, i32) {
    %c0_i32 = arith.constant 0 : i32
    %c0_i32_0 = arith.constant 0 : i32
    %c0_i32_1 = arith.constant 0 : i32
    return %c0_i32, %c0_i32_0 : i32, i32
  }
  func.func @transform_6(%arg0: i32) -> (i32, i32) {
    %c0_i32 = arith.constant 0 : i32
    %c0_i32_0 = arith.constant 0 : i32
    return %arg0, %c0_i32 : i32, i32
  }
  func.func @transform_7(%arg0: i32) -> (i32, i32) {
    %c0_i32 = arith.constant 0 : i32
    %c0_i32_0 = arith.constant 0 : i32
    return %arg0, %c0_i32 : i32, i32
  }
}

module attributes {stable_mosaic.version = 14 : i64} {
  func.func @_tc_e_body(%arg0: i32, %arg1: memref<2x1024x64xbf16, #tpu.memory_space<vmem>>, %arg2: memref<1024x64xf32, #tpu.memory_space<vmem>>, %arg3: memref<1024x1xf32, #tpu.memory_space<vmem>>, %arg4: memref<1x64xf32, #tpu.memory_space<vmem>>, %arg5: memref<64x128xf32, #tpu.memory_space<vmem>>, %arg6: memref<1x128xf32, #tpu.memory_space<vmem>>, %arg7: memref<1024x128xf32, #tpu.memory_space<vmem>>, %arg8: memref<1024x64xf32, #tpu.memory_space<vmem>>) attributes {dimension_semantics = [#tpu.dimension_semantics<arbitrary>], iteration_bounds = array<i64: 10>, scalar_prefetch = 0 : i64, scratch_operands = 0 : i64, tpu.core_type = #tpu.core_type<tc>, window_params = [{transform_indices = @transform_0, window_bounds = array<i64: 2, 1024, 64>}, {transform_indices = @transform_1, window_bounds = array<i64: 1024, 64>}, {transform_indices = @transform_2, window_bounds = array<i64: 1024, 1>}, {pipeline_mode = #tpu.pipeline_mode<synchronous>, transform_indices = @transform_3, window_bounds = array<i64: 1, 64>}, {pipeline_mode = #tpu.pipeline_mode<synchronous>, transform_indices = @transform_4, window_bounds = array<i64: 64, 128>}, {pipeline_mode = #tpu.pipeline_mode<synchronous>, transform_indices = @transform_5, window_bounds = array<i64: 1, 128>}, {transform_indices = @transform_6, window_bounds = array<i64: 1024, 128>}, {transform_indices = @transform_7, window_bounds = array<i64: 1024, 64>}]} {
    %get3A = arith.constant 0 : index
    %get3A_0 = arith.constant 0 : index
    %get3A_1 = vector.load %arg3[%get3A, %get3A_0] : memref<1024x1xf32, #tpu.memory_space<vmem>>, vector<1024x1xf32>
    %get3A_2 = arith.constant 0 : index
    %get3A_3 = arith.constant 0 : index
    %get3A_4 = arith.constant 0 : index
    %get3A_5 = vector.load %arg1[%get3A_2, %get3A_3, %get3A_4] : memref<2x1024x64xbf16, #tpu.memory_space<vmem>>, vector<1x1024x64xbf16>
    %get3A_6 = vector.shape_cast %get3A_5 : vector<1x1024x64xbf16> to vector<1024x64xbf16>
    %convert_element_type3A = arith.extf %get3A_6 : vector<1024x64xbf16> to vector<1024x64xf32>
    %get3A_7 = arith.constant 1 : index
    %get3A_8 = arith.constant 0 : index
    %get3A_9 = arith.constant 0 : index
    %get3A_10 = vector.load %arg1[%get3A_7, %get3A_8, %get3A_9] : memref<2x1024x64xbf16, #tpu.memory_space<vmem>>, vector<1x1024x64xbf16>
    %get3A_11 = vector.shape_cast %get3A_10 : vector<1x1024x64xbf16> to vector<1024x64xbf16>
    %convert_element_type3A_12 = arith.extf %get3A_11 : vector<1024x64xbf16> to vector<1024x64xf32>
    %add3A = arith.addf %convert_element_type3A, %convert_element_type3A_12 : vector<1024x64xf32>
    %mul3A = vector.broadcast %get3A_1 : vector<1024x1xf32> to vector<1024x64xf32>
    %mul3A_13 = arith.mulf %mul3A, %add3A : vector<1024x64xf32>
    %mul3A_14 = arith.mulf %get3A_1, %get3A_1 : vector<1024x1xf32>
    %get3A_15 = arith.constant 0 : index
    %get3A_16 = arith.constant 0 : index
    %get3A_17 = vector.load %arg2[%get3A_15, %get3A_16] : memref<1024x64xf32, #tpu.memory_space<vmem>>, vector<1024x64xf32>
    %mul3A_18 = vector.broadcast %mul3A_14 : vector<1024x1xf32> to vector<1024x64xf32>
    %mul3A_19 = arith.mulf %mul3A_18, %get3A_17 : vector<1024x64xf32>
    %add3A_20 = arith.addf %mul3A_13, %mul3A_19 : vector<1024x64xf32>
    %get3A_21 = arith.constant 0 : index
    %get3A_22 = arith.constant 0 : index
    %get3A_23 = vector.load %arg4[%get3A_21, %get3A_22] : memref<1x64xf32, #tpu.memory_space<vmem>>, vector<1x64xf32>
    %add3A_24 = vector.broadcast %get3A_23 : vector<1x64xf32> to vector<1024x64xf32>
    %add3A_25 = arith.addf %add3A_20, %add3A_24 : vector<1024x64xf32>
    %mul3A_26 = arith.mulf %add3A_25, %add3A_25 : vector<1024x64xf32>
    %reduce_sum3A = arith.constant dense<0.000000e+00> : vector<1024xf32>
    %reduce_sum3A_27 = vector.multi_reduction <add>, %mul3A_26, %reduce_sum3A [1] : vector<1024x64xf32> to vector<1024xf32>
    %broadcast_in_dim3A = vector.shape_cast %reduce_sum3A_27 : vector<1024xf32> to vector<1024x1xf32>
    %sqrt3A = math.sqrt %broadcast_in_dim3A : vector<1024x1xf32>
    %add3A_28 = arith.constant 9.99999996E-13 : f32
    %add3A_29 = vector.broadcast %add3A_28 : f32 to vector<1024x1xf32>
    %add3A_30 = arith.addf %sqrt3A, %add3A_29 : vector<1024x1xf32>
    %div3A = vector.broadcast %add3A_30 : vector<1024x1xf32> to vector<1024x64xf32>
    %div3A_31 = arith.divf %add3A_25, %div3A : vector<1024x64xf32>
    %convert_element_type3A_32 = arith.truncf %div3A_31 : vector<1024x64xf32> to vector<1024x64xbf16>
    %get3A_33 = arith.constant 0 : index
    %get3A_34 = arith.constant 0 : index
    %get3A_35 = vector.load %arg5[%get3A_33, %get3A_34] : memref<64x128xf32, #tpu.memory_space<vmem>>, vector<64x128xf32>
    %convert_element_type3A_36 = arith.truncf %get3A_35 : vector<64x128xf32> to vector<64x128xbf16>
    %dot_general3A = arith.constant dense<0.000000e+00> : vector<1024x128xf32>
    %dot_general3A_37 = tpu.matmul %convert_element_type3A_32, %convert_element_type3A_36, %dot_general3A {dimension_numbers = #tpu.dot_dimension_numbers<[1], [0], [0], [1], [0, 0, 1, 1], [], []>, transpose_lhs_hint = false} : vector<1024x64xbf16>, vector<64x128xbf16>, vector<1024x128xf32> -> vector<1024x128xf32>
    %get3A_38 = arith.constant 0 : index
    %get3A_39 = arith.constant 0 : index
    %get3A_40 = vector.load %arg6[%get3A_38, %get3A_39] : memref<1x128xf32, #tpu.memory_space<vmem>>, vector<1x128xf32>
    %add3A_41 = vector.broadcast %get3A_40 : vector<1x128xf32> to vector<1024x128xf32>
    %add3A_42 = arith.addf %dot_general3A_37, %add3A_41 : vector<1024x128xf32>
    %reduce_max3A = arith.constant dense<0xFF800000> : vector<1024xf32>
    %reduce_max3A_43 = vector.multi_reduction <maximumf>, %add3A_42, %reduce_max3A [1] : vector<1024x128xf32> to vector<1024xf32>
    %broadcast_in_dim3A_44 = vector.shape_cast %reduce_max3A_43 : vector<1024xf32> to vector<1024x1xf32>
    %sub3A = vector.broadcast %broadcast_in_dim3A_44 : vector<1024x1xf32> to vector<1024x128xf32>
    %sub3A_45 = arith.subf %add3A_42, %sub3A : vector<1024x128xf32>
    %exp3A = math.exp %sub3A_45 : vector<1024x128xf32>
    %reduce_sum3A_46 = arith.constant dense<0.000000e+00> : vector<1024xf32>
    %reduce_sum3A_47 = vector.multi_reduction <add>, %exp3A, %reduce_sum3A_46 [1] : vector<1024x128xf32> to vector<1024xf32>
    %broadcast_in_dim3A_48 = vector.shape_cast %reduce_sum3A_47 : vector<1024xf32> to vector<1024x1xf32>
    %log3A = math.log %broadcast_in_dim3A_48 : vector<1024x1xf32>
    %sub3A_49 = vector.broadcast %broadcast_in_dim3A_44 : vector<1024x1xf32> to vector<1024x128xf32>
    %sub3A_50 = arith.subf %add3A_42, %sub3A_49 : vector<1024x128xf32>
    %sub3A_51 = vector.broadcast %log3A : vector<1024x1xf32> to vector<1024x128xf32>
    %sub3A_52 = arith.subf %sub3A_50, %sub3A_51 : vector<1024x128xf32>
    %swap3A = arith.constant 0 : index
    %swap3A_53 = arith.constant 0 : index
    %swap3A_54 = vector.load %arg7[%swap3A, %swap3A_53] : memref<1024x128xf32, #tpu.memory_space<vmem>>, vector<1024x128xf32>
    tpu.vector_store %arg7[%swap3A, %swap3A_53], %sub3A_52 {strides = array<i32>} : memref<1024x128xf32, #tpu.memory_space<vmem>>, vector<1024x128xf32>,
    %swap3A_55 = arith.constant 0 : index
    %swap3A_56 = arith.constant 0 : index
    %swap3A_57 = vector.load %arg8[%swap3A_55, %swap3A_56] : memref<1024x64xf32, #tpu.memory_space<vmem>>, vector<1024x64xf32>
    tpu.vector_store %arg8[%swap3A_55, %swap3A_56], %div3A_31 {strides = array<i32>} : memref<1024x64xf32, #tpu.memory_space<vmem>>, vector<1024x64xf32>,
    return
  }
  func.func @transform_0(%arg0: i32) -> (i32, i32, i32) {
    %c0_i32 = arith.constant 0 : i32
    %c0_i32_0 = arith.constant 0 : i32
    %c0_i32_1 = arith.constant 0 : i32
    return %c0_i32, %arg0, %c0_i32_0 : i32, i32, i32
  }
  func.func @transform_1(%arg0: i32) -> (i32, i32) {
    %c0_i32 = arith.constant 0 : i32
    %c0_i32_0 = arith.constant 0 : i32
    return %arg0, %c0_i32 : i32, i32
  }
  func.func @transform_2(%arg0: i32) -> (i32, i32) {
    %c0_i32 = arith.constant 0 : i32
    %c0_i32_0 = arith.constant 0 : i32
    return %arg0, %c0_i32 : i32, i32
  }
  func.func @transform_3(%arg0: i32) -> (i32, i32) {
    %c0_i32 = arith.constant 0 : i32
    %c0_i32_0 = arith.constant 0 : i32
    %c0_i32_1 = arith.constant 0 : i32
    return %c0_i32, %c0_i32_0 : i32, i32
  }
  func.func @transform_4(%arg0: i32) -> (i32, i32) {
    %c0_i32 = arith.constant 0 : i32
    %c0_i32_0 = arith.constant 0 : i32
    %c0_i32_1 = arith.constant 0 : i32
    return %c0_i32, %c0_i32_0 : i32, i32
  }
  func.func @transform_5(%arg0: i32) -> (i32, i32) {
    %c0_i32 = arith.constant 0 : i32
    %c0_i32_0 = arith.constant 0 : i32
    %c0_i32_1 = arith.constant 0 : i32
    return %c0_i32, %c0_i32_0 : i32, i32
  }
  func.func @transform_6(%arg0: i32) -> (i32, i32) {
    %c0_i32 = arith.constant 0 : i32
    %c0_i32_0 = arith.constant 0 : i32
    return %arg0, %c0_i32 : i32, i32
  }
  func.func @transform_7(%arg0: i32) -> (i32, i32) {
    %c0_i32 = arith.constant 0 : i32
    %c0_i32_0 = arith.constant 0 : i32
    return %arg0, %c0_i32 : i32, i32
  }
}

</mosaic_0001>

<sc_bundles>
// kernel: kernel.12.cloned.1.call-start
scs
__scs_entry_jumppad:
0x0: {  	(pc) =	sbr.rel $0x88, $3  }
0x1: {  	(tag) =	ssettag $0x0;
	lr =	simm.s32 $0x1  }
0x2: {  	[smem:$0x3F99] =	sst lr;
	_ =	strace $0xD0000000  }
0x3: {  	_ = 	snop  }
0x4: {  	_ = 	snop  }
0x5: {  	_ = 	snop  }
0x6: {  	_ = 	snop  }
0x7: {  	_ = 	snop  }
__scs_overlays_trampoline_lowered:
0x8: {  	[smem:$0x3FA8] =	sst s0  }
0x9: {  	[smem:$0x3FA9] =	sst s1  }
0xa: {  	[smem:$0x3FAA] =	sst s2  }
0xb: {  	[smem:$0x3FAB] =	sst s3  }
0xc: {  	[smem:$0x3FAC] =	sst s4  }
0xd: {  	[smem:$0x3FAD] =	sst s5  }
0xe: {  	[smem:$0x3FAE] =	sst s6  }
0xf: {  	[smem:$0x3FAF] =	sst s7  }
0x10: {  	[smem:$0x3FB0] =	sst s8  }
0x11: {  	[smem:$0x3FB1] =	sst s9;
	s0 =	simm.s32 @!p0 $0x0  }
0x12: {  	s1 =	sld [smem:$0x3F97];
	s0 =	simm.s32 @p0 $0x1  }
0x13: {  	[smem:$0x3FB2] =	sst s0;
	s0 =	simm.s32 @!p1 $0x0  }
0x14: {  	s2 =	sld [smem:$0x3F96];
	s0 =	simm.s32 @p1 $0x1  }
0x15: {  	[smem:$0x3FB3] =	sst s0;
	s0 =	simm.s32 @!p2 $0x0  }
0x16: {  	s3 =	sld [smem:$0x3FDB];
	s0 =	simm.s32 @p2 $0x1  }
0x17: {  	s4 =	simm.s32 $0x1BF5;
	[smem:$0x3FB5] =	sst s0  }
0x18: {  	s0 =	sld [smem:$0x3F98];
	_ =	swait.ge [sflag:s4], $0x0  }
0x19: {  	s7 =	sld [smem:$0x3F99]  }
0x1a: {  	s8 =	sadd.s32 $0xFFFFE003, lr  }
0x1b: {  	s9 =	sadd.s32 $0xFFFFFEF7, lr;
	s5 =	simm.s32 $0xFFFFFFFF;
	p2 =	slt.u32 s8, $0xFFFFF086  }
0x1c: {  	p1 =	slt.u32 s9, $0xF7A;
	s5 =	simm.s32 @!p2 $0x0  }
0x1d: {  	s5 =	simm.s32 @p1 $0x1;
	p0 =	seq.s32 s7, s2  }
0x1e: {  	s7 =	smul.u32 @!p0 $0xF7A, s2;
	p2 =	seq.s32 @!p0 s5, $0x0  }
0x1f: {  	s9 =	smul.u32 $0xF7A, s1;
	s8 =	simm.s32 @!p0 $0x1BF5;
	p2 =	por !p2, p0  }
0x20: {  	[sflag:s8] =	ssyncset.s32 @!p0 $0xFFFFF086;
	s6 =	sadd.s32 @!p0 s3, s7;
	s7 =	simm.s32 @!p0 $0x108  }
0x21: {  	s3 =	sadd.s32 s3, s9;
	s6 =	sadd.s32 @!p0 $0x88, s6;
	s7 =	simm.s32 @p2 $0x1082  }
0x22: {  	[simem:s7], [sflag:s8] =	dma.local @!p0 [hbm:s6], $0xF7A  }
0x23: {  	s9 =	sor.u32 $0xD0000000, s2;
	s6 =	simm.s32 $0x108;
	_ =	swait.ge @!p0 [sflag:s8], $0x0  }
0x24: {  	s3 =	sadd.s32 $0x88, s3;
	s6 =	simm.s32 @!p1 $0x1082;
	[sflag:s4] =	ssyncset.s32 $0xFFFFF086  }
0x25: {  	[simem:s6], [sflag:s4] =	dma.local [hbm:s3], $0xF7A  }
0x26: {  	[smem:$0x3F99] =	sst s1;
	(tag) =	ssettag s2;
	_ =	strace s9  }
0x27: {  	s1 =	sld [smem:$0x3FA9]  }
0x28: {  	s2 =	sld [smem:$0x3FAA]  }
0x29: {  	s4 =	sld [smem:$0x3FAC]  }
0x2a: {  	p0 =	seq.s32 s5, $0x0;
	s5 =	sld [smem:$0x3FAD]  }
0x2b: {  	s6 =	sld [smem:$0x3FAE]  }
0x2c: {  	s7 =	sld [smem:$0x3FAF]  }
0x2d: {  	s3 =	simm.s32 $0x108;
	s8 =	sld [smem:$0x3FB0]  }
0x2e: {  	s3 =	simm.s32 @!p0 $0x1082;
	s9 =	sld [smem:$0x3FB1]  }
0x2f: {  	lr =	sadd.s32 s0, s3;
	s0 =	sld [smem:$0x3FA8]  }
0x30: {  	s3 =	sld [smem:$0x3FAB]  }
0x31: {  	[smem:$0x3FB4] =	sst s10  }
0x32: {  	s10 =	sld [smem:$0x3FB2];
	_ =	sdelay $0x3  }
0x33: {  	p0 =	seq.s32 s10, $0x1;
	s10 =	sld [smem:$0x3FB4];
	_ =	sdelay $0x3  }
0x34: {  	[smem:$0x3FB4] =	sst s10  }
0x35: {  	s10 =	sld [smem:$0x3FB3];
	_ =	sdelay $0x3  }
0x36: {  	p1 =	seq.s32 s10, $0x1;
	s10 =	sld [smem:$0x3FB4];
	_ =	sdelay $0x3  }
0x37: {  	[smem:$0x3FB4] =	sst s10  }
0x38: {  	s10 =	sld [smem:$0x3FB5]  }
0x39: {  	_ = 	snop;
	(pc) =	sbr.ind lr, $3  }
0x3a: {  	_ = 	snop  }
0x3b: {  	_ = 	snop  }
0x3c: {  	p2 =	seq.s32 s10, $0x1;
	s10 =	sld [smem:$0x3FB4]  }
0x3d: {  	_ =	shalt  }
0x3e: {  	_ =	shalt  }
0x3f: {  	_ =	shalt  }
0x40: {  	_ =	shalt  }
0x41: {  	_ =	shalt  }
0x42: {  	_ =	shalt  }
0x43: {  	_ =	shalt  }
0x44: {  	_ =	shalt  }
0x45: {  	_ =	shalt  }
0x46: {  	_ =	shalt  }
0x47: {  	_ =	shalt  }
0x48: {  	_ =	shalt  }
0x49: {  	_ =	shalt  }
0x4a: {  	_ =	shalt  }
0x4b: {  	_ =	shalt  }
0x4c: {  	_ =	shalt  }
0x4d: {  	_ =	shalt  }
0x4e: {  	_ =	shalt  }
0x4f: {  	_ =	shalt  }
0x50: {  	_ =	shalt  }
0x51: {  	_ =	shalt  }
0x52: {  	_ =	shalt  }
0x53: {  	_ =	shalt  }
0x54: {  	_ =	shalt  }
0x55: {  	_ =	shalt  }
0x56: {  	_ =	shalt  }
0x57: {  	_ =	shalt  }
0x58: {  	_ =	shalt  }
0x59: {  	_ =	shalt  }
0x5a: {  	_ =	shalt  }
0x5b: {  	_ =	shalt  }
0x5c: {  	_ =	shalt  }
0x5d: {  	_ =	shalt  }
0x5e: {  	_ =	shalt  }
0x5f: {  	_ =	shalt  }
0x60: {  	_ =	shalt  }
0x61: {  	_ =	shalt  }
0x62: {  	_ =	shalt  }
0x63: {  	_ =	shalt  }
0x64: {  	_ =	shalt  }
0x65: {  	_ =	shalt  }
0x66: {  	_ =	shalt  }
0x67: {  	_ =	shalt  }
0x68: {  	_ =	shalt  }
0x69: {  	_ =	shalt  }
0x6a: {  	_ =	shalt  }
0x6b: {  	_ =	shalt  }
0x6c: {  	_ =	shalt  }
0x6d: {  	_ =	shalt  }
0x6e: {  	_ =	shalt  }
0x6f: {  	_ =	shalt  }
0x70: {  	_ =	shalt  }
0x71: {  	_ =	shalt  }
0x72: {  	_ =	shalt  }
0x73: {  	_ =	shalt  }
0x74: {  	_ =	shalt  }
0x75: {  	_ =	shalt  }
0x76: {  	_ =	shalt  }
0x77: {  	_ =	shalt  }
0x78: {  	_ =	shalt  }
0x79: {  	_ =	shalt  }
0x7a: {  	_ =	shalt  }
0x7b: {  	_ =	shalt  }
0x7c: {  	_ =	shalt  }
0x7d: {  	_ =	shalt  }
0x7e: {  	_ =	shalt  }
0x7f: {  	_ =	shalt  }
0x80: {  	_ =	shalt  }
0x81: {  	_ =	shalt  }
0x82: {  	_ =	shalt  }
0x83: {  	_ =	shalt  }
0x84: {  	_ =	shalt  }
0x85: {  	_ =	shalt  }
0x86: {  	_ =	shalt  }
0x87: {  	_ =	shalt  }
.Lfunc_end0:
.L_simem_size_0:
called_computation.1_lowered:
.L_overlay_start_0:
0x88: {  	s2 =	sld [smem:$0x3FD9]  }
0x89: {  	s3 =	sld [smem:$0x3FFE];
	_ =	sdelay $0x1  }
0x8a: {  	s1 =	srdreg.scid  }
0x8b: {  	s0 =	sand.u32 $0x1, s1  }
0x8c: {  	s15 =	sshll.u32 s0, $0xA;
	s2 =	sadd.s32 s3, s2  }
0x8d: {  	s2 =	sadd.s32 s2, s15  }
0x8e: {  	[smem:$0x3FC0] =	sst s2  }
0x8f: {  	_ = 	snop  }
0x90: {  	s2 =	sld [smem:$0x3FD0];
	_ =	sdelay $0x2  }
0x91: {  	s4 =	simm.s32 $0xB;
	s16 =	simm.s32 $0x10  }
0x92: {  	[smem:s16], [sflag:s4] =	dma.local [hbm:s2], $0x1  }
0x93: {  	_ =	swait.eq [sflag:s4], $0x1  }
0x94: {  	[sflag:s4] =	ssyncset.done $0x0  }
0x95: {  	s17 =	sld [smem:$0x10];
	[sflag:s4] =	ssyncadd.s32 $0xFFFFFFFF  }
0x96: {  	s18 =	sld [smem:$0x11];
	(tm) =	ssettm $0x1  }
0x97: {  	s19 =	sld [smem:$0x3FFB];
	_ =	sdelay $0x3  }
0x98: {  	_ =	strace s19  }
0x99: {  	s2 =	sld [smem:$0x3FFC];
	_ =	sdelay $0x3  }
0x9a: {  	_ =	strace s2  }
0x9b: {  	s2 =	sld [smem:$0x3FFD];
	_ =	sdelay $0x3  }
0x9c: {  	_ =	strace s2  }
0x9d: {  	_ =	strace $0x8FFFFFFF  }
0x9e: {  	s20 =	sld [smem:$0x3FDB];
	_ =	sdelay $0x1  }
0x9f: {  	s5 =	simm.s32 $_scs_section_size  }
0xa0: {  	s6 =	simm.s32 $_size__tile_overlayer_lowered;
	s7 =	simm.s32 $_tile_overlayer_lowered  }
0xa1: {  	s8 =	simm.s32 $0x1BFF;
	s21 =	sshll.u32 s7, $0x1;
	s5 =	sadd.s32 s5, s20  }
0xa2: {  	s22 =	simm.s32 $0x0;
	s6 =	sshll.u32 s6, $0x1;
	s7 =	sadd.s32 s21, s5  }
0xa3: {  	[timem:s22], [sflag:s8] =	dma.local [hbm:s7], s6  }
0xa4: {  	_ =	swait.ge [sflag:s8], s6  }
0xa5: {  	s6 =	ssub.s32 $0x0, s6;
	[sflag:s8] =	ssyncset.done $0x0  }
0xa6: {  	[sflag:s8] =	ssyncadd.s32 s6;
	_ =	sdelay $0x1  }
0xa7: {  	s23 =	simm.s32 $0x1B8B  }
0xa8: {  	_ =	swait.ge [sflag:s23], $0x1  }
0xa9: {  	[sflag:s23] =	ssyncset.done $0x0  }
0xaa: {  	[sflag:s23] =	ssyncadd.s32 $0xFFFFFFFF  }
0xab: {  	s6 =	sld [smem:$0x0]  }
0xac: {  	s7 =	sand.u32 $0xFFFFFFFE, s1  }
0xad: {  	p0 =	sne.s32 s1, s7  }
0xae: {  	s7 =	sshll.u32 @p0 s7, $0xE  }
0xaf: {  	s7 =	sadd.s32 @p0 $0x11B8D, s7;
	s8 =	sshll.u32 @p0 s6, $0x11  }
0xb0: {  	s7 =	sor.u32 @p0 s8, s7  }
0xb1: {  	[sflag:s7] =	ssyncadd.remote.s32 @p0 $0x1;
	_ =	sdelay $0x1  }
0xb2: {  	s7 =	simm.s32 @p0 $0x1B8D  }
0xb3: {  	_ =	swait.eq @p0 [sflag:s7], $0x1  }
0xb4: {  	[sflag:s7] =	ssyncadd.s32 @p0 $0xFFFFFFFF  }
0xb5: {  	s8 =	sshll.u32 @!p0 s1, $0xE  }
0xb6: {  	s8 =	sor.u32 @!p0 $0x4000, s8;
	s7 =	simm.s32 @!p0 $0x1B8D  }
0xb7: {  	s6 =	sshll.u32 @!p0 s6, $0x11;
	s8 =	sadd.s32 @!p0 $0x11B8D, s8;
	_ =	swait.eq @!p0 [sflag:s7], $0x1  }
0xb8: {  	s6 =	sor.u32 @!p0 s6, s8;
	[sflag:s7] =	ssyncadd.s32 @!p0 $0xFFFFFFFF  }
0xb9: {  	s25 =	simm.s32 $0x1B8E;
	s24 =	sld [smem:$0x3FFE];
	[sflag:s6] =	ssyncadd.remote.s32 @!p0 $0x1  }
0xba: {  	s26 =	simm.s32 $execute0_lowered;
	[smem:$0x3FD2] =	sst s25  }
0xbb: {  	s7 =	sshll.u32 s26, $0x1;
	_ =	strace $0x8000004C;
	[dreg:$0x1] =	wrdreg $0xFFFFFFFF  }
0xbc: {  	s28 =	simm.s32 $_size_execute0_lowered;
	s5 =	sadd.s32 s5, s7;
	[dreg:$0x0] =	wrdreg $0x0  }
0xbd: {  	s7 =	sshll.u32 s28, $0x1;
	[dreg:$0x2] =	wrdreg s5  }
0xbe: {  	[dreg:$0x3] =	wrdreg s7  }
0xbf: {  	[dreg:$0x4] =	wrdreg $0xC0  }
0xc0: {  	_ =	task [dreg:s22], $0x5FFFF  }
0xc1: {  	[dreg:$0x1] =	wrdreg $0xFFFFFFFF  }
0xc2: {  	[dreg:$0x0] =	wrdreg $0x60  }
0xc3: {  	[dreg:$0x2] =	wrdreg s24  }
0xc4: {  	[dreg:$0x3] =	wrdreg s18  }
0xc5: {  	[dreg:$0x4] =	wrdreg s17  }
0xc6: {  	[dreg:$0x5] =	wrdreg $0x8E800  }
0xc7: {  	[dreg:$0x6] =	wrdreg $0x9  }
0xc8: {  	_ =	task.clear_ibuf [dreg:s22], $0x7FFFF;
	_ =	strace $0x9000004C  }
0xc9: {  	s29 =	simm.s32 $0x9;
	_ =	strace $0x8000004E  }
0xca: {  	_ =	swait.ge [sflag:s29], $0x1  }
0xcb: {  	[sflag:s29] =	ssyncadd.s32 $0xFFFFFFFF  }
0xcc: {  	_ =	strace $0x9000004E  }
0xcd: {  	_ =	sfence  }
0xce: {  	s30 =	sld [smem:$0x0];
	_ =	sdelay $0x2  }
0xcf: {  	s31 =	sshll.u32 s1, $0xD;
	s1 =	sshrl.u32 s1, $0x2  }
0xd0: {  	s4 =	sand.u32 $0x4000, s31;
	s1 =	sadd.s32 s1, s30  }
0xd1: {  	s0 =	sor.u32 s4, s0;
	s1 =	sshll.u32 s1, $0x11  }
0xd2: {  	s0 =	sor.u32 s1, s0  }
0xd3: {  	s0 =	sadd.s32 $0x8F2B, s0  }
0xd4: {  	[sflag:s0] =	ssyncadd.remote.s32 $0x1  }
0xd5: {  	_ =	sfence.sel $0xFFFF  }
0xd6: {  	[dreg:$0x0] =	wrdreg $0xFFFFFFFF;
	(pc) =	sbr.abs _section_cstart, $3  }
0xd7: {  	[dreg:$0x1] =	wrdreg $0xFFFFFFFF  }
0xd8: {  	_ =	task.clear_ibuf [dreg:s22], $0x2FFFF;
	_ =	strace $0x9FFFFFFF  }
0xd9: {  	(tm) =	ssettm $0x7FFFFFFF  }
tec
execute0_lowered:
.L_overlay_start_1:
0x0: {  	(tag) =	ssettag $0x1  }
0x1: {  	s0 =	rddreg [dreg:$0x0]  }
0x2: {  	s1 =	rddreg [dreg:$0x1];
	s2 =	srdreg.scid  }
0x3: {  	s13 =	stileid.u32;
	s8 =	rddreg [dreg:$0x2]  }
0x4: {  	s14 =	simm.s32 $0x7D;
	s15 =	simm.s32 $0x5000;
	s17 =	simm.s32 $0x5FA0  }
0x5: {  	s19 =	simm.s32 $0x6F40;
	s21 =	simm.s32 $0x7EE0;
	s22 =	simm.s32 $0x1  }
0x6: {  	s23 =	simm.s32 $0x2;
	s24 =	simm.s32 $0x3;
	s28 =	simm.s32 $0x6  }
0x7: {  	s29 =	simm.s32 $0x7;
	s30 =	simm.s32 $0x8;
	s16 =	simm.s32 $0x0  }
0x8: {  	s4 =	sand.u32 $0x1, s2;
	s3 =	sshll.u32 s13, $0x1;
	s2 =	rddreg [dreg:$0x3]  }
0x9: {  	s9 =	smul.u32 $0xA000, s13;
	s31 =	sshll.u32 s13, $0x6;
	s5 =	sor.u32 s4, s3  }
0xa: {  	s3 =	simm.s32 $0x0;
	s6 =	ssub.s32 $0x2, s4;
	s10 =	smul.u32 $0xA0000, s4  }
0xb: {  	s4 =	sadd.s32 $0x2B200, s0;
	s7 =	smul.u32 $0x500, s5;
	[smem:$0x7FF] =	sst s3  }
0xc: {  	s12 =	sshrl.u32 s6, $0x1;
	s5 =	sadd.s32 $0x2A00, s0;
	_ =	strace $0x8000004D  }
0xd: {  	s25 =	ssub.s32 s6, s12;
	s10 =	sadd.s32 s9, s10;
	s9 =	sshrl.u32 s9, $0x1  }
0xe: {  	s12 =	sor.u32 $0x1C09, s31;
	s11 =	sadd.s32 s7, s0;
	s10 =	sshrl.u32 s10, $0x4  }
0xf: {  	s7 =	sadd.s32 s1, s7;
	s26 =	sadd.s32 s9, s2;
	s9 =	smax.u32 s25, $0x1  }
0x10: {  	s25 =	simm.s32 $0x4;
	s1 =	simm.s32 $0x4E80;
	s0 =	simm.s32 $0x4F00  }
0x11: {  	s6 =	sadd.s32 $0x3400, s11;
	s8 =	sadd.s32 s8, s10;
	s10 =	simm.s32 $0x9  }
0x12: {  	s13 =	sshrl.u32 s26, $0x3;
	s26 =	simm.s32 $0x5;
	s11 =	simm.s32 $0x4F80  }
.LBB2_1:
0x13: {  	[tilespmem:s3], [sflag:$0x9] =	stream.linear.gather [hbm4b:s6+s3], $0x2800, $0x38;
	[tilespmem:$0xDE80] =	vst v63  }
0x14: {  	_ =	swait.ge [sflag:s10], $0x2800  }
0x15: {  	[sflag:s10] =	ssyncset.done $0x0  }
0x16: {  	s18 =	simm.s32 $0x2800;
	[sflag:s10] =	ssyncadd.s32 $0xFFFFD800  }
0x17: {  	[tilespmem:s18], [sflag:$0x9] =	stream.linear.gather [hbm4b:s7+s3], $0x2800, $0x38;
	[tilespmem:$0xDE80] =	vst v63  }
0x18: {  	_ =	swait.ge [sflag:s10], $0x2800  }
0x19: {  	[sflag:s10] =	ssyncset.done $0x0  }
0x1a: {  	[sflag:s10] =	ssyncadd.s32 $0xFFFFD800  }
0x1b: {  	[spmem:s13], [sflag:s12] =	dma.local [hbm:s5], $0xA00  }
0x1c: {  	_ =	swait.ge [sflag:s10], $0xA00  }
0x1d: {  	[sflag:s10] =	ssyncset.done $0x0  }
0x1e: {  	[sflag:s10] =	ssyncadd.s32 $0xFFFFF600  }
0x1f: {  	[bflag:$0x0] =	sbarrier.arrive $0xFFFF  }
0x20: {  	[tilespmem:s15], [sflag:$0x1] =	stream.indirect.gather [hbm4b:s4+s14], $0x20, s3, s14, $0xb8;
	[tilespmem:$0xDE80] =	vst v63  }
0x21: {  	s20 =	simm.s32 $0x80  }
0x22: {  	[tilespmem:s17], [sflag:$0x2] =	stream.indirect.gather [hbm4b:s4+s14], $0x20, s20, s14, $0xb8;
	[tilespmem:$0xDE80] =	vst v63  }
0x23: {  	s31 =	simm.s32 $0x100  }
0x24: {  	[tilespmem:s19], [sflag:$0x3] =	stream.indirect.gather [hbm4b:s4+s14], $0x20, s31, s14, $0xb8;
	[tilespmem:$0xDE80] =	vst v63  }
0x25: {  	s20 =	simm.s32 $0x180  }
0x26: {  	[tilespmem:s21], [sflag:$0x4] =	stream.indirect.gather [hbm4b:s4+s14], $0x20, s20, s14, $0xb8;
	[tilespmem:$0xDE80] =	vst v63  }
0x27: {  	_ =	swait.ge [sflag:s22], $0xFA0  }
0x28: {  	[sflag:s22] =	ssyncset.done $0x0  }
0x29: {  	s31 =	simm.s32 $0x2800;
	[sflag:s22] =	ssyncadd.s32 $0xFFFFF060  }
0x2a: {  	[spmem:s2] =	stream.indirect.scatter.add.bf16 [tilespmem:s15], [sflag:$0x5], $0x20, s31, s14, $0xb8;
	[tilespmem:$0xDE80] =	vst v63  }
0x2b: {  	_ =	swait.ge [sflag:s23], $0xFA0  }
0x2c: {  	[sflag:s23] =	ssyncset.done $0x0  }
0x2d: {  	s20 =	simm.s32 $0x2880;
	[sflag:s23] =	ssyncadd.s32 $0xFFFFF060  }
0x2e: {  	[spmem:s2] =	stream.indirect.scatter.add.bf16 [tilespmem:s17], [sflag:$0x6], $0x20, s20, s14, $0xb8;
	[tilespmem:$0xDE80] =	vst v63  }
0x2f: {  	_ =	swait.ge [sflag:s24], $0xFA0  }
0x30: {  	[sflag:s24] =	ssyncset.done $0x0  }
0x31: {  	s31 =	simm.s32 $0x2900;
	[sflag:s24] =	ssyncadd.s32 $0xFFFFF060  }
0x32: {  	[spmem:s2] =	stream.indirect.scatter.add.bf16 [tilespmem:s19], [sflag:$0x7], $0x20, s31, s14, $0xb8;
	[tilespmem:$0xDE80] =	vst v63  }
0x33: {  	_ =	swait.ge [sflag:s25], $0xFA0  }
0x34: {  	[sflag:s25] =	ssyncset.done $0x0  }
0x35: {  	s20 =	simm.s32 $0x2980;
	[sflag:s25] =	ssyncadd.s32 $0xFFFFF060  }
0x36: {  	[spmem:s2] =	stream.indirect.scatter.add.bf16 [tilespmem:s21], [sflag:$0x8], $0x20, s20, s14, $0xb8;
	[tilespmem:$0xDE80] =	vst v63  }
0x37: {  	_ =	swait.ge [sflag:s26], $0xFA0  }
0x38: {  	[sflag:s26] =	ssyncset.done $0x0  }
0x39: {  	s31 =	simm.s32 $0x200;
	[sflag:s26] =	ssyncadd.s32 $0xFFFFF060  }
0x3a: {  	[tilespmem:s15], [sflag:$0x1] =	stream.indirect.gather [hbm4b:s4+s14], $0x20, s31, s14, $0xb8;
	[tilespmem:$0xDE80] =	vst v63  }
0x3b: {  	_ =	swait.ge [sflag:s28], $0xFA0  }
0x3c: {  	[sflag:s28] =	ssyncset.done $0x0  }
0x3d: {  	s20 =	simm.s32 $0x280;
	[sflag:s28] =	ssyncadd.s32 $0xFFFFF060  }
0x3e: {  	[tilespmem:s17], [sflag:$0x2] =	stream.indirect.gather [hbm4b:s4+s14], $0x20, s20, s14, $0xb8;
	[tilespmem:$0xDE80] =	vst v63  }
0x3f: {  	_ =	swait.ge [sflag:s29], $0xFA0  }
0x40: {  	[sflag:s29] =	ssyncset.done $0x0  }
0x41: {  	s31 =	simm.s32 $0x300;
	[sflag:s29] =	ssyncadd.s32 $0xFFFFF060  }
0x42: {  	[tilespmem:s19], [sflag:$0x3] =	stream.indirect.gather [hbm4b:s4+s14], $0x20, s31, s14, $0xb8;
	[tilespmem:$0xDE80] =	vst v63  }
0x43: {  	_ =	swait.ge [sflag:s30], $0xFA0  }
0x44: {  	[sflag:s30] =	ssyncset.done $0x0  }
0x45: {  	s18 =	simm.s32 $0x800;
	s20 =	simm.s32 $0x380;
	[sflag:s30] =	ssyncadd.s32 $0xFFFFF060  }
.LBB2_2:
0x46: {  	[tilespmem:s21], [sflag:$0x4] =	stream.indirect.gather [hbm4b:s4+s14], $0x20, s20, s14, $0xb8;
	[tilespmem:$0xDE80] =	vst v63  }
0x47: {  	s20 =	smov.u32 s18  }
0x48: {  	p0 =	sne.s32 s18, $0x9000;
	s18 =	sadd.s32 $0x800, s18;
	_ =	swait.ge [sflag:s22], $0xFA0  }
0x49: {  	s20 =	sshra.s32 s20, $0x2;
	[sflag:s22] =	ssyncset.done $0x0  }
0x4a: {  	s31 =	sadd.s32 $0x2800, s20;
	[sflag:s22] =	ssyncadd.s32 $0xFFFFF060  }
0x4b: {  	[spmem:s2] =	stream.indirect.scatter.add.bf16 [tilespmem:s15], [sflag:$0x5], $0x20, s31, s14, $0xb8;
	[tilespmem:$0xDE80] =	vst v63  }
0x4c: {  	_ =	swait.ge [sflag:s23], $0xFA0  }
0x4d: {  	[sflag:s23] =	ssyncset.done $0x0  }
0x4e: {  	s31 =	sadd.s32 $0x2880, s20;
	[sflag:s23] =	ssyncadd.s32 $0xFFFFF060  }
0x4f: {  	[spmem:s2] =	stream.indirect.scatter.add.bf16 [tilespmem:s17], [sflag:$0x6], $0x20, s31, s14, $0xb8;
	[tilespmem:$0xDE80] =	vst v63  }
0x50: {  	_ =	swait.ge [sflag:s24], $0xFA0  }
0x51: {  	[sflag:s24] =	ssyncset.done $0x0  }
0x52: {  	s31 =	sadd.s32 $0x2900, s20;
	[sflag:s24] =	ssyncadd.s32 $0xFFFFF060  }
0x53: {  	[spmem:s2] =	stream.indirect.scatter.add.bf16 [tilespmem:s19], [sflag:$0x7], $0x20, s31, s14, $0xb8;
	[tilespmem:$0xDE80] =	vst v63  }
0x54: {  	_ =	swait.ge [sflag:s25], $0xFA0  }
0x55: {  	[sflag:s25] =	ssyncset.done $0x0  }
0x56: {  	s31 =	sadd.s32 $0x2980, s20;
	[sflag:s25] =	ssyncadd.s32 $0xFFFFF060  }
0x57: {  	[spmem:s2] =	stream.indirect.scatter.add.bf16 [tilespmem:s21], [sflag:$0x8], $0x20, s31, s14, $0xb8;
	[tilespmem:$0xDE80] =	vst v63  }
0x58: {  	_ =	swait.ge [sflag:s26], $0xFA0  }
0x59: {  	[sflag:s26] =	ssyncset.done $0x0  }
0x5a: {  	s31 =	sadd.s32 $0x200, s20;
	[sflag:s26] =	ssyncadd.s32 $0xFFFFF060  }
0x5b: {  	[tilespmem:s15], [sflag:$0x1] =	stream.indirect.gather [hbm4b:s4+s14], $0x20, s31, s14, $0xb8;
	[tilespmem:$0xDE80] =	vst v63  }
0x5c: {  	_ =	swait.ge [sflag:s28], $0xFA0  }
0x5d: {  	[sflag:s28] =	ssyncset.done $0x0  }
0x5e: {  	s31 =	sadd.s32 $0x280, s20;
	[sflag:s28] =	ssyncadd.s32 $0xFFFFF060  }
0x5f: {  	[tilespmem:s17], [sflag:$0x2] =	stream.indirect.gather [hbm4b:s4+s14], $0x20, s31, s14, $0xb8;
	[tilespmem:$0xDE80] =	vst v63  }
0x60: {  	_ =	swait.ge [sflag:s29], $0xFA0  }
0x61: {  	[sflag:s29] =	ssyncset.done $0x0  }
.Ltmp0:
0x62: {  	s31 =	sadd.s32 $0x300, s20;
	[sflag:s29] =	ssyncadd.s32 $0xFFFFF060;
	(pc) =	sbr.rel @p0 .LBB2_2-.Ltmp0, $4  }
0x63: {  	[tilespmem:s19], [sflag:$0x3] =	stream.indirect.gather [hbm4b:s4+s14], $0x20, s31, s14, $0xb8;
	[tilespmem:$0xDE80] =	vst v63  }
0x64: {  	_ =	swait.ge [sflag:s30], $0xFA0  }
0x65: {  	[sflag:s30] =	ssyncset.done $0x0  }
0x66: {  	s20 =	sadd.s32 $0x380, s20;
	[sflag:s30] =	ssyncadd.s32 $0xFFFFF060  }
0x67: {  	[tilespmem:s21], [sflag:$0x4] =	stream.indirect.gather [hbm4b:s4+s14], $0x20, s20, s14, $0xb8;
	[tilespmem:$0xDE80] =	vst v63  }
0x68: {  	_ =	swait.ge [sflag:s22], $0xFA0  }
0x69: {  	[sflag:s22] =	ssyncset.done $0x0  }
0x6a: {  	s18 =	simm.s32 $0x4E00;
	[sflag:s22] =	ssyncadd.s32 $0xFFFFF060  }
0x6b: {  	[spmem:s2] =	stream.indirect.scatter.add.bf16 [tilespmem:s15], [sflag:$0x5], $0x20, s18, s14, $0xb8;
	[tilespmem:$0xDE80] =	vst v63  }
0x6c: {  	_ =	swait.ge [sflag:s23], $0xFA0  }
0x6d: {  	[sflag:s23] =	ssyncset.done $0x0  }
0x6e: {  	[sflag:s23] =	ssyncadd.s32 $0xFFFFF060  }
0x6f: {  	[spmem:s2] =	stream.indirect.scatter.add.bf16 [tilespmem:s17], [sflag:$0x6], $0x20, s1, s14, $0xb8;
	[tilespmem:$0xDE80] =	vst v63  }
0x70: {  	_ =	swait.ge [sflag:s24], $0xFA0  }
0x71: {  	[sflag:s24] =	ssyncset.done $0x0  }
0x72: {  	[sflag:s24] =	ssyncadd.s32 $0xFFFFF060  }
0x73: {  	[spmem:s2] =	stream.indirect.scatter.add.bf16 [tilespmem:s19], [sflag:$0x7], $0x20, s0, s14, $0xb8;
	[tilespmem:$0xDE80] =	vst v63  }
0x74: {  	_ =	swait.ge [sflag:s25], $0xFA0  }
0x75: {  	[sflag:s25] =	ssyncset.done $0x0  }
0x76: {  	[sflag:s25] =	ssyncadd.s32 $0xFFFFF060  }
0x77: {  	[spmem:s2] =	stream.indirect.scatter.add.bf16 [tilespmem:s21], [sflag:$0x8], $0x20, s11, s14, $0xb8;
	[tilespmem:$0xDE80] =	vst v63  }
0x78: {  	_ =	swait.ge [sflag:s26], $0xFA0  }
0x79: {  	[sflag:s26] =	ssyncset.done $0x0  }
0x7a: {  	[sflag:s26] =	ssyncadd.s32 $0xFFFFF060  }
0x7b: {  	_ =	swait.ge [sflag:s28], $0xFA0  }
0x7c: {  	[sflag:s28] =	ssyncset.done $0x0  }
0x7d: {  	[sflag:s28] =	ssyncadd.s32 $0xFFFFF060  }
0x7e: {  	_ =	swait.ge [sflag:s29], $0xFA0  }
0x7f: {  	[sflag:s29] =	ssyncset.done $0x0  }
0x80: {  	[sflag:s29] =	ssyncadd.s32 $0xFFFFF060  }
0x81: {  	_ =	swait.ge [sflag:s30], $0xFA0  }
0x82: {  	s16 =	sadd.s32 $0x1, s16;
	[sflag:s30] =	ssyncset.done $0x0  }
0x83: {  	p0 =	sne.s32 s16, s9;
	[sflag:s30] =	ssyncadd.s32 $0xFFFFF060  }
.Ltmp1:
0x84: {  	[bflag:$0x0] =	sbarrier.arrive $0xFFFF;
	(pc) =	sbr.rel @p0 .LBB2_1-.Ltmp1, $4  }
0x85: {  	[hbm:s8], [sflag:s12] =	dma.local [spmem:s13], $0xA00  }
0x86: {  	_ =	swait.ge [sflag:s10], $0xA00  }
0x87: {  	[sflag:s10] =	ssyncset.done $0x0  }
0x88: {  	[sflag:s10] =	ssyncadd.s32 $0xFFFFF600  }
0x89: {  	_ =	sfence.sel $0x180000  }
0x8a: {  	[bflag:$0x0] =	sbarrier.arrive $0xFFFF  }
0x8b: {  	_ =	strace $0x9000004D  }
0x8c: {  	s0 =	stileid.u32;
	[bflag:$0x2] =	sbarrier.arrive $0xFFFF  }
0x8d: {  	p0 =	sne.s32 s0, $0x0;
	s0 =	rddreg [dreg:$0x4]  }
0x8e: {  	s0 =	sadd.s32 @!p0 $0x100000, s0  }
0x8f: {  	[sflag:s0] =	ssyncadd.tile.s32 @!p0 $0x1;
	_ =	shalt  }
.Lfunc_end2:
_tile_overlayer_lowered:
.L_overlay_start_2:
0x90: {  	(tag) =	ssettag $0x2  }
0x91: {  	s0 =	rddreg [dreg:$0x0];
	s2 =	stileid.u32  }
0x92: {  	s1 =	rddreg [dreg:$0x1];
	p0 =	sne.s32 s2, $0x0  }
0x93: {  	s3 =	rddreg [dreg:$0x2];
	[bflag:$0x3] =	sbarrier.arrive $0xFFFF;
	s2 =	simm.s32 @!p0 $0x1C09  }
0x94: {  	[timem:s3], [sflag:s2] =	dma.local @!p0 [hbm:s0], s1  }
0x95: {  	s0 =	simm.s32 @!p0 $0x9  }
0x96: {  	_ =	swait.ge @!p0 [sflag:s0], s1  }
0x97: {  	s1 =	ssub.s32 @!p0 $0x0, s1;
	[sflag:s0] =	ssyncset.done @!p0 $0x0  }
0x98: {  	[sflag:s0] =	ssyncadd.s32 @!p0 s1  }
0x99: {  	[bflag:$0x3] =	sbarrier.arrive $0xFFFF  }
0x9a: {  	_ =	shalt  }

// kernel: kernel.15.cloned.1.call-start
scs
__scs_entry_jumppad:
0x0: {  	(pc) =	sbr.rel $0x88, $3  }
0x1: {  	(tag) =	ssettag $0x0;
	lr =	simm.s32 $0x1  }
0x2: {  	[smem:$0x3F99] =	sst lr;
	_ =	strace $0xD0000000  }
0x3: {  	_ = 	snop  }
0x4: {  	_ = 	snop  }
0x5: {  	_ = 	snop  }
0x6: {  	_ = 	snop  }
0x7: {  	_ = 	snop  }
__scs_overlays_trampoline_lowered:
0x8: {  	[smem:$0x3FA8] =	sst s0  }
0x9: {  	[smem:$0x3FA9] =	sst s1  }
0xa: {  	[smem:$0x3FAA] =	sst s2  }
0xb: {  	[smem:$0x3FAB] =	sst s3  }
0xc: {  	[smem:$0x3FAC] =	sst s4  }
0xd: {  	[smem:$0x3FAD] =	sst s5  }
0xe: {  	[smem:$0x3FAE] =	sst s6  }
0xf: {  	[smem:$0x3FAF] =	sst s7  }
0x10: {  	[smem:$0x3FB0] =	sst s8  }
0x11: {  	[smem:$0x3FB1] =	sst s9;
	s0 =	simm.s32 @!p0 $0x0  }
0x12: {  	s1 =	sld [smem:$0x3F97];
	s0 =	simm.s32 @p0 $0x1  }
0x13: {  	[smem:$0x3FB2] =	sst s0;
	s0 =	simm.s32 @!p1 $0x0  }
0x14: {  	s2 =	sld [smem:$0x3F96];
	s0 =	simm.s32 @p1 $0x1  }
0x15: {  	[smem:$0x3FB3] =	sst s0;
	s0 =	simm.s32 @!p2 $0x0  }
0x16: {  	s3 =	sld [smem:$0x3FDB];
	s0 =	simm.s32 @p2 $0x1  }
0x17: {  	s4 =	simm.s32 $0x1BF5;
	[smem:$0x3FB5] =	sst s0  }
0x18: {  	s0 =	sld [smem:$0x3F98];
	_ =	swait.ge [sflag:s4], $0x0  }
0x19: {  	s7 =	sld [smem:$0x3F99]  }
0x1a: {  	s8 =	sadd.s32 $0xFFFFE003, lr  }
0x1b: {  	s9 =	sadd.s32 $0xFFFFFEF7, lr;
	s5 =	simm.s32 $0xFFFFFFFF;
	p2 =	slt.u32 s8, $0xFFFFF086  }
0x1c: {  	p1 =	slt.u32 s9, $0xF7A;
	s5 =	simm.s32 @!p2 $0x0  }
0x1d: {  	s5 =	simm.s32 @p1 $0x1;
	p0 =	seq.s32 s7, s2  }
0x1e: {  	s7 =	smul.u32 @!p0 $0xF7A, s2;
	p2 =	seq.s32 @!p0 s5, $0x0  }
0x1f: {  	s9 =	smul.u32 $0xF7A, s1;
	s8 =	simm.s32 @!p0 $0x1BF5;
	p2 =	por !p2, p0  }
0x20: {  	[sflag:s8] =	ssyncset.s32 @!p0 $0xFFFFF086;
	s6 =	sadd.s32 @!p0 s3, s7;
	s7 =	simm.s32 @!p0 $0x108  }
0x21: {  	s3 =	sadd.s32 s3, s9;
	s6 =	sadd.s32 @!p0 $0x88, s6;
	s7 =	simm.s32 @p2 $0x1082  }
0x22: {  	[simem:s7], [sflag:s8] =	dma.local @!p0 [hbm:s6], $0xF7A  }
0x23: {  	s9 =	sor.u32 $0xD0000000, s2;
	s6 =	simm.s32 $0x108;
	_ =	swait.ge @!p0 [sflag:s8], $0x0  }
0x24: {  	s3 =	sadd.s32 $0x88, s3;
	s6 =	simm.s32 @!p1 $0x1082;
	[sflag:s4] =	ssyncset.s32 $0xFFFFF086  }
0x25: {  	[simem:s6], [sflag:s4] =	dma.local [hbm:s3], $0xF7A  }
0x26: {  	[smem:$0x3F99] =	sst s1;
	(tag) =	ssettag s2;
	_ =	strace s9  }
0x27: {  	s1 =	sld [smem:$0x3FA9]  }
0x28: {  	s2 =	sld [smem:$0x3FAA]  }
0x29: {  	s4 =	sld [smem:$0x3FAC]  }
0x2a: {  	p0 =	seq.s32 s5, $0x0;
	s5 =	sld [smem:$0x3FAD]  }
0x2b: {  	s6 =	sld [smem:$0x3FAE]  }
0x2c: {  	s7 =	sld [smem:$0x3FAF]  }
0x2d: {  	s3 =	simm.s32 $0x108;
	s8 =	sld [smem:$0x3FB0]  }
0x2e: {  	s3 =	simm.s32 @!p0 $0x1082;
	s9 =	sld [smem:$0x3FB1]  }
0x2f: {  	lr =	sadd.s32 s0, s3;
	s0 =	sld [smem:$0x3FA8]  }
0x30: {  	s3 =	sld [smem:$0x3FAB]  }
0x31: {  	[smem:$0x3FB4] =	sst s10  }
0x32: {  	s10 =	sld [smem:$0x3FB2];
	_ =	sdelay $0x3  }
0x33: {  	p0 =	seq.s32 s10, $0x1;
	s10 =	sld [smem:$0x3FB4];
	_ =	sdelay $0x3  }
0x34: {  	[smem:$0x3FB4] =	sst s10  }
0x35: {  	s10 =	sld [smem:$0x3FB3];
	_ =	sdelay $0x3  }
0x36: {  	p1 =	seq.s32 s10, $0x1;
	s10 =	sld [smem:$0x3FB4];
	_ =	sdelay $0x3  }
0x37: {  	[smem:$0x3FB4] =	sst s10  }
0x38: {  	s10 =	sld [smem:$0x3FB5]  }
0x39: {  	_ = 	snop;
	(pc) =	sbr.ind lr, $3  }
0x3a: {  	_ = 	snop  }
0x3b: {  	_ = 	snop  }
0x3c: {  	p2 =	seq.s32 s10, $0x1;
	s10 =	sld [smem:$0x3FB4]  }
0x3d: {  	_ =	shalt  }
0x3e: {  	_ =	shalt  }
0x3f: {  	_ =	shalt  }
0x40: {  	_ =	shalt  }
0x41: {  	_ =	shalt  }
0x42: {  	_ =	shalt  }
0x43: {  	_ =	shalt  }
0x44: {  	_ =	shalt  }
0x45: {  	_ =	shalt  }
0x46: {  	_ =	shalt  }
0x47: {  	_ =	shalt  }
0x48: {  	_ =	shalt  }
0x49: {  	_ =	shalt  }
0x4a: {  	_ =	shalt  }
0x4b: {  	_ =	shalt  }
0x4c: {  	_ =	shalt  }
0x4d: {  	_ =	shalt  }
0x4e: {  	_ =	shalt  }
0x4f: {  	_ =	shalt  }
0x50: {  	_ =	shalt  }
0x51: {  	_ =	shalt  }
0x52: {  	_ =	shalt  }
0x53: {  	_ =	shalt  }
0x54: {  	_ =	shalt  }
0x55: {  	_ =	shalt  }
0x56: {  	_ =	shalt  }
0x57: {  	_ =	shalt  }
0x58: {  	_ =	shalt  }
0x59: {  	_ =	shalt  }
0x5a: {  	_ =	shalt  }
0x5b: {  	_ =	shalt  }
0x5c: {  	_ =	shalt  }
0x5d: {  	_ =	shalt  }
0x5e: {  	_ =	shalt  }
0x5f: {  	_ =	shalt  }
0x60: {  	_ =	shalt  }
0x61: {  	_ =	shalt  }
0x62: {  	_ =	shalt  }
0x63: {  	_ =	shalt  }
0x64: {  	_ =	shalt  }
0x65: {  	_ =	shalt  }
0x66: {  	_ =	shalt  }
0x67: {  	_ =	shalt  }
0x68: {  	_ =	shalt  }
0x69: {  	_ =	shalt  }
0x6a: {  	_ =	shalt  }
0x6b: {  	_ =	shalt  }
0x6c: {  	_ =	shalt  }
0x6d: {  	_ =	shalt  }
0x6e: {  	_ =	shalt  }
0x6f: {  	_ =	shalt  }
0x70: {  	_ =	shalt  }
0x71: {  	_ =	shalt  }
0x72: {  	_ =	shalt  }
0x73: {  	_ =	shalt  }
0x74: {  	_ =	shalt  }
0x75: {  	_ =	shalt  }
0x76: {  	_ =	shalt  }
0x77: {  	_ =	shalt  }
0x78: {  	_ =	shalt  }
0x79: {  	_ =	shalt  }
0x7a: {  	_ =	shalt  }
0x7b: {  	_ =	shalt  }
0x7c: {  	_ =	shalt  }
0x7d: {  	_ =	shalt  }
0x7e: {  	_ =	shalt  }
0x7f: {  	_ =	shalt  }
0x80: {  	_ =	shalt  }
0x81: {  	_ =	shalt  }
0x82: {  	_ =	shalt  }
0x83: {  	_ =	shalt  }
0x84: {  	_ =	shalt  }
0x85: {  	_ =	shalt  }
0x86: {  	_ =	shalt  }
0x87: {  	_ =	shalt  }
.Lfunc_end0:
.L_simem_size_0:
called_computation.2_lowered:
.L_overlay_start_0:
0x88: {  	s2 =	sld [smem:$0x3FD9]  }
0x89: {  	s3 =	sld [smem:$0x3FFE];
	_ =	sdelay $0x1  }
0x8a: {  	s1 =	srdreg.scid  }
0x8b: {  	s0 =	sand.u32 $0x1, s1  }
0x8c: {  	s14 =	sshll.u32 s0, $0xA;
	s2 =	sadd.s32 s3, s2  }
0x8d: {  	s2 =	sadd.s32 s2, s14  }
0x8e: {  	[smem:$0x3FC0] =	sst s2  }
0x8f: {  	_ = 	snop  }
0x90: {  	s2 =	sld [smem:$0x3FD0];
	_ =	sdelay $0x2  }
0x91: {  	s15 =	simm.s32 $0xB;
	s4 =	simm.s32 $0x10  }
0x92: {  	[smem:s4], [sflag:s15] =	dma.local [hbm:s2], $0x1  }
0x93: {  	_ =	swait.eq [sflag:s15], $0x1  }
0x94: {  	[sflag:s15] =	ssyncset.done $0x0  }
0x95: {  	[sflag:s15] =	ssyncadd.s32 $0xFFFFFFFF  }
0x96: {  	s16 =	sld [smem:$0x11];
	(tm) =	ssettm $0x1  }
0x97: {  	s17 =	sld [smem:$0x3FFB];
	_ =	sdelay $0x3  }
0x98: {  	_ =	strace s17  }
0x99: {  	s3 =	sld [smem:$0x3FFC];
	_ =	sdelay $0x3  }
0x9a: {  	_ =	strace s3  }
0x9b: {  	s3 =	sld [smem:$0x3FFD];
	_ =	sdelay $0x3  }
0x9c: {  	_ =	strace s3  }
0x9d: {  	_ =	strace $0x8FFFFFFF  }
0x9e: {  	s18 =	sld [smem:$0x3FDB];
	_ =	sdelay $0x1  }
0x9f: {  	s19 =	simm.s32 $_scs_section_size  }
0xa0: {  	s5 =	simm.s32 $_size__tile_overlayer_lowered;
	s6 =	simm.s32 $_tile_overlayer_lowered  }
0xa1: {  	s22 =	simm.s32 $0x1BFF;
	s21 =	sshll.u32 s6, $0x1;
	s3 =	sadd.s32 s19, s18  }
0xa2: {  	s7 =	simm.s32 $0x0;
	s20 =	sshll.u32 s5, $0x1;
	s5 =	sadd.s32 s21, s3  }
0xa3: {  	[timem:s7], [sflag:s22] =	dma.local [hbm:s5], s20  }
0xa4: {  	_ =	swait.ge [sflag:s22], s20  }
0xa5: {  	s4 =	ssub.s32 $0x0, s20;
	[sflag:s22] =	ssyncset.done $0x0  }
0xa6: {  	[sflag:s22] =	ssyncadd.s32 s4;
	_ =	sdelay $0x1  }
0xa7: {  	s23 =	simm.s32 $0x1B8B  }
0xa8: {  	_ =	swait.ge [sflag:s23], $0x1  }
0xa9: {  	[sflag:s23] =	ssyncset.done $0x0  }
0xaa: {  	s25 =	simm.s32 $0x1B8E;
	s24 =	sld [smem:$0x3FFE];
	[sflag:s23] =	ssyncadd.s32 $0xFFFFFFFF  }
0xab: {  	s26 =	simm.s32 $execute0_lowered;
	[smem:$0x3FD2] =	sst s25  }
0xac: {  	s5 =	sshll.u32 s26, $0x1;
	_ =	strace $0x80000049;
	[dreg:$0x1] =	wrdreg $0xFFFFFFFF  }
0xad: {  	s28 =	simm.s32 $_size_execute0_lowered;
	s3 =	sadd.s32 s3, s5;
	[dreg:$0x0] =	wrdreg $0x0  }
0xae: {  	s5 =	sshll.u32 s28, $0x1;
	[dreg:$0x2] =	wrdreg s3  }
0xaf: {  	[dreg:$0x3] =	wrdreg s5  }
0xb0: {  	[dreg:$0x4] =	wrdreg $0xC0  }
0xb1: {  	_ =	task [dreg:s7], $0x5FFFF  }
0xb2: {  	[dreg:$0x1] =	wrdreg $0xFFFFFFFF  }
0xb3: {  	[dreg:$0x0] =	wrdreg $0x60  }
0xb4: {  	[dreg:$0x2] =	wrdreg s24  }
0xb5: {  	[dreg:$0x3] =	wrdreg s16  }
0xb6: {  	[dreg:$0x4] =	wrdreg $0x8E800  }
0xb7: {  	[dreg:$0x5] =	wrdreg $0xA  }
0xb8: {  	_ =	task.clear_ibuf [dreg:s7], $0x6FFFF;
	_ =	strace $0x90000049  }
0xb9: {  	s29 =	simm.s32 $0xA;
	_ =	strace $0x8000004B  }
0xba: {  	_ =	swait.ge [sflag:s29], $0x1  }
0xbb: {  	[sflag:s29] =	ssyncadd.s32 $0xFFFFFFFF  }
0xbc: {  	_ =	strace $0x9000004B  }
0xbd: {  	_ =	sfence  }
0xbe: {  	s30 =	sld [smem:$0x0];
	_ =	sdelay $0x2  }
0xbf: {  	s31 =	sshll.u32 s1, $0xD;
	s1 =	sshrl.u32 s1, $0x2  }
0xc0: {  	s3 =	sand.u32 $0x4000, s31;
	s1 =	sadd.s32 s1, s30  }
0xc1: {  	s0 =	sor.u32 s3, s0;
	s1 =	sshll.u32 s1, $0x11  }
0xc2: {  	s0 =	sor.u32 s1, s0  }
0xc3: {  	s0 =	sadd.s32 $0x8F2B, s0  }
0xc4: {  	[sflag:s0] =	ssyncadd.remote.s32 $0x1  }
0xc5: {  	_ =	sfence.sel $0xFFFF  }
0xc6: {  	[dreg:$0x0] =	wrdreg $0xFFFFFFFF;
	(pc) =	sbr.abs _section_cstart, $3  }
0xc7: {  	[dreg:$0x1] =	wrdreg $0xFFFFFFFF  }
0xc8: {  	_ =	task.clear_ibuf [dreg:s7], $0x2FFFF;
	_ =	strace $0x9FFFFFFF  }
0xc9: {  	(tm) =	ssettm $0x7FFFFFFF  }
tec
execute0_lowered:
.L_overlay_start_1:
0x0: {  	(tag) =	ssettag $0x1  }
0x1: {  	s0 =	rddreg [dreg:$0x0]  }
0x2: {  	s1 =	rddreg [dreg:$0x1]  }
0x3: {  	s2 =	rddreg [dreg:$0x2]  }
0x4: {  	s3 =	srdreg.scid;
	s11 =	stileid.u32  }
0x5: {  	s14 =	simm.s32 $0x7D;
	s15 =	simm.s32 $0x5000;
	s17 =	simm.s32 $0x5FA0  }
0x6: {  	s19 =	simm.s32 $0x6F40;
	s21 =	simm.s32 $0x7EE0;
	s22 =	simm.s32 $0x1  }
0x7: {  	s23 =	simm.s32 $0x2;
	s28 =	simm.s32 $0x6;
	s29 =	simm.s32 $0x7  }
0x8: {  	s30 =	simm.s32 $0x8;
	s16 =	simm.s32 $0x0;
	s5 =	sand.u32 $0x1, s3  }
0x9: {  	s4 =	sshll.u32 s11, $0x1;
	s7 =	smul.u32 $0xA000, s11;
	s3 =	simm.s32 $0x0  }
0xa: {  	s31 =	sshll.u32 s11, $0x6;
	s11 =	simm.s32 $0x4F80;
	s4 =	sor.u32 s5, s4  }
0xb: {  	s6 =	smul.u32 $0xA0000, s5;
	[smem:$0x7FF] =	sst s3;
	s10 =	ssub.s32 $0x2, s5  }
0xc: {  	s5 =	sadd.s32 $0x2A00, s0;
	s12 =	sor.u32 $0x1C09, s31;
	s8 =	smul.u32 $0x500, s4  }
0xd: {  	_ =	strace $0x8000004A;
	s4 =	sadd.s32 $0xD400, s0;
	s24 =	sshrl.u32 s10, $0x1  }
0xe: {  	s25 =	sshrl.u32 s7, $0x1;
	s6 =	sadd.s32 s7, s6;
	s10 =	ssub.s32 s10, s24  }
0xf: {  	s26 =	sadd.s32 s25, s2;
	s24 =	simm.s32 $0x3;
	s25 =	simm.s32 $0x4  }
0x10: {  	s9 =	sadd.s32 s8, s0;
	s6 =	sshrl.u32 s6, $0x4;
	s7 =	sadd.s32 s1, s8  }
0x11: {  	s13 =	sshrl.u32 s26, $0x3;
	s26 =	simm.s32 $0x5;
	s1 =	simm.s32 $0x4F00  }
0x12: {  	s0 =	sadd.s32 s6, s0;
	s6 =	sadd.s32 $0x3400, s9;
	s9 =	smax.u32 s10, $0x1  }
0x13: {  	s10 =	simm.s32 $0x9;
	s8 =	sadd.s32 $0x17200, s0;
	s0 =	simm.s32 $0x4E80  }
.LBB2_1:
0x14: {  	[tilespmem:s3], [sflag:$0x9] =	stream.linear.gather [hbm4b:s6+s3], $0x2800, $0x38;
	[tilespmem:$0xDE80] =	vst v63  }
0x15: {  	_ =	swait.ge [sflag:s10], $0x2800  }
0x16: {  	[sflag:s10] =	ssyncset.done $0x0  }
0x17: {  	s18 =	simm.s32 $0x2800;
	[sflag:s10] =	ssyncadd.s32 $0xFFFFD800  }
0x18: {  	[tilespmem:s18], [sflag:$0x9] =	stream.linear.gather [hbm4b:s7+s3], $0x2800, $0x38;
	[tilespmem:$0xDE80] =	vst v63  }
0x19: {  	_ =	swait.ge [sflag:s10], $0x2800  }
0x1a: {  	[sflag:s10] =	ssyncset.done $0x0  }
0x1b: {  	[sflag:s10] =	ssyncadd.s32 $0xFFFFD800  }
0x1c: {  	[spmem:s13], [sflag:s12] =	dma.local [hbm:s5], $0xA00  }
0x1d: {  	_ =	swait.ge [sflag:s10], $0xA00  }
0x1e: {  	[sflag:s10] =	ssyncset.done $0x0  }
0x1f: {  	[sflag:s10] =	ssyncadd.s32 $0xFFFFF600  }
0x20: {  	[bflag:$0x0] =	sbarrier.arrive $0xFFFF  }
0x21: {  	[tilespmem:s15], [sflag:$0x1] =	stream.indirect.gather [hbm4b:s4+s14], $0x20, s3, s14, $0xb8;
	[tilespmem:$0xDE80] =	vst v63  }
0x22: {  	s20 =	simm.s32 $0x80  }
0x23: {  	[tilespmem:s17], [sflag:$0x2] =	stream.indirect.gather [hbm4b:s4+s14], $0x20, s20, s14, $0xb8;
	[tilespmem:$0xDE80] =	vst v63  }
0x24: {  	s31 =	simm.s32 $0x100  }
0x25: {  	[tilespmem:s19], [sflag:$0x3] =	stream.indirect.gather [hbm4b:s4+s14], $0x20, s31, s14, $0xb8;
	[tilespmem:$0xDE80] =	vst v63  }
0x26: {  	s20 =	simm.s32 $0x180  }
0x27: {  	[tilespmem:s21], [sflag:$0x4] =	stream.indirect.gather [hbm4b:s4+s14], $0x20, s20, s14, $0xb8;
	[tilespmem:$0xDE80] =	vst v63  }
0x28: {  	_ =	swait.ge [sflag:s22], $0xFA0  }
0x29: {  	[sflag:s22] =	ssyncset.done $0x0  }
0x2a: {  	s31 =	simm.s32 $0x2800;
	[sflag:s22] =	ssyncadd.s32 $0xFFFFF060  }
0x2b: {  	[spmem:s2] =	stream.indirect.scatter.add.bf16 [tilespmem:s15], [sflag:$0x5], $0x20, s31, s14, $0xb8;
	[tilespmem:$0xDE80] =	vst v63  }
0x2c: {  	_ =	swait.ge [sflag:s23], $0xFA0  }
0x2d: {  	[sflag:s23] =	ssyncset.done $0x0  }
0x2e: {  	s20 =	simm.s32 $0x2880;
	[sflag:s23] =	ssyncadd.s32 $0xFFFFF060  }
0x2f: {  	[spmem:s2] =	stream.indirect.scatter.add.bf16 [tilespmem:s17], [sflag:$0x6], $0x20, s20, s14, $0xb8;
	[tilespmem:$0xDE80] =	vst v63  }
0x30: {  	_ =	swait.ge [sflag:s24], $0xFA0  }
0x31: {  	[sflag:s24] =	ssyncset.done $0x0  }
0x32: {  	s31 =	simm.s32 $0x2900;
	[sflag:s24] =	ssyncadd.s32 $0xFFFFF060  }
0x33: {  	[spmem:s2] =	stream.indirect.scatter.add.bf16 [tilespmem:s19], [sflag:$0x7], $0x20, s31, s14, $0xb8;
	[tilespmem:$0xDE80] =	vst v63  }
0x34: {  	_ =	swait.ge [sflag:s25], $0xFA0  }
0x35: {  	[sflag:s25] =	ssyncset.done $0x0  }
0x36: {  	s20 =	simm.s32 $0x2980;
	[sflag:s25] =	ssyncadd.s32 $0xFFFFF060  }
0x37: {  	[spmem:s2] =	stream.indirect.scatter.add.bf16 [tilespmem:s21], [sflag:$0x8], $0x20, s20, s14, $0xb8;
	[tilespmem:$0xDE80] =	vst v63  }
0x38: {  	_ =	swait.ge [sflag:s26], $0xFA0  }
0x39: {  	[sflag:s26] =	ssyncset.done $0x0  }
0x3a: {  	s31 =	simm.s32 $0x200;
	[sflag:s26] =	ssyncadd.s32 $0xFFFFF060  }
0x3b: {  	[tilespmem:s15], [sflag:$0x1] =	stream.indirect.gather [hbm4b:s4+s14], $0x20, s31, s14, $0xb8;
	[tilespmem:$0xDE80] =	vst v63  }
0x3c: {  	_ =	swait.ge [sflag:s28], $0xFA0  }
0x3d: {  	[sflag:s28] =	ssyncset.done $0x0  }
0x3e: {  	s20 =	simm.s32 $0x280;
	[sflag:s28] =	ssyncadd.s32 $0xFFFFF060  }
0x3f: {  	[tilespmem:s17], [sflag:$0x2] =	stream.indirect.gather [hbm4b:s4+s14], $0x20, s20, s14, $0xb8;
	[tilespmem:$0xDE80] =	vst v63  }
0x40: {  	_ =	swait.ge [sflag:s29], $0xFA0  }
0x41: {  	[sflag:s29] =	ssyncset.done $0x0  }
0x42: {  	s31 =	simm.s32 $0x300;
	[sflag:s29] =	ssyncadd.s32 $0xFFFFF060  }
0x43: {  	[tilespmem:s19], [sflag:$0x3] =	stream.indirect.gather [hbm4b:s4+s14], $0x20, s31, s14, $0xb8;
	[tilespmem:$0xDE80] =	vst v63  }
0x44: {  	_ =	swait.ge [sflag:s30], $0xFA0  }
0x45: {  	[sflag:s30] =	ssyncset.done $0x0  }
0x46: {  	s18 =	simm.s32 $0x800;
	s20 =	simm.s32 $0x380;
	[sflag:s30] =	ssyncadd.s32 $0xFFFFF060  }
.LBB2_2:
0x47: {  	[tilespmem:s21], [sflag:$0x4] =	stream.indirect.gather [hbm4b:s4+s14], $0x20, s20, s14, $0xb8;
	[tilespmem:$0xDE80] =	vst v63  }
0x48: {  	s20 =	smov.u32 s18  }
0x49: {  	p0 =	sne.s32 s18, $0x9000;
	s18 =	sadd.s32 $0x800, s18;
	_ =	swait.ge [sflag:s22], $0xFA0  }
0x4a: {  	s20 =	sshra.s32 s20, $0x2;
	[sflag:s22] =	ssyncset.done $0x0  }
0x4b: {  	s31 =	sadd.s32 $0x2800, s20;
	[sflag:s22] =	ssyncadd.s32 $0xFFFFF060  }
0x4c: {  	[spmem:s2] =	stream.indirect.scatter.add.bf16 [tilespmem:s15], [sflag:$0x5], $0x20, s31, s14, $0xb8;
	[tilespmem:$0xDE80] =	vst v63  }
0x4d: {  	_ =	swait.ge [sflag:s23], $0xFA0  }
0x4e: {  	[sflag:s23] =	ssyncset.done $0x0  }
0x4f: {  	s31 =	sadd.s32 $0x2880, s20;
	[sflag:s23] =	ssyncadd.s32 $0xFFFFF060  }
0x50: {  	[spmem:s2] =	stream.indirect.scatter.add.bf16 [tilespmem:s17], [sflag:$0x6], $0x20, s31, s14, $0xb8;
	[tilespmem:$0xDE80] =	vst v63  }
0x51: {  	_ =	swait.ge [sflag:s24], $0xFA0  }
0x52: {  	[sflag:s24] =	ssyncset.done $0x0  }
0x53: {  	s31 =	sadd.s32 $0x2900, s20;
	[sflag:s24] =	ssyncadd.s32 $0xFFFFF060  }
0x54: {  	[spmem:s2] =	stream.indirect.scatter.add.bf16 [tilespmem:s19], [sflag:$0x7], $0x20, s31, s14, $0xb8;
	[tilespmem:$0xDE80] =	vst v63  }
0x55: {  	_ =	swait.ge [sflag:s25], $0xFA0  }
0x56: {  	[sflag:s25] =	ssyncset.done $0x0  }
0x57: {  	s31 =	sadd.s32 $0x2980, s20;
	[sflag:s25] =	ssyncadd.s32 $0xFFFFF060  }
0x58: {  	[spmem:s2] =	stream.indirect.scatter.add.bf16 [tilespmem:s21], [sflag:$0x8], $0x20, s31, s14, $0xb8;
	[tilespmem:$0xDE80] =	vst v63  }
0x59: {  	_ =	swait.ge [sflag:s26], $0xFA0  }
0x5a: {  	[sflag:s26] =	ssyncset.done $0x0  }
0x5b: {  	s31 =	sadd.s32 $0x200, s20;
	[sflag:s26] =	ssyncadd.s32 $0xFFFFF060  }
0x5c: {  	[tilespmem:s15], [sflag:$0x1] =	stream.indirect.gather [hbm4b:s4+s14], $0x20, s31, s14, $0xb8;
	[tilespmem:$0xDE80] =	vst v63  }
0x5d: {  	_ =	swait.ge [sflag:s28], $0xFA0  }
0x5e: {  	[sflag:s28] =	ssyncset.done $0x0  }
0x5f: {  	s31 =	sadd.s32 $0x280, s20;
	[sflag:s28] =	ssyncadd.s32 $0xFFFFF060  }
0x60: {  	[tilespmem:s17], [sflag:$0x2] =	stream.indirect.gather [hbm4b:s4+s14], $0x20, s31, s14, $0xb8;
	[tilespmem:$0xDE80] =	vst v63  }
0x61: {  	_ =	swait.ge [sflag:s29], $0xFA0  }
0x62: {  	[sflag:s29] =	ssyncset.done $0x0  }
.Ltmp0:
0x63: {  	s31 =	sadd.s32 $0x300, s20;
	[sflag:s29] =	ssyncadd.s32 $0xFFFFF060;
	(pc) =	sbr.rel @p0 .LBB2_2-.Ltmp0, $4  }
0x64: {  	[tilespmem:s19], [sflag:$0x3] =	stream.indirect.gather [hbm4b:s4+s14], $0x20, s31, s14, $0xb8;
	[tilespmem:$0xDE80] =	vst v63  }
0x65: {  	_ =	swait.ge [sflag:s30], $0xFA0  }
0x66: {  	[sflag:s30] =	ssyncset.done $0x0  }
0x67: {  	s20 =	sadd.s32 $0x380, s20;
	[sflag:s30] =	ssyncadd.s32 $0xFFFFF060  }
0x68: {  	[tilespmem:s21], [sflag:$0x4] =	stream.indirect.gather [hbm4b:s4+s14], $0x20, s20, s14, $0xb8;
	[tilespmem:$0xDE80] =	vst v63  }
0x69: {  	_ =	swait.ge [sflag:s22], $0xFA0  }
0x6a: {  	[sflag:s22] =	ssyncset.done $0x0  }
0x6b: {  	s18 =	simm.s32 $0x4E00;
	[sflag:s22] =	ssyncadd.s32 $0xFFFFF060  }
0x6c: {  	[spmem:s2] =	stream.indirect.scatter.add.bf16 [tilespmem:s15], [sflag:$0x5], $0x20, s18, s14, $0xb8;
	[tilespmem:$0xDE80] =	vst v63  }
0x6d: {  	_ =	swait.ge [sflag:s23], $0xFA0  }
0x6e: {  	[sflag:s23] =	ssyncset.done $0x0  }
0x6f: {  	[sflag:s23] =	ssyncadd.s32 $0xFFFFF060  }
0x70: {  	[spmem:s2] =	stream.indirect.scatter.add.bf16 [tilespmem:s17], [sflag:$0x6], $0x20, s0, s14, $0xb8;
	[tilespmem:$0xDE80] =	vst v63  }
0x71: {  	_ =	swait.ge [sflag:s24], $0xFA0  }
0x72: {  	[sflag:s24] =	ssyncset.done $0x0  }
0x73: {  	[sflag:s24] =	ssyncadd.s32 $0xFFFFF060  }
0x74: {  	[spmem:s2] =	stream.indirect.scatter.add.bf16 [tilespmem:s19], [sflag:$0x7], $0x20, s1, s14, $0xb8;
	[tilespmem:$0xDE80] =	vst v63  }
0x75: {  	_ =	swait.ge [sflag:s25], $0xFA0  }
0x76: {  	[sflag:s25] =	ssyncset.done $0x0  }
0x77: {  	[sflag:s25] =	ssyncadd.s32 $0xFFFFF060  }
0x78: {  	[spmem:s2] =	stream.indirect.scatter.add.bf16 [tilespmem:s21], [sflag:$0x8], $0x20, s11, s14, $0xb8;
	[tilespmem:$0xDE80] =	vst v63  }
0x79: {  	_ =	swait.ge [sflag:s26], $0xFA0  }
0x7a: {  	[sflag:s26] =	ssyncset.done $0x0  }
0x7b: {  	[sflag:s26] =	ssyncadd.s32 $0xFFFFF060  }
0x7c: {  	_ =	swait.ge [sflag:s28], $0xFA0  }
0x7d: {  	[sflag:s28] =	ssyncset.done $0x0  }
0x7e: {  	[sflag:s28] =	ssyncadd.s32 $0xFFFFF060  }
0x7f: {  	_ =	swait.ge [sflag:s29], $0xFA0  }
0x80: {  	[sflag:s29] =	ssyncset.done $0x0  }
0x81: {  	[sflag:s29] =	ssyncadd.s32 $0xFFFFF060  }
0x82: {  	_ =	swait.ge [sflag:s30], $0xFA0  }
0x83: {  	s16 =	sadd.s32 $0x1, s16;
	[sflag:s30] =	ssyncset.done $0x0  }
0x84: {  	p0 =	sne.s32 s16, s9;
	[sflag:s30] =	ssyncadd.s32 $0xFFFFF060  }
.Ltmp1:
0x85: {  	[bflag:$0x0] =	sbarrier.arrive $0xFFFF;
	(pc) =	sbr.rel @p0 .LBB2_1-.Ltmp1, $4  }
0x86: {  	[hbm:s8], [sflag:s12] =	dma.local [spmem:s13], $0xA00  }
0x87: {  	_ =	swait.ge [sflag:s10], $0xA00  }
0x88: {  	[sflag:s10] =	ssyncset.done $0x0  }
0x89: {  	[sflag:s10] =	ssyncadd.s32 $0xFFFFF600  }
0x8a: {  	_ =	sfence.sel $0x180000  }
0x8b: {  	[bflag:$0x0] =	sbarrier.arrive $0xFFFF  }
0x8c: {  	_ =	strace $0x9000004A  }
0x8d: {  	s0 =	stileid.u32;
	[bflag:$0x2] =	sbarrier.arrive $0xFFFF  }
0x8e: {  	p0 =	sne.s32 s0, $0x0;
	s0 =	rddreg [dreg:$0x3]  }
0x8f: {  	s0 =	sadd.s32 @!p0 $0x100000, s0  }
0x90: {  	[sflag:s0] =	ssyncadd.tile.s32 @!p0 $0x1;
	_ =	shalt  }
.Lfunc_end2:
_tile_overlayer_lowered:
.L_overlay_start_2:
0x91: {  	(tag) =	ssettag $0x2  }
0x92: {  	s0 =	rddreg [dreg:$0x0];
	s2 =	stileid.u32  }
0x93: {  	s1 =	rddreg [dreg:$0x1];
	p0 =	sne.s32 s2, $0x0  }
0x94: {  	s3 =	rddreg [dreg:$0x2];
	[bflag:$0x3] =	sbarrier.arrive $0xFFFF;
	s2 =	simm.s32 @!p0 $0x1C09  }
0x95: {  	[timem:s3], [sflag:s2] =	dma.local @!p0 [hbm:s0], s1  }
0x96: {  	s0 =	simm.s32 @!p0 $0x9  }
0x97: {  	_ =	swait.ge @!p0 [sflag:s0], s1  }
0x98: {  	s1 =	ssub.s32 @!p0 $0x0, s1;
	[sflag:s0] =	ssyncset.done @!p0 $0x0  }
0x99: {  	[sflag:s0] =	ssyncadd.s32 @!p0 s1  }
0x9a: {  	[bflag:$0x3] =	sbarrier.arrive $0xFFFF  }
0x9b: {  	_ =	shalt  }

// kernel: kernel.18.cloned.1.call-start
scs
__scs_entry_jumppad:
0x0: {  	(pc) =	sbr.rel $0x88, $3  }
0x1: {  	(tag) =	ssettag $0x0;
	lr =	simm.s32 $0x1  }
0x2: {  	[smem:$0x3F99] =	sst lr;
	_ =	strace $0xD0000000  }
0x3: {  	_ = 	snop  }
0x4: {  	_ = 	snop  }
0x5: {  	_ = 	snop  }
0x6: {  	_ = 	snop  }
0x7: {  	_ = 	snop  }
__scs_overlays_trampoline_lowered:
0x8: {  	[smem:$0x3FA8] =	sst s0  }
0x9: {  	[smem:$0x3FA9] =	sst s1  }
0xa: {  	[smem:$0x3FAA] =	sst s2  }
0xb: {  	[smem:$0x3FAB] =	sst s3  }
0xc: {  	[smem:$0x3FAC] =	sst s4  }
0xd: {  	[smem:$0x3FAD] =	sst s5  }
0xe: {  	[smem:$0x3FAE] =	sst s6  }
0xf: {  	[smem:$0x3FAF] =	sst s7  }
0x10: {  	[smem:$0x3FB0] =	sst s8  }
0x11: {  	[smem:$0x3FB1] =	sst s9;
	s0 =	simm.s32 @!p0 $0x0  }
0x12: {  	s1 =	sld [smem:$0x3F97];
	s0 =	simm.s32 @p0 $0x1  }
0x13: {  	[smem:$0x3FB2] =	sst s0;
	s0 =	simm.s32 @!p1 $0x0  }
0x14: {  	s2 =	sld [smem:$0x3F96];
	s0 =	simm.s32 @p1 $0x1  }
0x15: {  	[smem:$0x3FB3] =	sst s0;
	s0 =	simm.s32 @!p2 $0x0  }
0x16: {  	s3 =	sld [smem:$0x3FDB];
	s0 =	simm.s32 @p2 $0x1  }
0x17: {  	s4 =	simm.s32 $0x1BF5;
	[smem:$0x3FB5] =	sst s0  }
0x18: {  	s0 =	sld [smem:$0x3F98];
	_ =	swait.ge [sflag:s4], $0x0  }
0x19: {  	s7 =	sld [smem:$0x3F99]  }
0x1a: {  	s8 =	sadd.s32 $0xFFFFE003, lr  }
0x1b: {  	s9 =	sadd.s32 $0xFFFFFEF7, lr;
	s5 =	simm.s32 $0xFFFFFFFF;
	p2 =	slt.u32 s8, $0xFFFFF086  }
0x1c: {  	p1 =	slt.u32 s9, $0xF7A;
	s5 =	simm.s32 @!p2 $0x0  }
0x1d: {  	s5 =	simm.s32 @p1 $0x1;
	p0 =	seq.s32 s7, s2  }
0x1e: {  	s7 =	smul.u32 @!p0 $0xF7A, s2;
	p2 =	seq.s32 @!p0 s5, $0x0  }
0x1f: {  	s9 =	smul.u32 $0xF7A, s1;
	s8 =	simm.s32 @!p0 $0x1BF5;
	p2 =	por !p2, p0  }
0x20: {  	[sflag:s8] =	ssyncset.s32 @!p0 $0xFFFFF086;
	s6 =	sadd.s32 @!p0 s3, s7;
	s7 =	simm.s32 @!p0 $0x108  }
0x21: {  	s3 =	sadd.s32 s3, s9;
	s6 =	sadd.s32 @!p0 $0x88, s6;
	s7 =	simm.s32 @p2 $0x1082  }
0x22: {  	[simem:s7], [sflag:s8] =	dma.local @!p0 [hbm:s6], $0xF7A  }
0x23: {  	s9 =	sor.u32 $0xD0000000, s2;
	s6 =	simm.s32 $0x108;
	_ =	swait.ge @!p0 [sflag:s8], $0x0  }
0x24: {  	s3 =	sadd.s32 $0x88, s3;
	s6 =	simm.s32 @!p1 $0x1082;
	[sflag:s4] =	ssyncset.s32 $0xFFFFF086  }
0x25: {  	[simem:s6], [sflag:s4] =	dma.local [hbm:s3], $0xF7A  }
0x26: {  	[smem:$0x3F99] =	sst s1;
	(tag) =	ssettag s2;
	_ =	strace s9  }
0x27: {  	s1 =	sld [smem:$0x3FA9]  }
0x28: {  	s2 =	sld [smem:$0x3FAA]  }
0x29: {  	s4 =	sld [smem:$0x3FAC]  }
0x2a: {  	p0 =	seq.s32 s5, $0x0;
	s5 =	sld [smem:$0x3FAD]  }
0x2b: {  	s6 =	sld [smem:$0x3FAE]  }
0x2c: {  	s7 =	sld [smem:$0x3FAF]  }
0x2d: {  	s3 =	simm.s32 $0x108;
	s8 =	sld [smem:$0x3FB0]  }
0x2e: {  	s3 =	simm.s32 @!p0 $0x1082;
	s9 =	sld [smem:$0x3FB1]  }
0x2f: {  	lr =	sadd.s32 s0, s3;
	s0 =	sld [smem:$0x3FA8]  }
0x30: {  	s3 =	sld [smem:$0x3FAB]  }
0x31: {  	[smem:$0x3FB4] =	sst s10  }
0x32: {  	s10 =	sld [smem:$0x3FB2];
	_ =	sdelay $0x3  }
0x33: {  	p0 =	seq.s32 s10, $0x1;
	s10 =	sld [smem:$0x3FB4];
	_ =	sdelay $0x3  }
0x34: {  	[smem:$0x3FB4] =	sst s10  }
0x35: {  	s10 =	sld [smem:$0x3FB3];
	_ =	sdelay $0x3  }
0x36: {  	p1 =	seq.s32 s10, $0x1;
	s10 =	sld [smem:$0x3FB4];
	_ =	sdelay $0x3  }
0x37: {  	[smem:$0x3FB4] =	sst s10  }
0x38: {  	s10 =	sld [smem:$0x3FB5]  }
0x39: {  	_ = 	snop;
	(pc) =	sbr.ind lr, $3  }
0x3a: {  	_ = 	snop  }
0x3b: {  	_ = 	snop  }
0x3c: {  	p2 =	seq.s32 s10, $0x1;
	s10 =	sld [smem:$0x3FB4]  }
0x3d: {  	_ =	shalt  }
0x3e: {  	_ =	shalt  }
0x3f: {  	_ =	shalt  }
0x40: {  	_ =	shalt  }
0x41: {  	_ =	shalt  }
0x42: {  	_ =	shalt  }
0x43: {  	_ =	shalt  }
0x44: {  	_ =	shalt  }
0x45: {  	_ =	shalt  }
0x46: {  	_ =	shalt  }
0x47: {  	_ =	shalt  }
0x48: {  	_ =	shalt  }
0x49: {  	_ =	shalt  }
0x4a: {  	_ =	shalt  }
0x4b: {  	_ =	shalt  }
0x4c: {  	_ =	shalt  }
0x4d: {  	_ =	shalt  }
0x4e: {  	_ =	shalt  }
0x4f: {  	_ =	shalt  }
0x50: {  	_ =	shalt  }
0x51: {  	_ =	shalt  }
0x52: {  	_ =	shalt  }
0x53: {  	_ =	shalt  }
0x54: {  	_ =	shalt  }
0x55: {  	_ =	shalt  }
0x56: {  	_ =	shalt  }
0x57: {  	_ =	shalt  }
0x58: {  	_ =	shalt  }
0x59: {  	_ =	shalt  }
0x5a: {  	_ =	shalt  }
0x5b: {  	_ =	shalt  }
0x5c: {  	_ =	shalt  }
0x5d: {  	_ =	shalt  }
0x5e: {  	_ =	shalt  }
0x5f: {  	_ =	shalt  }
0x60: {  	_ =	shalt  }
0x61: {  	_ =	shalt  }
0x62: {  	_ =	shalt  }
0x63: {  	_ =	shalt  }
0x64: {  	_ =	shalt  }
0x65: {  	_ =	shalt  }
0x66: {  	_ =	shalt  }
0x67: {  	_ =	shalt  }
0x68: {  	_ =	shalt  }
0x69: {  	_ =	shalt  }
0x6a: {  	_ =	shalt  }
0x6b: {  	_ =	shalt  }
0x6c: {  	_ =	shalt  }
0x6d: {  	_ =	shalt  }
0x6e: {  	_ =	shalt  }
0x6f: {  	_ =	shalt  }
0x70: {  	_ =	shalt  }
0x71: {  	_ =	shalt  }
0x72: {  	_ =	shalt  }
0x73: {  	_ =	shalt  }
0x74: {  	_ =	shalt  }
0x75: {  	_ =	shalt  }
0x76: {  	_ =	shalt  }
0x77: {  	_ =	shalt  }
0x78: {  	_ =	shalt  }
0x79: {  	_ =	shalt  }
0x7a: {  	_ =	shalt  }
0x7b: {  	_ =	shalt  }
0x7c: {  	_ =	shalt  }
0x7d: {  	_ =	shalt  }
0x7e: {  	_ =	shalt  }
0x7f: {  	_ =	shalt  }
0x80: {  	_ =	shalt  }
0x81: {  	_ =	shalt  }
0x82: {  	_ =	shalt  }
0x83: {  	_ =	shalt  }
0x84: {  	_ =	shalt  }
0x85: {  	_ =	shalt  }
0x86: {  	_ =	shalt  }
0x87: {  	_ =	shalt  }
.Lfunc_end0:
.L_simem_size_0:
called_computation.3_lowered:
.L_overlay_start_0:
0x88: {  	s2 =	sld [smem:$0x3FD9]  }
0x89: {  	s3 =	sld [smem:$0x3FFE];
	_ =	sdelay $0x1  }
0x8a: {  	s1 =	srdreg.scid  }
0x8b: {  	s0 =	sand.u32 $0x1, s1  }
0x8c: {  	s14 =	sshll.u32 s0, $0xA;
	s2 =	sadd.s32 s3, s2  }
0x8d: {  	s2 =	sadd.s32 s2, s14  }
0x8e: {  	[smem:$0x3FC0] =	sst s2  }
0x8f: {  	_ = 	snop  }
0x90: {  	s2 =	sld [smem:$0x3FD0];
	_ =	sdelay $0x2  }
0x91: {  	s15 =	simm.s32 $0xB;
	s4 =	simm.s32 $0x10  }
0x92: {  	[smem:s4], [sflag:s15] =	dma.local [hbm:s2], $0x1  }
0x93: {  	_ =	swait.eq [sflag:s15], $0x1  }
0x94: {  	[sflag:s15] =	ssyncset.done $0x0  }
0x95: {  	s16 =	sld [smem:$0x10];
	[sflag:s15] =	ssyncadd.s32 $0xFFFFFFFF  }
0x96: {  	s17 =	sld [smem:$0x11];
	(tm) =	ssettm $0x1  }
0x97: {  	s18 =	sld [smem:$0x3FFB];
	_ =	sdelay $0x3  }
0x98: {  	_ =	strace s18  }
0x99: {  	s4 =	sld [smem:$0x3FFC];
	_ =	sdelay $0x3  }
0x9a: {  	_ =	strace s4  }
0x9b: {  	s4 =	sld [smem:$0x3FFD];
	_ =	sdelay $0x3  }
0x9c: {  	_ =	strace s4  }
0x9d: {  	_ =	strace $0x8FFFFFFF  }
0x9e: {  	s19 =	sld [smem:$0x3FDB];
	_ =	sdelay $0x1  }
0x9f: {  	s5 =	simm.s32 $_scs_section_size  }
0xa0: {  	s6 =	simm.s32 $_size__tile_overlayer_lowered;
	s7 =	simm.s32 $_tile_overlayer_lowered  }
0xa1: {  	s22 =	simm.s32 $0x1BFF;
	s21 =	sshll.u32 s7, $0x1;
	s4 =	sadd.s32 s5, s19  }
0xa2: {  	s8 =	simm.s32 $0x0;
	s20 =	sshll.u32 s6, $0x1;
	s6 =	sadd.s32 s21, s4  }
0xa3: {  	[timem:s8], [sflag:s22] =	dma.local [hbm:s6], s20  }
0xa4: {  	_ =	swait.ge [sflag:s22], s20  }
0xa5: {  	s5 =	ssub.s32 $0x0, s20;
	[sflag:s22] =	ssyncset.done $0x0  }
0xa6: {  	[sflag:s22] =	ssyncadd.s32 s5;
	_ =	sdelay $0x1  }
0xa7: {  	s23 =	simm.s32 $0x1B8B  }
0xa8: {  	_ =	swait.ge [sflag:s23], $0x1  }
0xa9: {  	[sflag:s23] =	ssyncset.done $0x0  }
0xaa: {  	s25 =	simm.s32 $0x1B8E;
	s24 =	sld [smem:$0x3FFE];
	[sflag:s23] =	ssyncadd.s32 $0xFFFFFFFF  }
0xab: {  	s26 =	simm.s32 $execute0_lowered;
	[smem:$0x3FD2] =	sst s25  }
0xac: {  	s6 =	sshll.u32 s26, $0x1;
	_ =	strace $0x8000004F;
	[dreg:$0x1] =	wrdreg $0xFFFFFFFF  }
0xad: {  	s28 =	simm.s32 $_size_execute0_lowered;
	s4 =	sadd.s32 s4, s6;
	[dreg:$0x0] =	wrdreg $0x0  }
0xae: {  	s6 =	sshll.u32 s28, $0x1;
	[dreg:$0x2] =	wrdreg s4  }
0xaf: {  	[dreg:$0x3] =	wrdreg s6  }
0xb0: {  	[dreg:$0x4] =	wrdreg $0xC0  }
0xb1: {  	_ =	task [dreg:s8], $0x5FFFF  }
0xb2: {  	[dreg:$0x1] =	wrdreg $0xFFFFFFFF  }
0xb3: {  	[dreg:$0x0] =	wrdreg $0x60  }
0xb4: {  	[dreg:$0x2] =	wrdreg s24  }
0xb5: {  	[dreg:$0x3] =	wrdreg s17  }
0xb6: {  	[dreg:$0x4] =	wrdreg s16  }
0xb7: {  	[dreg:$0x5] =	wrdreg $0x8E800  }
0xb8: {  	[dreg:$0x6] =	wrdreg $0x9  }
0xb9: {  	_ =	task.clear_ibuf [dreg:s8], $0x7FFFF;
	_ =	strace $0x9000004F  }
0xba: {  	s29 =	simm.s32 $0x9;
	_ =	strace $0x80000051  }
0xbb: {  	_ =	swait.ge [sflag:s29], $0x1  }
0xbc: {  	[sflag:s29] =	ssyncadd.s32 $0xFFFFFFFF  }
0xbd: {  	_ =	strace $0x90000051  }
0xbe: {  	_ =	sfence  }
0xbf: {  	s30 =	sld [smem:$0x0];
	_ =	sdelay $0x2  }
0xc0: {  	s31 =	sshll.u32 s1, $0xD;
	s1 =	sshrl.u32 s1, $0x2  }
0xc1: {  	s3 =	sand.u32 $0x4000, s31;
	s1 =	sadd.s32 s1, s30  }
0xc2: {  	s0 =	sor.u32 s3, s0;
	s1 =	sshll.u32 s1, $0x11  }
0xc3: {  	s0 =	sor.u32 s1, s0  }
0xc4: {  	s0 =	sadd.s32 $0x8F2B, s0  }
0xc5: {  	[sflag:s0] =	ssyncadd.remote.s32 $0x1  }
0xc6: {  	_ =	sfence.sel $0xFFFF  }
0xc7: {  	[dreg:$0x0] =	wrdreg $0xFFFFFFFF;
	(pc) =	sbr.abs _section_cstart, $3  }
0xc8: {  	[dreg:$0x1] =	wrdreg $0xFFFFFFFF  }
0xc9: {  	_ =	task.clear_ibuf [dreg:s8], $0x2FFFF;
	_ =	strace $0x9FFFFFFF  }
0xca: {  	(tm) =	ssettm $0x7FFFFFFF  }
0xcb: {  	_ =	shalt  }
tec
execute0_lowered:
.L_overlay_start_1:
0x0: {  	(tag) =	ssettag $0x1  }
0x1: {  	s0 =	rddreg [dreg:$0x0]  }
0x2: {  	s1 =	rddreg [dreg:$0x1];
	s2 =	srdreg.scid  }
0x3: {  	s13 =	stileid.u32;
	s8 =	rddreg [dreg:$0x2]  }
0x4: {  	s14 =	simm.s32 $0x7D;
	s15 =	simm.s32 $0x5000;
	s17 =	simm.s32 $0x5FA0  }
0x5: {  	s19 =	simm.s32 $0x6F40;
	s21 =	simm.s32 $0x7EE0;
	s22 =	simm.s32 $0x1  }
0x6: {  	s23 =	simm.s32 $0x2;
	s24 =	simm.s32 $0x3;
	s28 =	simm.s32 $0x6  }
0x7: {  	s29 =	simm.s32 $0x7;
	s30 =	simm.s32 $0x8;
	s16 =	simm.s32 $0x0  }
0x8: {  	s4 =	sand.u32 $0x1, s2;
	s3 =	sshll.u32 s13, $0x1;
	s2 =	rddreg [dreg:$0x3]  }
0x9: {  	s9 =	smul.u32 $0xA000, s13;
	s31 =	sshll.u32 s13, $0x6;
	s5 =	sor.u32 s4, s3  }
0xa: {  	s3 =	simm.s32 $0x0;
	s6 =	ssub.s32 $0x2, s4;
	s10 =	smul.u32 $0xA0000, s4  }
0xb: {  	s4 =	sadd.s32 $0xD400, s0;
	s7 =	smul.u32 $0x500, s5;
	[smem:$0x7FF] =	sst s3  }
0xc: {  	s12 =	sshrl.u32 s6, $0x1;
	s5 =	sadd.s32 $0x2A00, s0;
	_ =	strace $0x80000050  }
0xd: {  	s25 =	ssub.s32 s6, s12;
	s10 =	sadd.s32 s9, s10;
	s9 =	sshrl.u32 s9, $0x1  }
0xe: {  	s12 =	sor.u32 $0x1C09, s31;
	s11 =	sadd.s32 s7, s0;
	s10 =	sshrl.u32 s10, $0x4  }
0xf: {  	s7 =	sadd.s32 s1, s7;
	s26 =	sadd.s32 s9, s2;
	s9 =	smax.u32 s25, $0x1  }
0x10: {  	s25 =	simm.s32 $0x4;
	s1 =	simm.s32 $0x4E80;
	s0 =	simm.s32 $0x4F00  }
0x11: {  	s6 =	sadd.s32 $0x3400, s11;
	s8 =	sadd.s32 s8, s10;
	s10 =	simm.s32 $0x9  }
0x12: {  	s13 =	sshrl.u32 s26, $0x3;
	s26 =	simm.s32 $0x5;
	s11 =	simm.s32 $0x4F80  }
.LBB2_1:
0x13: {  	[tilespmem:s3], [sflag:$0x9] =	stream.linear.gather [hbm4b:s6+s3], $0x2800, $0x38;
	[tilespmem:$0xDE80] =	vst v63  }
0x14: {  	_ =	swait.ge [sflag:s10], $0x2800  }
0x15: {  	[sflag:s10] =	ssyncset.done $0x0  }
0x16: {  	s18 =	simm.s32 $0x2800;
	[sflag:s10] =	ssyncadd.s32 $0xFFFFD800  }
0x17: {  	[tilespmem:s18], [sflag:$0x9] =	stream.linear.gather [hbm4b:s7+s3], $0x2800, $0x38;
	[tilespmem:$0xDE80] =	vst v63  }
0x18: {  	_ =	swait.ge [sflag:s10], $0x2800  }
0x19: {  	[sflag:s10] =	ssyncset.done $0x0  }
0x1a: {  	[sflag:s10] =	ssyncadd.s32 $0xFFFFD800  }
0x1b: {  	[spmem:s13], [sflag:s12] =	dma.local [hbm:s5], $0xA00  }
0x1c: {  	_ =	swait.ge [sflag:s10], $0xA00  }
0x1d: {  	[sflag:s10] =	ssyncset.done $0x0  }
0x1e: {  	[sflag:s10] =	ssyncadd.s32 $0xFFFFF600  }
0x1f: {  	[bflag:$0x0] =	sbarrier.arrive $0xFFFF  }
0x20: {  	[tilespmem:s15], [sflag:$0x1] =	stream.indirect.gather [hbm4b:s4+s14], $0x20, s3, s14, $0xb8;
	[tilespmem:$0xDE80] =	vst v63  }
0x21: {  	s20 =	simm.s32 $0x80  }
0x22: {  	[tilespmem:s17], [sflag:$0x2] =	stream.indirect.gather [hbm4b:s4+s14], $0x20, s20, s14, $0xb8;
	[tilespmem:$0xDE80] =	vst v63  }
0x23: {  	s31 =	simm.s32 $0x100  }
0x24: {  	[tilespmem:s19], [sflag:$0x3] =	stream.indirect.gather [hbm4b:s4+s14], $0x20, s31, s14, $0xb8;
	[tilespmem:$0xDE80] =	vst v63  }
0x25: {  	s20 =	simm.s32 $0x180  }
0x26: {  	[tilespmem:s21], [sflag:$0x4] =	stream.indirect.gather [hbm4b:s4+s14], $0x20, s20, s14, $0xb8;
	[tilespmem:$0xDE80] =	vst v63  }
0x27: {  	_ =	swait.ge [sflag:s22], $0xFA0  }
0x28: {  	[sflag:s22] =	ssyncset.done $0x0  }
0x29: {  	s31 =	simm.s32 $0x2800;
	[sflag:s22] =	ssyncadd.s32 $0xFFFFF060  }
0x2a: {  	[spmem:s2] =	stream.indirect.scatter.add.bf16 [tilespmem:s15], [sflag:$0x5], $0x20, s31, s14, $0xb8;
	[tilespmem:$0xDE80] =	vst v63  }
0x2b: {  	_ =	swait.ge [sflag:s23], $0xFA0  }
0x2c: {  	[sflag:s23] =	ssyncset.done $0x0  }
0x2d: {  	s20 =	simm.s32 $0x2880;
	[sflag:s23] =	ssyncadd.s32 $0xFFFFF060  }
0x2e: {  	[spmem:s2] =	stream.indirect.scatter.add.bf16 [tilespmem:s17], [sflag:$0x6], $0x20, s20, s14, $0xb8;
	[tilespmem:$0xDE80] =	vst v63  }
0x2f: {  	_ =	swait.ge [sflag:s24], $0xFA0  }
0x30: {  	[sflag:s24] =	ssyncset.done $0x0  }
0x31: {  	s31 =	simm.s32 $0x2900;
	[sflag:s24] =	ssyncadd.s32 $0xFFFFF060  }
0x32: {  	[spmem:s2] =	stream.indirect.scatter.add.bf16 [tilespmem:s19], [sflag:$0x7], $0x20, s31, s14, $0xb8;
	[tilespmem:$0xDE80] =	vst v63  }
0x33: {  	_ =	swait.ge [sflag:s25], $0xFA0  }
0x34: {  	[sflag:s25] =	ssyncset.done $0x0  }
0x35: {  	s20 =	simm.s32 $0x2980;
	[sflag:s25] =	ssyncadd.s32 $0xFFFFF060  }
0x36: {  	[spmem:s2] =	stream.indirect.scatter.add.bf16 [tilespmem:s21], [sflag:$0x8], $0x20, s20, s14, $0xb8;
	[tilespmem:$0xDE80] =	vst v63  }
0x37: {  	_ =	swait.ge [sflag:s26], $0xFA0  }
0x38: {  	[sflag:s26] =	ssyncset.done $0x0  }
0x39: {  	s31 =	simm.s32 $0x200;
	[sflag:s26] =	ssyncadd.s32 $0xFFFFF060  }
0x3a: {  	[tilespmem:s15], [sflag:$0x1] =	stream.indirect.gather [hbm4b:s4+s14], $0x20, s31, s14, $0xb8;
	[tilespmem:$0xDE80] =	vst v63  }
0x3b: {  	_ =	swait.ge [sflag:s28], $0xFA0  }
0x3c: {  	[sflag:s28] =	ssyncset.done $0x0  }
0x3d: {  	s20 =	simm.s32 $0x280;
	[sflag:s28] =	ssyncadd.s32 $0xFFFFF060  }
0x3e: {  	[tilespmem:s17], [sflag:$0x2] =	stream.indirect.gather [hbm4b:s4+s14], $0x20, s20, s14, $0xb8;
	[tilespmem:$0xDE80] =	vst v63  }
0x3f: {  	_ =	swait.ge [sflag:s29], $0xFA0  }
0x40: {  	[sflag:s29] =	ssyncset.done $0x0  }
0x41: {  	s31 =	simm.s32 $0x300;
	[sflag:s29] =	ssyncadd.s32 $0xFFFFF060  }
0x42: {  	[tilespmem:s19], [sflag:$0x3] =	stream.indirect.gather [hbm4b:s4+s14], $0x20, s31, s14, $0xb8;
	[tilespmem:$0xDE80] =	vst v63  }
0x43: {  	_ =	swait.ge [sflag:s30], $0xFA0  }
0x44: {  	[sflag:s30] =	ssyncset.done $0x0  }
0x45: {  	s18 =	simm.s32 $0x800;
	s20 =	simm.s32 $0x380;
	[sflag:s30] =	ssyncadd.s32 $0xFFFFF060  }
.LBB2_2:
0x46: {  	[tilespmem:s21], [sflag:$0x4] =	stream.indirect.gather [hbm4b:s4+s14], $0x20, s20, s14, $0xb8;
	[tilespmem:$0xDE80] =	vst v63  }
0x47: {  	s20 =	smov.u32 s18  }
0x48: {  	p0 =	sne.s32 s18, $0x9000;
	s18 =	sadd.s32 $0x800, s18;
	_ =	swait.ge [sflag:s22], $0xFA0  }
0x49: {  	s20 =	sshra.s32 s20, $0x2;
	[sflag:s22] =	ssyncset.done $0x0  }
0x4a: {  	s31 =	sadd.s32 $0x2800, s20;
	[sflag:s22] =	ssyncadd.s32 $0xFFFFF060  }
0x4b: {  	[spmem:s2] =	stream.indirect.scatter.add.bf16 [tilespmem:s15], [sflag:$0x5], $0x20, s31, s14, $0xb8;
	[tilespmem:$0xDE80] =	vst v63  }
0x4c: {  	_ =	swait.ge [sflag:s23], $0xFA0  }
0x4d: {  	[sflag:s23] =	ssyncset.done $0x0  }
0x4e: {  	s31 =	sadd.s32 $0x2880, s20;
	[sflag:s23] =	ssyncadd.s32 $0xFFFFF060  }
0x4f: {  	[spmem:s2] =	stream.indirect.scatter.add.bf16 [tilespmem:s17], [sflag:$0x6], $0x20, s31, s14, $0xb8;
	[tilespmem:$0xDE80] =	vst v63  }
0x50: {  	_ =	swait.ge [sflag:s24], $0xFA0  }
0x51: {  	[sflag:s24] =	ssyncset.done $0x0  }
0x52: {  	s31 =	sadd.s32 $0x2900, s20;
	[sflag:s24] =	ssyncadd.s32 $0xFFFFF060  }
0x53: {  	[spmem:s2] =	stream.indirect.scatter.add.bf16 [tilespmem:s19], [sflag:$0x7], $0x20, s31, s14, $0xb8;
	[tilespmem:$0xDE80] =	vst v63  }
0x54: {  	_ =	swait.ge [sflag:s25], $0xFA0  }
0x55: {  	[sflag:s25] =	ssyncset.done $0x0  }
0x56: {  	s31 =	sadd.s32 $0x2980, s20;
	[sflag:s25] =	ssyncadd.s32 $0xFFFFF060  }
0x57: {  	[spmem:s2] =	stream.indirect.scatter.add.bf16 [tilespmem:s21], [sflag:$0x8], $0x20, s31, s14, $0xb8;
	[tilespmem:$0xDE80] =	vst v63  }
0x58: {  	_ =	swait.ge [sflag:s26], $0xFA0  }
0x59: {  	[sflag:s26] =	ssyncset.done $0x0  }
0x5a: {  	s31 =	sadd.s32 $0x200, s20;
	[sflag:s26] =	ssyncadd.s32 $0xFFFFF060  }
0x5b: {  	[tilespmem:s15], [sflag:$0x1] =	stream.indirect.gather [hbm4b:s4+s14], $0x20, s31, s14, $0xb8;
	[tilespmem:$0xDE80] =	vst v63  }
0x5c: {  	_ =	swait.ge [sflag:s28], $0xFA0  }
0x5d: {  	[sflag:s28] =	ssyncset.done $0x0  }
0x5e: {  	s31 =	sadd.s32 $0x280, s20;
	[sflag:s28] =	ssyncadd.s32 $0xFFFFF060  }
0x5f: {  	[tilespmem:s17], [sflag:$0x2] =	stream.indirect.gather [hbm4b:s4+s14], $0x20, s31, s14, $0xb8;
	[tilespmem:$0xDE80] =	vst v63  }
0x60: {  	_ =	swait.ge [sflag:s29], $0xFA0  }
0x61: {  	[sflag:s29] =	ssyncset.done $0x0  }
.Ltmp0:
0x62: {  	s31 =	sadd.s32 $0x300, s20;
	[sflag:s29] =	ssyncadd.s32 $0xFFFFF060;
	(pc) =	sbr.rel @p0 .LBB2_2-.Ltmp0, $4  }
0x63: {  	[tilespmem:s19], [sflag:$0x3] =	stream.indirect.gather [hbm4b:s4+s14], $0x20, s31, s14, $0xb8;
	[tilespmem:$0xDE80] =	vst v63  }
0x64: {  	_ =	swait.ge [sflag:s30], $0xFA0  }
0x65: {  	[sflag:s30] =	ssyncset.done $0x0  }
0x66: {  	s20 =	sadd.s32 $0x380, s20;
	[sflag:s30] =	ssyncadd.s32 $0xFFFFF060  }
0x67: {  	[tilespmem:s21], [sflag:$0x4] =	stream.indirect.gather [hbm4b:s4+s14], $0x20, s20, s14, $0xb8;
	[tilespmem:$0xDE80] =	vst v63  }
0x68: {  	_ =	swait.ge [sflag:s22], $0xFA0  }
0x69: {  	[sflag:s22] =	ssyncset.done $0x0  }
0x6a: {  	s18 =	simm.s32 $0x4E00;
	[sflag:s22] =	ssyncadd.s32 $0xFFFFF060  }
0x6b: {  	[spmem:s2] =	stream.indirect.scatter.add.bf16 [tilespmem:s15], [sflag:$0x5], $0x20, s18, s14, $0xb8;
	[tilespmem:$0xDE80] =	vst v63  }
0x6c: {  	_ =	swait.ge [sflag:s23], $0xFA0  }
0x6d: {  	[sflag:s23] =	ssyncset.done $0x0  }
0x6e: {  	[sflag:s23] =	ssyncadd.s32 $0xFFFFF060  }
0x6f: {  	[spmem:s2] =	stream.indirect.scatter.add.bf16 [tilespmem:s17], [sflag:$0x6], $0x20, s1, s14, $0xb8;
	[tilespmem:$0xDE80] =	vst v63  }
0x70: {  	_ =	swait.ge [sflag:s24], $0xFA0  }
0x71: {  	[sflag:s24] =	ssyncset.done $0x0  }
0x72: {  	[sflag:s24] =	ssyncadd.s32 $0xFFFFF060  }
0x73: {  	[spmem:s2] =	stream.indirect.scatter.add.bf16 [tilespmem:s19], [sflag:$0x7], $0x20, s0, s14, $0xb8;
	[tilespmem:$0xDE80] =	vst v63  }
0x74: {  	_ =	swait.ge [sflag:s25], $0xFA0  }
0x75: {  	[sflag:s25] =	ssyncset.done $0x0  }
0x76: {  	[sflag:s25] =	ssyncadd.s32 $0xFFFFF060  }
0x77: {  	[spmem:s2] =	stream.indirect.scatter.add.bf16 [tilespmem:s21], [sflag:$0x8], $0x20, s11, s14, $0xb8;
	[tilespmem:$0xDE80] =	vst v63  }
0x78: {  	_ =	swait.ge [sflag:s26], $0xFA0  }
0x79: {  	[sflag:s26] =	ssyncset.done $0x0  }
0x7a: {  	[sflag:s26] =	ssyncadd.s32 $0xFFFFF060  }
0x7b: {  	_ =	swait.ge [sflag:s28], $0xFA0  }
0x7c: {  	[sflag:s28] =	ssyncset.done $0x0  }
0x7d: {  	[sflag:s28] =	ssyncadd.s32 $0xFFFFF060  }
0x7e: {  	_ =	swait.ge [sflag:s29], $0xFA0  }
0x7f: {  	[sflag:s29] =	ssyncset.done $0x0  }
0x80: {  	[sflag:s29] =	ssyncadd.s32 $0xFFFFF060  }
0x81: {  	_ =	swait.ge [sflag:s30], $0xFA0  }
0x82: {  	s16 =	sadd.s32 $0x1, s16;
	[sflag:s30] =	ssyncset.done $0x0  }
0x83: {  	p0 =	sne.s32 s16, s9;
	[sflag:s30] =	ssyncadd.s32 $0xFFFFF060  }
.Ltmp1:
0x84: {  	[bflag:$0x0] =	sbarrier.arrive $0xFFFF;
	(pc) =	sbr.rel @p0 .LBB2_1-.Ltmp1, $4  }
0x85: {  	[hbm:s8], [sflag:s12] =	dma.local [spmem:s13], $0xA00  }
0x86: {  	_ =	swait.ge [sflag:s10], $0xA00  }
0x87: {  	[sflag:s10] =	ssyncset.done $0x0  }
0x88: {  	[sflag:s10] =	ssyncadd.s32 $0xFFFFF600  }
0x89: {  	_ =	sfence.sel $0x180000  }
0x8a: {  	[bflag:$0x0] =	sbarrier.arrive $0xFFFF  }
0x8b: {  	_ =	strace $0x90000050  }
0x8c: {  	s0 =	stileid.u32;
	[bflag:$0x2] =	sbarrier.arrive $0xFFFF  }
0x8d: {  	p0 =	sne.s32 s0, $0x0;
	s0 =	rddreg [dreg:$0x4]  }
0x8e: {  	s0 =	sadd.s32 @!p0 $0x100000, s0  }
0x8f: {  	[sflag:s0] =	ssyncadd.tile.s32 @!p0 $0x1;
	_ =	shalt  }
.Lfunc_end2:
_tile_overlayer_lowered:
.L_overlay_start_2:
0x90: {  	(tag) =	ssettag $0x2  }
0x91: {  	s0 =	rddreg [dreg:$0x0];
	s2 =	stileid.u32  }
0x92: {  	s1 =	rddreg [dreg:$0x1];
	p0 =	sne.s32 s2, $0x0  }
0x93: {  	s3 =	rddreg [dreg:$0x2];
	[bflag:$0x3] =	sbarrier.arrive $0xFFFF;
	s2 =	simm.s32 @!p0 $0x1C09  }
0x94: {  	[timem:s3], [sflag:s2] =	dma.local @!p0 [hbm:s0], s1  }
0x95: {  	s0 =	simm.s32 @!p0 $0x9  }
0x96: {  	_ =	swait.ge @!p0 [sflag:s0], s1  }
0x97: {  	s1 =	ssub.s32 @!p0 $0x0, s1;
	[sflag:s0] =	ssyncset.done @!p0 $0x0  }
0x98: {  	[sflag:s0] =	ssyncadd.s32 @!p0 s1  }
0x99: {  	[bflag:$0x3] =	sbarrier.arrive $0xFFFF  }
0x9a: {  	_ =	shalt  }

// kernel: kernel.9.cloned.1.call-start
scs
__scs_entry_jumppad:
0x0: {  	(pc) =	sbr.rel $0x88, $3  }
0x1: {  	(tag) =	ssettag $0x0;
	lr =	simm.s32 $0x1  }
0x2: {  	[smem:$0x3F99] =	sst lr;
	_ =	strace $0xD0000000  }
0x3: {  	_ = 	snop  }
0x4: {  	_ = 	snop  }
0x5: {  	_ = 	snop  }
0x6: {  	_ = 	snop  }
0x7: {  	_ = 	snop  }
__scs_overlays_trampoline_lowered:
0x8: {  	[smem:$0x3FA8] =	sst s0  }
0x9: {  	[smem:$0x3FA9] =	sst s1  }
0xa: {  	[smem:$0x3FAA] =	sst s2  }
0xb: {  	[smem:$0x3FAB] =	sst s3  }
0xc: {  	[smem:$0x3FAC] =	sst s4  }
0xd: {  	[smem:$0x3FAD] =	sst s5  }
0xe: {  	[smem:$0x3FAE] =	sst s6  }
0xf: {  	[smem:$0x3FAF] =	sst s7  }
0x10: {  	[smem:$0x3FB0] =	sst s8  }
0x11: {  	[smem:$0x3FB1] =	sst s9;
	s0 =	simm.s32 @!p0 $0x0  }
0x12: {  	s1 =	sld [smem:$0x3F97];
	s0 =	simm.s32 @p0 $0x1  }
0x13: {  	[smem:$0x3FB2] =	sst s0;
	s0 =	simm.s32 @!p1 $0x0  }
0x14: {  	s2 =	sld [smem:$0x3F96];
	s0 =	simm.s32 @p1 $0x1  }
0x15: {  	[smem:$0x3FB3] =	sst s0;
	s0 =	simm.s32 @!p2 $0x0  }
0x16: {  	s3 =	sld [smem:$0x3FDB];
	s0 =	simm.s32 @p2 $0x1  }
0x17: {  	s4 =	simm.s32 $0x1BF5;
	[smem:$0x3FB5] =	sst s0  }
0x18: {  	s0 =	sld [smem:$0x3F98];
	_ =	swait.ge [sflag:s4], $0x0  }
0x19: {  	s7 =	sld [smem:$0x3F99]  }
0x1a: {  	s8 =	sadd.s32 $0xFFFFE003, lr  }
0x1b: {  	s9 =	sadd.s32 $0xFFFFFEF7, lr;
	s5 =	simm.s32 $0xFFFFFFFF;
	p2 =	slt.u32 s8, $0xFFFFF086  }
0x1c: {  	p1 =	slt.u32 s9, $0xF7A;
	s5 =	simm.s32 @!p2 $0x0  }
0x1d: {  	s5 =	simm.s32 @p1 $0x1;
	p0 =	seq.s32 s7, s2  }
0x1e: {  	s7 =	smul.u32 @!p0 $0xF7A, s2;
	p2 =	seq.s32 @!p0 s5, $0x0  }
0x1f: {  	s9 =	smul.u32 $0xF7A, s1;
	s8 =	simm.s32 @!p0 $0x1BF5;
	p2 =	por !p2, p0  }
0x20: {  	[sflag:s8] =	ssyncset.s32 @!p0 $0xFFFFF086;
	s6 =	sadd.s32 @!p0 s3, s7;
	s7 =	simm.s32 @!p0 $0x108  }
0x21: {  	s3 =	sadd.s32 s3, s9;
	s6 =	sadd.s32 @!p0 $0x88, s6;
	s7 =	simm.s32 @p2 $0x1082  }
0x22: {  	[simem:s7], [sflag:s8] =	dma.local @!p0 [hbm:s6], $0xF7A  }
0x23: {  	s9 =	sor.u32 $0xD0000000, s2;
	s6 =	simm.s32 $0x108;
	_ =	swait.ge @!p0 [sflag:s8], $0x0  }
0x24: {  	s3 =	sadd.s32 $0x88, s3;
	s6 =	simm.s32 @!p1 $0x1082;
	[sflag:s4] =	ssyncset.s32 $0xFFFFF086  }
0x25: {  	[simem:s6], [sflag:s4] =	dma.local [hbm:s3], $0xF7A  }
0x26: {  	[smem:$0x3F99] =	sst s1;
	(tag) =	ssettag s2;
	_ =	strace s9  }
0x27: {  	s1 =	sld [smem:$0x3FA9]  }
0x28: {  	s2 =	sld [smem:$0x3FAA]  }
0x29: {  	s4 =	sld [smem:$0x3FAC]  }
0x2a: {  	p0 =	seq.s32 s5, $0x0;
	s5 =	sld [smem:$0x3FAD]  }
0x2b: {  	s6 =	sld [smem:$0x3FAE]  }
0x2c: {  	s7 =	sld [smem:$0x3FAF]  }
0x2d: {  	s3 =	simm.s32 $0x108;
	s8 =	sld [smem:$0x3FB0]  }
0x2e: {  	s3 =	simm.s32 @!p0 $0x1082;
	s9 =	sld [smem:$0x3FB1]  }
0x2f: {  	lr =	sadd.s32 s0, s3;
	s0 =	sld [smem:$0x3FA8]  }
0x30: {  	s3 =	sld [smem:$0x3FAB]  }
0x31: {  	[smem:$0x3FB4] =	sst s10  }
0x32: {  	s10 =	sld [smem:$0x3FB2];
	_ =	sdelay $0x3  }
0x33: {  	p0 =	seq.s32 s10, $0x1;
	s10 =	sld [smem:$0x3FB4];
	_ =	sdelay $0x3  }
0x34: {  	[smem:$0x3FB4] =	sst s10  }
0x35: {  	s10 =	sld [smem:$0x3FB3];
	_ =	sdelay $0x3  }
0x36: {  	p1 =	seq.s32 s10, $0x1;
	s10 =	sld [smem:$0x3FB4];
	_ =	sdelay $0x3  }
0x37: {  	[smem:$0x3FB4] =	sst s10  }
0x38: {  	s10 =	sld [smem:$0x3FB5]  }
0x39: {  	_ = 	snop;
	(pc) =	sbr.ind lr, $3  }
0x3a: {  	_ = 	snop  }
0x3b: {  	_ = 	snop  }
0x3c: {  	p2 =	seq.s32 s10, $0x1;
	s10 =	sld [smem:$0x3FB4]  }
0x3d: {  	_ =	shalt  }
0x3e: {  	_ =	shalt  }
0x3f: {  	_ =	shalt  }
0x40: {  	_ =	shalt  }
0x41: {  	_ =	shalt  }
0x42: {  	_ =	shalt  }
0x43: {  	_ =	shalt  }
0x44: {  	_ =	shalt  }
0x45: {  	_ =	shalt  }
0x46: {  	_ =	shalt  }
0x47: {  	_ =	shalt  }
0x48: {  	_ =	shalt  }
0x49: {  	_ =	shalt  }
0x4a: {  	_ =	shalt  }
0x4b: {  	_ =	shalt  }
0x4c: {  	_ =	shalt  }
0x4d: {  	_ =	shalt  }
0x4e: {  	_ =	shalt  }
0x4f: {  	_ =	shalt  }
0x50: {  	_ =	shalt  }
0x51: {  	_ =	shalt  }
0x52: {  	_ =	shalt  }
0x53: {  	_ =	shalt  }
0x54: {  	_ =	shalt  }
0x55: {  	_ =	shalt  }
0x56: {  	_ =	shalt  }
0x57: {  	_ =	shalt  }
0x58: {  	_ =	shalt  }
0x59: {  	_ =	shalt  }
0x5a: {  	_ =	shalt  }
0x5b: {  	_ =	shalt  }
0x5c: {  	_ =	shalt  }
0x5d: {  	_ =	shalt  }
0x5e: {  	_ =	shalt  }
0x5f: {  	_ =	shalt  }
0x60: {  	_ =	shalt  }
0x61: {  	_ =	shalt  }
0x62: {  	_ =	shalt  }
0x63: {  	_ =	shalt  }
0x64: {  	_ =	shalt  }
0x65: {  	_ =	shalt  }
0x66: {  	_ =	shalt  }
0x67: {  	_ =	shalt  }
0x68: {  	_ =	shalt  }
0x69: {  	_ =	shalt  }
0x6a: {  	_ =	shalt  }
0x6b: {  	_ =	shalt  }
0x6c: {  	_ =	shalt  }
0x6d: {  	_ =	shalt  }
0x6e: {  	_ =	shalt  }
0x6f: {  	_ =	shalt  }
0x70: {  	_ =	shalt  }
0x71: {  	_ =	shalt  }
0x72: {  	_ =	shalt  }
0x73: {  	_ =	shalt  }
0x74: {  	_ =	shalt  }
0x75: {  	_ =	shalt  }
0x76: {  	_ =	shalt  }
0x77: {  	_ =	shalt  }
0x78: {  	_ =	shalt  }
0x79: {  	_ =	shalt  }
0x7a: {  	_ =	shalt  }
0x7b: {  	_ =	shalt  }
0x7c: {  	_ =	shalt  }
0x7d: {  	_ =	shalt  }
0x7e: {  	_ =	shalt  }
0x7f: {  	_ =	shalt  }
0x80: {  	_ =	shalt  }
0x81: {  	_ =	shalt  }
0x82: {  	_ =	shalt  }
0x83: {  	_ =	shalt  }
0x84: {  	_ =	shalt  }
0x85: {  	_ =	shalt  }
0x86: {  	_ =	shalt  }
0x87: {  	_ =	shalt  }
.Lfunc_end0:
.L_simem_size_0:
called_computation_lowered:
.L_overlay_start_0:
0x88: {  	s2 =	sld [smem:$0x3FD9]  }
0x89: {  	s3 =	sld [smem:$0x3FFE];
	_ =	sdelay $0x1  }
0x8a: {  	s1 =	srdreg.scid  }
0x8b: {  	s0 =	sand.u32 $0x1, s1  }
0x8c: {  	s14 =	sshll.u32 s0, $0xA;
	s2 =	sadd.s32 s3, s2  }
0x8d: {  	s2 =	sadd.s32 s2, s14  }
0x8e: {  	[smem:$0x3FC0] =	sst s2  }
0x8f: {  	_ = 	snop  }
0x90: {  	s2 =	sld [smem:$0x3FD0];
	_ =	sdelay $0x2  }
0x91: {  	s15 =	simm.s32 $0xB;
	s4 =	simm.s32 $0x10  }
0x92: {  	[smem:s4], [sflag:s15] =	dma.local [hbm:s2], $0x1  }
0x93: {  	_ =	swait.eq [sflag:s15], $0x1  }
0x94: {  	[sflag:s15] =	ssyncset.done $0x0  }
0x95: {  	s16 =	sld [smem:$0x10];
	[sflag:s15] =	ssyncadd.s32 $0xFFFFFFFF  }
0x96: {  	s17 =	sld [smem:$0x11];
	(tm) =	ssettm $0x1  }
0x97: {  	s18 =	sld [smem:$0x3FFB];
	_ =	sdelay $0x3  }
0x98: {  	_ =	strace s18  }
0x99: {  	s4 =	sld [smem:$0x3FFC];
	_ =	sdelay $0x3  }
0x9a: {  	_ =	strace s4  }
0x9b: {  	s4 =	sld [smem:$0x3FFD];
	_ =	sdelay $0x3  }
0x9c: {  	_ =	strace s4  }
0x9d: {  	_ =	strace $0x8FFFFFFF  }
0x9e: {  	s19 =	sld [smem:$0x3FDB];
	_ =	sdelay $0x1  }
0x9f: {  	s5 =	simm.s32 $_scs_section_size  }
0xa0: {  	s6 =	simm.s32 $_size__tile_overlayer_lowered;
	s7 =	simm.s32 $_tile_overlayer_lowered  }
0xa1: {  	s22 =	simm.s32 $0x1BFF;
	s21 =	sshll.u32 s7, $0x1;
	s4 =	sadd.s32 s5, s19  }
0xa2: {  	s8 =	simm.s32 $0x0;
	s20 =	sshll.u32 s6, $0x1;
	s6 =	sadd.s32 s21, s4  }
0xa3: {  	[timem:s8], [sflag:s22] =	dma.local [hbm:s6], s20  }
0xa4: {  	_ =	swait.ge [sflag:s22], s20  }
0xa5: {  	s5 =	ssub.s32 $0x0, s20;
	[sflag:s22] =	ssyncset.done $0x0  }
0xa6: {  	[sflag:s22] =	ssyncadd.s32 s5;
	_ =	sdelay $0x1  }
0xa7: {  	s23 =	simm.s32 $0x1B8B  }
0xa8: {  	_ =	swait.ge [sflag:s23], $0x1  }
0xa9: {  	[sflag:s23] =	ssyncset.done $0x0  }
0xaa: {  	s25 =	simm.s32 $0x1B8E;
	s24 =	sld [smem:$0x3FFE];
	[sflag:s23] =	ssyncadd.s32 $0xFFFFFFFF  }
0xab: {  	s26 =	simm.s32 $execute0_lowered;
	[smem:$0x3FD2] =	sst s25  }
0xac: {  	s6 =	sshll.u32 s26, $0x1;
	_ =	strace $0x80000046;
	[dreg:$0x1] =	wrdreg $0xFFFFFFFF  }
0xad: {  	s28 =	simm.s32 $_size_execute0_lowered;
	s4 =	sadd.s32 s4, s6;
	[dreg:$0x0] =	wrdreg $0x0  }
0xae: {  	s6 =	sshll.u32 s28, $0x1;
	[dreg:$0x2] =	wrdreg s4  }
0xaf: {  	[dreg:$0x3] =	wrdreg s6  }
0xb0: {  	[dreg:$0x4] =	wrdreg $0xC0  }
0xb1: {  	_ =	task [dreg:s8], $0x5FFFF  }
0xb2: {  	[dreg:$0x1] =	wrdreg $0xFFFFFFFF  }
0xb3: {  	[dreg:$0x0] =	wrdreg $0x60  }
0xb4: {  	[dreg:$0x2] =	wrdreg s17  }
0xb5: {  	[dreg:$0x3] =	wrdreg s24  }
0xb6: {  	[dreg:$0x4] =	wrdreg s16  }
0xb7: {  	[dreg:$0x5] =	wrdreg $0x2FD00  }
0xb8: {  	[dreg:$0x6] =	wrdreg $0x9  }
0xb9: {  	_ =	task.clear_ibuf [dreg:s8], $0x7FFFF;
	_ =	strace $0x90000046  }
0xba: {  	s29 =	simm.s32 $0x9;
	_ =	strace $0x80000048  }
0xbb: {  	_ =	swait.ge [sflag:s29], $0x1  }
0xbc: {  	[sflag:s29] =	ssyncadd.s32 $0xFFFFFFFF  }
0xbd: {  	_ =	strace $0x90000048  }
0xbe: {  	_ =	sfence  }
0xbf: {  	s30 =	sld [smem:$0x0];
	_ =	sdelay $0x2  }
0xc0: {  	s31 =	sshll.u32 s1, $0xD;
	s1 =	sshrl.u32 s1, $0x2  }
0xc1: {  	s3 =	sand.u32 $0x4000, s31;
	s1 =	sadd.s32 s1, s30  }
0xc2: {  	s0 =	sor.u32 s3, s0;
	s1 =	sshll.u32 s1, $0x11  }
0xc3: {  	s0 =	sor.u32 s1, s0  }
0xc4: {  	s0 =	sadd.s32 $0x8F2B, s0  }
0xc5: {  	[sflag:s0] =	ssyncadd.remote.s32 $0x1  }
0xc6: {  	_ =	sfence.sel $0xFFFF  }
0xc7: {  	[dreg:$0x0] =	wrdreg $0xFFFFFFFF;
	(pc) =	sbr.abs _section_cstart, $3  }
0xc8: {  	[dreg:$0x1] =	wrdreg $0xFFFFFFFF  }
0xc9: {  	_ =	task.clear_ibuf [dreg:s8], $0x2FFFF;
	_ =	strace $0x9FFFFFFF  }
0xca: {  	(tm) =	ssettm $0x7FFFFFFF  }
0xcb: {  	_ =	shalt  }
tec
execute0_lowered:
.L_overlay_start_1:
0x0: {  	(tag) =	ssettag $0x1  }
0x1: {  	s6 =	rddreg [dreg:$0x0]  }
0x2: {  	s5 =	rddreg [dreg:$0x1]  }
0x3: {  	s7 =	rddreg [dreg:$0x2]  }
0x4: {  	s1 =	rddreg [dreg:$0x3]  }
0x5: {  	s0 =	rddreg [dreg:$0x4];
	s3 =	simm.s32 $0x0;
	s4 =	srdreg.scid  }
0x6: {  	s2 =	stileid.u32;
	s13 =	simm.s32 $0x7D;
	s14 =	simm.s32 $0x0  }
0x7: {  	[smem:$0x7FF] =	sst s3;
	s4 =	sand.u32 $0x1, s4;
	s8 =	sshll.u32 s2, $0x1  }
0x8: {  	s9 =	smul.u32 $0x2800, s2;
	s31 =	sshll.u32 s2, $0x6;
	_ =	strace $0x80000047  }
0x9: {  	s10 =	ssub.s32 $0x2, s4;
	s8 =	sor.u32 s4, s8;
	s11 =	smul.u32 $0x28000, s4  }
0xa: {  	s4 =	sadd.s32 $0x2200, s5;
	s5 =	sadd.s32 $0x2400, s5;
	s12 =	sshrl.u32 s10, $0x1  }
0xb: {  	s8 =	smul.u32 $0x500, s8;
	s29 =	sadd.s32 s9, s1;
	s10 =	ssub.s32 s10, s12  }
0xc: {  	s11 =	sadd.s32 s9, s11;
	s9 =	simm.s32 $0x1;
	s12 =	sshrl.u32 s29, $0x3  }
0xd: {  	s6 =	sadd.s32 s6, s8;
	s30 =	sshrl.u32 s11, $0x3;
	s8 =	smax.u32 s10, $0x1  }
0xe: {  	s10 =	simm.s32 $0x2800;
	s11 =	sor.u32 $0x1C01, s31;
	s7 =	sadd.s32 s7, s30  }
.LBB2_1:
0xf: {  	[tilespmem:s3], [sflag:$0x1] =	stream.linear.gather [hbm4b:s6+s3], $0x2800, $0x38;
	[tilespmem:$0x57D0] =	vst v63  }
0x10: {  	_ =	swait.ge [sflag:s9], $0x2800  }
0x11: {  	[sflag:s9] =	ssyncset.done $0x0  }
0x12: {  	[sflag:s9] =	ssyncadd.s32 $0xFFFFD800  }
0x13: {  	[tilespmem:s10], [sflag:$0x1] =	stream.linear.gather [hbm4b:s4+s3], $0x7D0, $0x38;
	[tilespmem:$0x57D0] =	vst v63  }
0x14: {  	_ =	swait.ge [sflag:s9], $0x7D0  }
0x15: {  	[sflag:s9] =	ssyncset.done $0x0  }
0x16: {  	[sflag:s9] =	ssyncadd.s32 $0xFFFFF830  }
0x17: {  	[spmem:s12], [sflag:s11] =	dma.local [hbm:s5], $0x500  }
0x18: {  	_ =	swait.ge [sflag:s9], $0x500  }
0x19: {  	[sflag:s9] =	ssyncset.done $0x0  }
0x1a: {  	[sflag:s9] =	ssyncadd.s32 $0xFFFFFB00  }
0x1b: {  	s15 =	simm.s32 $0x0;
	[bflag:$0x0] =	sbarrier.arrive $0xFFFF  }
0x1c: {  	[spmem:s1] =	stream.indirect.scatter.add.f32 [tilespmem:s10], [sflag:$0x1], $0x10, s15, s13, $0xb8;
	[tilespmem:$0x57D0] =	vst v63  }
0x1d: {  	_ =	swait.ge [sflag:s9], $0x7D0  }
0x1e: {  	s15 =	simm.s32 $0x200;
	[sflag:s9] =	ssyncset.done $0x0  }
.LBB2_2:
0x1f: {  	s16 =	sshra.s32 s15, $0x2;
	[sflag:s9] =	ssyncadd.s32 $0xFFFFF830;
	p0 =	sne.s32 s15, $0x9E00  }
0x20: {  	[spmem:s1] =	stream.indirect.scatter.add.f32 [tilespmem:s10], [sflag:$0x1], $0x10, s16, s13, $0xb8;
	[tilespmem:$0x57D0] =	vst v63  }
.Ltmp0:
0x21: {  	_ = 	snop;
	(pc) =	sbr.rel @p0 .LBB2_2-.Ltmp0, $4  }
0x22: {  	_ = 	snop  }
0x23: {  	s15 =	sadd.s32 $0x200, s15  }
0x24: {  	_ =	swait.ge [sflag:s9], $0x7D0  }
0x25: {  	[sflag:s9] =	ssyncset.done $0x0  }
0x26: {  	s14 =	sadd.s32 $0x1, s14  }
0x27: {  	[sflag:s9] =	ssyncadd.s32 $0xFFFFF830;
	p0 =	sne.s32 s14, s8  }
.Ltmp1:
0x28: {  	[bflag:$0x0] =	sbarrier.arrive $0xFFFF;
	(pc) =	sbr.rel @p0 .LBB2_1-.Ltmp1, $4  }
0x29: {  	[hbm:s7], [sflag:s11] =	dma.local [spmem:s12], $0x500  }
0x2a: {  	_ =	swait.ge [sflag:s9], $0x500  }
0x2b: {  	[sflag:s9] =	ssyncset.done $0x0  }
0x2c: {  	[sflag:s9] =	ssyncadd.s32 $0xFFFFFB00  }
0x2d: {  	_ =	sfence.sel $0x180000  }
0x2e: {  	[bflag:$0x0] =	sbarrier.arrive $0xFFFF  }
0x2f: {  	p0 =	sne.s32 s2, $0x0;
	_ =	strace $0x90000047  }
0x30: {  	s0 =	sadd.s32 @!p0 $0x100000, s0;
	[bflag:$0x2] =	sbarrier.arrive $0xFFFF  }
0x31: {  	[sflag:s0] =	ssyncadd.tile.s32 @!p0 $0x1;
	_ =	shalt  }
.Lfunc_end2:
_tile_overlayer_lowered:
.L_overlay_start_2:
0x32: {  	(tag) =	ssettag $0x2  }
0x33: {  	s0 =	rddreg [dreg:$0x0];
	s2 =	stileid.u32  }
0x34: {  	s1 =	rddreg [dreg:$0x1];
	p0 =	sne.s32 s2, $0x0  }
0x35: {  	s3 =	rddreg [dreg:$0x2];
	[bflag:$0x3] =	sbarrier.arrive $0xFFFF;
	s2 =	simm.s32 @!p0 $0x1C01  }
0x36: {  	[timem:s3], [sflag:s2] =	dma.local @!p0 [hbm:s0], s1  }
0x37: {  	s0 =	simm.s32 @!p0 $0x1  }
0x38: {  	_ =	swait.ge @!p0 [sflag:s0], s1  }
0x39: {  	s1 =	ssub.s32 @!p0 $0x0, s1;
	[sflag:s0] =	ssyncset.done @!p0 $0x0  }
0x3a: {  	[sflag:s0] =	ssyncadd.s32 @!p0 s1  }
0x3b: {  	[bflag:$0x3] =	sbarrier.arrive $0xFFFF  }
0x3c: {  	_ =	shalt  }

</sc_bundles>
